<compile_context>
chip_gen: v7x
topology: tpu7x:2x2x1
jax: 0.10.2.dev20260603
libtpu: 0.0.44.dev20260713+nightly
codegen_flags: <defaults>
</compile_context>

<pallas_src>
import functools

import jax
import jax.numpy as jnp
from jax import lax
from jax.experimental import pallas as pl
from jax.experimental.pallas import tpu as pltpu
from jax.experimental.pallas import tpu_sc as plsc

LANES = 16
WIDE = 128
NUM_CORES = 2
NUM_SUBCORES = 16
NW = NUM_CORES * NUM_SUBCORES
NBUF = 4


def _sin_table(n_seq, d):
    pos = jnp.arange(n_seq, dtype=jnp.float32)[:, None]
    i = jnp.arange(d, dtype=jnp.float32)[None, :]
    angle = pos / jnp.power(10000.0, 2.0 * i / d)
    even = (jnp.arange(d) % 2 == 0)
    return jnp.where(even[None, :], jnp.sin(angle), jnp.cos(angle))


@functools.partial(jax.jit, static_argnums=(3, 4))
def _run(idx2d, emb_wide, pos_flat, seq, hidden):
    n = idx2d.shape[0] * idx2d.shape[1]
    assert n % NW == 0
    rows_per_w = n // NW
    assert rows_per_w % seq == 0
    seqs_per_w = rows_per_w // seq
    assert seqs_per_w % NBUF == 0 and seqs_per_w >= 2 * NBUF

    mesh = plsc.VectorSubcoreMesh(core_axis_name="c", subcore_axis_name="s")

    @functools.partial(
        pl.kernel,
        out_type=jax.ShapeDtypeStruct((n, WIDE), jnp.float32),
        mesh=mesh,
        scratch_types=(
            [pltpu.VMEM((seq * hidden,), jnp.float32)]
            + [pltpu.VMEM((seq,), jnp.int32) for _ in range(NBUF)]
            + [pltpu.VMEM((seq, WIDE), jnp.float32) for _ in range(NBUF)]
            + [pltpu.SemaphoreType.DMA for _ in range(3 * NBUF)]
        ),
        compiler_params=pltpu.CompilerParams(use_tc_tiling_on_sc=True),
    )
    def k(idx_hbm, emb_hbm, pos_hbm, out_hbm, pos_v, *rest):
        ibufs = rest[:NBUF]
        gbufs = rest[NBUF:2 * NBUF]
        isems = rest[2 * NBUF:3 * NBUF]
        gsems = rest[3 * NBUF:4 * NBUF]
        wsems = rest[4 * NBUF:]
        wid = lax.axis_index("s") * NUM_CORES + lax.axis_index("c")
        base = wid * rows_per_w
        pltpu.sync_copy(pos_hbm, pos_v)

        base_seq = wid * seqs_per_w

        def istage(i, b, start):
            d = pltpu.make_async_copy(
                idx_hbm.at[base_seq + i], ibufs[b], isems[b]
            )
            d.start() if start else d.wait()

        def gather(i, b, start):
            d = pltpu.make_async_copy(
                emb_hbm.at[ibufs[b]], gbufs[b], gsems[b]
            )
            d.start() if start else d.wait()

        def write(i, b, start):
            d = pltpu.make_async_copy(
                gbufs[b], out_hbm.at[pl.ds(base + i * seq, seq)], wsems[b]
            )
            d.start() if start else d.wait()

        for j in range(NBUF):
            istage(j, j, True)
        istage(0, 0, False)
        gather(0, 0, True)
        istage(1, 1, False)
        gather(1, 1, True)

        @pl.loop(0, seqs_per_w, step=NBUF)
        def _group(g):
            for b in range(NBUF):
                i = g + b
                gather(i, b, False)

                @pl.when(i + NBUF < seqs_per_w)
                def _():
                    istage(i + NBUF, b, True)

                @pl.when(i >= 2)
                def _():
                    write(i - 2, (b + 2) % NBUF, False)

                @pl.when(i + 2 < seqs_per_w)
                def _():
                    istage(i + 2, (b + 2) % NBUF, False)
                    gather(i + 2, (b + 2) % NBUF, True)

                @pl.loop(0, seq, unroll=8)
                def _row(r):
                    for c in range(hidden // LANES):
                        plsc.addupdate(
                            gbufs[b].at[r, pl.ds(c * LANES, LANES)],
                            pos_v[pl.ds(r * hidden + c * LANES, LANES)],
                        )

                write(i, b, True)

        write(seqs_per_w - 2, (seqs_per_w - 2) % NBUF, False)
        write(seqs_per_w - 1, (seqs_per_w - 1) % NBUF, False)

    return k(idx2d, emb_wide, pos_flat)


def kernel(inputs, emb):
    b, t = inputs.shape
    d = emb.shape[1]
    pos = _sin_table(t, d)
    emb_wide = jnp.pad(emb, ((0, 0), (0, WIDE - d)))
    out = _run(inputs, emb_wide, pos.reshape(-1), t, d)
    return out[:, :d].reshape(b, t, d)

# --- scband reference (transcript-rebuilt; emitter-appended) ---
"""Pipeline reference for scband-positional-encoding-33852932227812 (READ-ONLY COPY).

The authoritative reference and input builder live on the scoring server;
editing this copy changes nothing except your own understanding.
"""

import jax, jax.numpy as jnp
import numpy as np

VOCAB = 100000
HIDDEN = 64
PAD = 0
BATCH = 4096
SEQ = 200


def _sinusoid_table(n_seq, d):
    pos = jnp.arange(n_seq, dtype=jnp.float32)[:, None]
    i = jnp.arange(d, dtype=jnp.float32)[None, :]
    angle = pos / jnp.power(10000.0, 2.0 * i / d)
    even = (jnp.arange(d) % 2 == 0)
    return jnp.where(even[None, :], jnp.sin(angle), jnp.cos(angle))


def setup_inputs(seed: int = 0):
    key = jax.random.key(seed)
    k1, k2 = jax.random.split(key)
    inputs = jax.random.randint(k1, (BATCH, SEQ), 0, VOCAB, dtype=jnp.int32)
    emb = jax.random.normal(k2, (VOCAB, HIDDEN), dtype=jnp.float32) * 0.02
    emb = emb.at[PAD].set(0.0)  # nn.Embedding padding_idx row is zeroed
    return {"inputs": inputs, "emb": emb}


def reference(inputs, emb):
    # x = self.embedding(inputs)  -> gather rows from table
    x = jnp.take(emb, inputs, axis=0)
    # pos_info = self._get_sinusoid_table(n_seq)  (is_pos_embed=False path)
    pos_info = _sinusoid_table(inputs.shape[1], emb.shape[1])
    # return x + pos_info  (broadcast [B,T,D] + [T,D])
    return x + pos_info[None, :, :]

if __name__ == "__main__":
    import jax
    _d = setup_inputs()
    print(jax.jit(kernel)(*tuple(_d.values())))

</pallas_src>

<mosaic_0001>
#map = affine_map<(d0, d1) -> (0, 0)>
#map1 = affine_map<(d0, d1) -> (0)>
module attributes {stable_mosaic.version = 14 : i64} {
  func.func @k(%arg0: i32, %arg1: i32, %arg2: memref<4096x200xi32, #tpu.memory_space<hbm>>, %arg3: memref<100000x128xf32, #tpu.memory_space<hbm>>, %arg4: memref<12800xf32, #tpu.memory_space<hbm>>, %arg5: memref<819200x128xf32, #tpu.memory_space<hbm>>, %arg6: memref<12800xf32, #tpu.memory_space<vmem>>, %arg7: memref<200xi32, #tpu.memory_space<vmem>>, %arg8: memref<200xi32, #tpu.memory_space<vmem>>, %arg9: memref<200xi32, #tpu.memory_space<vmem>>, %arg10: memref<200xi32, #tpu.memory_space<vmem>>, %arg11: memref<200x128xf32, #tpu.memory_space<vmem>>, %arg12: memref<200x128xf32, #tpu.memory_space<vmem>>, %arg13: memref<200x128xf32, #tpu.memory_space<vmem>>, %arg14: memref<200x128xf32, #tpu.memory_space<vmem>>, %arg15: memref<!tpu.dma_semaphore, #tpu.memory_space<semaphore_mem>>, %arg16: memref<!tpu.dma_semaphore, #tpu.memory_space<semaphore_mem>>, %arg17: memref<!tpu.dma_semaphore, #tpu.memory_space<semaphore_mem>>, %arg18: memref<!tpu.dma_semaphore, #tpu.memory_space<semaphore_mem>>, %arg19: memref<!tpu.dma_semaphore, #tpu.memory_space<semaphore_mem>>, %arg20: memref<!tpu.dma_semaphore, #tpu.memory_space<semaphore_mem>>, %arg21: memref<!tpu.dma_semaphore, #tpu.memory_space<semaphore_mem>>, %arg22: memref<!tpu.dma_semaphore, #tpu.memory_space<semaphore_mem>>, %arg23: memref<!tpu.dma_semaphore, #tpu.memory_space<semaphore_mem>>, %arg24: memref<!tpu.dma_semaphore, #tpu.memory_space<semaphore_mem>>, %arg25: memref<!tpu.dma_semaphore, #tpu.memory_space<semaphore_mem>>, %arg26: memref<!tpu.dma_semaphore, #tpu.memory_space<semaphore_mem>>) attributes {dimension_semantics = [#tpu.dimension_semantics<core_parallel>, #tpu.dimension_semantics<subcore_parallel>], iteration_bounds = array<i64: 2, 16>, scalar_prefetch = 0 : i64, scratch_operands = 21 : i64, tpu.core_type = #tpu.core_type<sc_vector_subcore>, window_params = [{transform_indices = #map}, {transform_indices = #map}, {transform_indices = #map1}, {transform_indices = #map}]} {
    %mul3A = arith.constant 2 : i32
    %mul3A_0 = arith.muli %arg1, %mul3A : i32
    %add3A = arith.addi %mul3A_0, %arg0 : i32
    %mul3A_1 = arith.constant 25600 : i32
    %mul3A_2 = arith.muli %add3A, %mul3A_1 : i32
    "tpu.region"() ({
      %run_scoped3A = tpu.sem_alloc : memref<!tpu.dma_semaphore, #tpu.memory_space<semaphore_mem>>
      tpu.enqueue_dma source(%arg4 : memref<12800xf32, #tpu.memory_space<hbm>>) target(%arg6 : memref<12800xf32, #tpu.memory_space<vmem>>) target_semaphore(%run_scoped3A : memref<!tpu.dma_semaphore, #tpu.memory_space<semaphore_mem>>)
      tpu.wait_dma2 semaphore(%run_scoped3A : memref<!tpu.dma_semaphore, #tpu.memory_space<semaphore_mem>>) src(%arg4 : memref<12800xf32, #tpu.memory_space<hbm>>) dst(%arg6 : memref<12800xf32, #tpu.memory_space<vmem>>)
      tpu.yield
    }) : () -> ()
    %mul3A_3 = arith.constant 128 : i32
    %mul3A_4 = arith.muli %add3A, %mul3A_3 : i32
    %add3A_5 = arith.constant 0 : i32
    %add3A_6 = arith.addi %mul3A_4, %add3A_5 : i32
    %dma_start3A = arith.constant 0 : i32
    %dma_start3A_7 = tpu.memref_slice %arg2[%add3A_6, %dma_start3A] : memref<4096x200xi32, #tpu.memory_space<hbm>> -> memref<1x200xi32, #tpu.memory_space<hbm>>
    %dma_start3A_8 = tpu.memref_squeeze %dma_start3A_7 : memref<1x200xi32, #tpu.memory_space<hbm>> -> memref<200xi32, #tpu.memory_space<hbm>>
    %dma_start3A_9 = arith.constant 0 : i32
    %dma_start3A_10 = tpu.memref_slice %arg2[%add3A_6, %dma_start3A_9] : memref<4096x200xi32, #tpu.memory_space<hbm>> -> memref<1x200xi32, #tpu.memory_space<hbm>>
    %dma_start3A_11 = tpu.memref_squeeze %dma_start3A_10 : memref<1x200xi32, #tpu.memory_space<hbm>> -> memref<200xi32, #tpu.memory_space<hbm>>
    tpu.enqueue_dma source(%dma_start3A_11 : memref<200xi32, #tpu.memory_space<hbm>>) target(%arg7 : memref<200xi32, #tpu.memory_space<vmem>>) target_semaphore(%arg15 : memref<!tpu.dma_semaphore, #tpu.memory_space<semaphore_mem>>)
    %add3A_12 = arith.constant 1 : i32
    %add3A_13 = arith.addi %mul3A_4, %add3A_12 : i32
    %dma_start3A_14 = arith.constant 0 : i32
    %dma_start3A_15 = tpu.memref_slice %arg2[%add3A_13, %dma_start3A_14] : memref<4096x200xi32, #tpu.memory_space<hbm>> -> memref<1x200xi32, #tpu.memory_space<hbm>>
    %dma_start3A_16 = tpu.memref_squeeze %dma_start3A_15 : memref<1x200xi32, #tpu.memory_space<hbm>> -> memref<200xi32, #tpu.memory_space<hbm>>
    %dma_start3A_17 = arith.constant 0 : i32
    %dma_start3A_18 = tpu.memref_slice %arg2[%add3A_13, %dma_start3A_17] : memref<4096x200xi32, #tpu.memory_space<hbm>> -> memref<1x200xi32, #tpu.memory_space<hbm>>
    %dma_start3A_19 = tpu.memref_squeeze %dma_start3A_18 : memref<1x200xi32, #tpu.memory_space<hbm>> -> memref<200xi32, #tpu.memory_space<hbm>>
    tpu.enqueue_dma source(%dma_start3A_19 : memref<200xi32, #tpu.memory_space<hbm>>) target(%arg8 : memref<200xi32, #tpu.memory_space<vmem>>) target_semaphore(%arg16 : memref<!tpu.dma_semaphore, #tpu.memory_space<semaphore_mem>>)
    %add3A_20 = arith.constant 2 : i32
    %add3A_21 = arith.addi %mul3A_4, %add3A_20 : i32
    %dma_start3A_22 = arith.constant 0 : i32
    %dma_start3A_23 = tpu.memref_slice %arg2[%add3A_21, %dma_start3A_22] : memref<4096x200xi32, #tpu.memory_space<hbm>> -> memref<1x200xi32, #tpu.memory_space<hbm>>
    %dma_start3A_24 = tpu.memref_squeeze %dma_start3A_23 : memref<1x200xi32, #tpu.memory_space<hbm>> -> memref<200xi32, #tpu.memory_space<hbm>>
    %dma_start3A_25 = arith.constant 0 : i32
    %dma_start3A_26 = tpu.memref_slice %arg2[%add3A_21, %dma_start3A_25] : memref<4096x200xi32, #tpu.memory_space<hbm>> -> memref<1x200xi32, #tpu.memory_space<hbm>>
    %dma_start3A_27 = tpu.memref_squeeze %dma_start3A_26 : memref<1x200xi32, #tpu.memory_space<hbm>> -> memref<200xi32, #tpu.memory_space<hbm>>
    tpu.enqueue_dma source(%dma_start3A_27 : memref<200xi32, #tpu.memory_space<hbm>>) target(%arg9 : memref<200xi32, #tpu.memory_space<vmem>>) target_semaphore(%arg17 : memref<!tpu.dma_semaphore, #tpu.memory_space<semaphore_mem>>)
    %add3A_28 = arith.constant 3 : i32
    %add3A_29 = arith.addi %mul3A_4, %add3A_28 : i32
    %dma_start3A_30 = arith.constant 0 : i32
    %dma_start3A_31 = tpu.memref_slice %arg2[%add3A_29, %dma_start3A_30] : memref<4096x200xi32, #tpu.memory_space<hbm>> -> memref<1x200xi32, #tpu.memory_space<hbm>>
    %dma_start3A_32 = tpu.memref_squeeze %dma_start3A_31 : memref<1x200xi32, #tpu.memory_space<hbm>> -> memref<200xi32, #tpu.memory_space<hbm>>
    %dma_start3A_33 = arith.constant 0 : i32
    %dma_start3A_34 = tpu.memref_slice %arg2[%add3A_29, %dma_start3A_33] : memref<4096x200xi32, #tpu.memory_space<hbm>> -> memref<1x200xi32, #tpu.memory_space<hbm>>
    %dma_start3A_35 = tpu.memref_squeeze %dma_start3A_34 : memref<1x200xi32, #tpu.memory_space<hbm>> -> memref<200xi32, #tpu.memory_space<hbm>>
    tpu.enqueue_dma source(%dma_start3A_35 : memref<200xi32, #tpu.memory_space<hbm>>) target(%arg10 : memref<200xi32, #tpu.memory_space<vmem>>) target_semaphore(%arg18 : memref<!tpu.dma_semaphore, #tpu.memory_space<semaphore_mem>>)
    %add3A_36 = arith.constant 0 : i32
    %add3A_37 = arith.addi %mul3A_4, %add3A_36 : i32
    %dma_wait3A = arith.constant 0 : i32
    %dma_wait3A_38 = tpu.memref_slice %arg2[%add3A_37, %dma_wait3A] : memref<4096x200xi32, #tpu.memory_space<hbm>> -> memref<1x200xi32, #tpu.memory_space<hbm>>
    %dma_wait3A_39 = tpu.memref_squeeze %dma_wait3A_38 : memref<1x200xi32, #tpu.memory_space<hbm>> -> memref<200xi32, #tpu.memory_space<hbm>>
    %dma_wait3A_40 = arith.constant 0 : i32
    %dma_wait3A_41 = tpu.memref_slice %arg2[%add3A_37, %dma_wait3A_40] : memref<4096x200xi32, #tpu.memory_space<hbm>> -> memref<1x200xi32, #tpu.memory_space<hbm>>
    %dma_wait3A_42 = tpu.memref_squeeze %dma_wait3A_41 : memref<1x200xi32, #tpu.memory_space<hbm>> -> memref<200xi32, #tpu.memory_space<hbm>>
    tpu.wait_dma2 semaphore(%arg15 : memref<!tpu.dma_semaphore, #tpu.memory_space<semaphore_mem>>) src(%dma_wait3A_42 : memref<200xi32, #tpu.memory_space<hbm>>) dst(%arg7 : memref<200xi32, #tpu.memory_space<vmem>>)
    %dma_start3A_43 = arith.constant 0 : i32
    %dma_start3A_44 = arith.constant 0 : i32
    %dma_start3A_45 = tpu.memref_slice %arg3[%dma_start3A_43, %dma_start3A_44] : memref<100000x128xf32, #tpu.memory_space<hbm>> -> memref<100000x128xf32, #tpu.memory_space<hbm>>
    tpu.enqueue_indirect_dma source(%dma_start3A_45 : memref<100000x128xf32, #tpu.memory_space<hbm>>) target(%arg11 : memref<200x128xf32, #tpu.memory_space<vmem>>) offsets(%arg7 : memref<200xi32, #tpu.memory_space<vmem>>) semaphore(%arg19 : memref<!tpu.dma_semaphore, #tpu.memory_space<semaphore_mem>>)
    %add3A_46 = arith.constant 1 : i32
    %add3A_47 = arith.addi %mul3A_4, %add3A_46 : i32
    %dma_wait3A_48 = arith.constant 0 : i32
    %dma_wait3A_49 = tpu.memref_slice %arg2[%add3A_47, %dma_wait3A_48] : memref<4096x200xi32, #tpu.memory_space<hbm>> -> memref<1x200xi32, #tpu.memory_space<hbm>>
    %dma_wait3A_50 = tpu.memref_squeeze %dma_wait3A_49 : memref<1x200xi32, #tpu.memory_space<hbm>> -> memref<200xi32, #tpu.memory_space<hbm>>
    %dma_wait3A_51 = arith.constant 0 : i32
    %dma_wait3A_52 = tpu.memref_slice %arg2[%add3A_47, %dma_wait3A_51] : memref<4096x200xi32, #tpu.memory_space<hbm>> -> memref<1x200xi32, #tpu.memory_space<hbm>>
    %dma_wait3A_53 = tpu.memref_squeeze %dma_wait3A_52 : memref<1x200xi32, #tpu.memory_space<hbm>> -> memref<200xi32, #tpu.memory_space<hbm>>
    tpu.wait_dma2 semaphore(%arg16 : memref<!tpu.dma_semaphore, #tpu.memory_space<semaphore_mem>>) src(%dma_wait3A_53 : memref<200xi32, #tpu.memory_space<hbm>>) dst(%arg8 : memref<200xi32, #tpu.memory_space<vmem>>)
    %dma_start3A_54 = arith.constant 0 : i32
    %dma_start3A_55 = arith.constant 0 : i32
    %dma_start3A_56 = tpu.memref_slice %arg3[%dma_start3A_54, %dma_start3A_55] : memref<100000x128xf32, #tpu.memory_space<hbm>> -> memref<100000x128xf32, #tpu.memory_space<hbm>>
    tpu.enqueue_indirect_dma source(%dma_start3A_56 : memref<100000x128xf32, #tpu.memory_space<hbm>>) target(%arg12 : memref<200x128xf32, #tpu.memory_space<vmem>>) offsets(%arg8 : memref<200xi32, #tpu.memory_space<vmem>>) semaphore(%arg20 : memref<!tpu.dma_semaphore, #tpu.memory_space<semaphore_mem>>)
    %scan3A = arith.constant 0 : i32
    %scan3A_57 = arith.constant 32 : i32
    %scan3A_58 = arith.addi %scan3A, %scan3A_57 : i32
    %scan3A_59 = arith.constant 1 : i32
    scf.for %scan3A_73 = %scan3A to %scan3A_58 step %scan3A_59  : i32 {
      %mul3A_74 = arith.constant 4 : i32
      %mul3A_75 = arith.muli %scan3A_73, %mul3A_74 : i32
      %add3A_76 = arith.constant 0 : i32
      %add3A_77 = arith.addi %add3A_76, %mul3A_75 : i32
      %add3A_78 = arith.constant 0 : i32
      %add3A_79 = arith.addi %add3A_77, %add3A_78 : i32
      %dma_wait3A_80 = arith.constant 0 : i32
      %dma_wait3A_81 = arith.constant 0 : i32
      %dma_wait3A_82 = tpu.memref_slice %arg3[%dma_wait3A_80, %dma_wait3A_81] : memref<100000x128xf32, #tpu.memory_space<hbm>> -> memref<100000x128xf32, #tpu.memory_space<hbm>>
      tpu.wait_indirect_dma semaphore(%arg19 : memref<!tpu.dma_semaphore, #tpu.memory_space<semaphore_mem>>) src(%dma_wait3A_82 : memref<100000x128xf32, #tpu.memory_space<hbm>>) dst(%arg11 : memref<200x128xf32, #tpu.memory_space<vmem>>)
      %add3A_83 = arith.constant 4 : i32
      %add3A_84 = arith.addi %add3A_79, %add3A_83 : i32
      %lt3A = arith.constant 128 : i32
      %lt3A_85 = arith.cmpi slt, %add3A_84, %lt3A : i32
      %convert_element_type3A = arith.extui %lt3A_85 : i1 to i32
      %cond3A = arith.constant 0 : i32
      %cond3A_86 = arith.cmpi ne, %convert_element_type3A, %cond3A : i32
      scf.if %cond3A_86 {
        %add3A_218 = arith.constant 4 : i32
        %add3A_219 = arith.addi %add3A_79, %add3A_218 : i32
        %add3A_220 = arith.addi %mul3A_4, %add3A_219 : i32
        %dma_start3A_221 = arith.constant 0 : i32
        %dma_start3A_222 = tpu.memref_slice %arg2[%add3A_220, %dma_start3A_221] : memref<4096x200xi32, #tpu.memory_space<hbm>> -> memref<1x200xi32, #tpu.memory_space<hbm>>
        %dma_start3A_223 = tpu.memref_squeeze %dma_start3A_222 : memref<1x200xi32, #tpu.memory_space<hbm>> -> memref<200xi32, #tpu.memory_space<hbm>>
        %dma_start3A_224 = arith.constant 0 : i32
        %dma_start3A_225 = tpu.memref_slice %arg2[%add3A_220, %dma_start3A_224] : memref<4096x200xi32, #tpu.memory_space<hbm>> -> memref<1x200xi32, #tpu.memory_space<hbm>>
        %dma_start3A_226 = tpu.memref_squeeze %dma_start3A_225 : memref<1x200xi32, #tpu.memory_space<hbm>> -> memref<200xi32, #tpu.memory_space<hbm>>
        tpu.enqueue_dma source(%dma_start3A_226 : memref<200xi32, #tpu.memory_space<hbm>>) target(%arg7 : memref<200xi32, #tpu.memory_space<vmem>>) target_semaphore(%arg15 : memref<!tpu.dma_semaphore, #tpu.memory_space<semaphore_mem>>)
      } else {
      }
      %ge3A = arith.constant 2 : i32
      %ge3A_87 = arith.cmpi sge, %add3A_79, %ge3A : i32
      %convert_element_type3A_88 = arith.extui %ge3A_87 : i1 to i32
      %cond3A_89 = arith.constant 0 : i32
      %cond3A_90 = arith.cmpi ne, %convert_element_type3A_88, %cond3A_89 : i32
      scf.if %cond3A_90 {
        %sub3A = arith.constant 2 : i32
        %sub3A_218 = arith.subi %add3A_79, %sub3A : i32
        %mul3A_219 = arith.constant 200 : i32
        %mul3A_220 = arith.muli %sub3A_218, %mul3A_219 : i32
        %add3A_221 = arith.addi %mul3A_2, %mul3A_220 : i32
        %dma_wait3A_222 = arith.constant 0 : i32
        %dma_wait3A_223 = tpu.memref_slice %arg5[%add3A_221, %dma_wait3A_222] : memref<819200x128xf32, #tpu.memory_space<hbm>> -> memref<200x128xf32, #tpu.memory_space<hbm>>
        %dma_wait3A_224 = arith.constant 0 : i32
        %dma_wait3A_225 = tpu.memref_slice %arg5[%add3A_221, %dma_wait3A_224] : memref<819200x128xf32, #tpu.memory_space<hbm>> -> memref<200x128xf32, #tpu.memory_space<hbm>>
        tpu.wait_dma2 semaphore(%arg25 : memref<!tpu.dma_semaphore, #tpu.memory_space<semaphore_mem>>) src(%arg13 : memref<200x128xf32, #tpu.memory_space<vmem>>) dst(%dma_wait3A_225 : memref<200x128xf32, #tpu.memory_space<hbm>>)
      } else {
      }
      %add3A_91 = arith.constant 2 : i32
      %add3A_92 = arith.addi %add3A_79, %add3A_91 : i32
      %lt3A_93 = arith.constant 128 : i32
      %lt3A_94 = arith.cmpi slt, %add3A_92, %lt3A_93 : i32
      %convert_element_type3A_95 = arith.extui %lt3A_94 : i1 to i32
      %cond3A_96 = arith.constant 0 : i32
      %cond3A_97 = arith.cmpi ne, %convert_element_type3A_95, %cond3A_96 : i32
      scf.if %cond3A_97 {
        %add3A_218 = arith.constant 2 : i32
        %add3A_219 = arith.addi %add3A_79, %add3A_218 : i32
        %add3A_220 = arith.addi %mul3A_4, %add3A_219 : i32
        %dma_wait3A_221 = arith.constant 0 : i32
        %dma_wait3A_222 = tpu.memref_slice %arg2[%add3A_220, %dma_wait3A_221] : memref<4096x200xi32, #tpu.memory_space<hbm>> -> memref<1x200xi32, #tpu.memory_space<hbm>>
        %dma_wait3A_223 = tpu.memref_squeeze %dma_wait3A_222 : memref<1x200xi32, #tpu.memory_space<hbm>> -> memref<200xi32, #tpu.memory_space<hbm>>
        %dma_wait3A_224 = arith.constant 0 : i32
        %dma_wait3A_225 = tpu.memref_slice %arg2[%add3A_220, %dma_wait3A_224] : memref<4096x200xi32, #tpu.memory_space<hbm>> -> memref<1x200xi32, #tpu.memory_space<hbm>>
        %dma_wait3A_226 = tpu.memref_squeeze %dma_wait3A_225 : memref<1x200xi32, #tpu.memory_space<hbm>> -> memref<200xi32, #tpu.memory_space<hbm>>
        tpu.wait_dma2 semaphore(%arg17 : memref<!tpu.dma_semaphore, #tpu.memory_space<semaphore_mem>>) src(%dma_wait3A_226 : memref<200xi32, #tpu.memory_space<hbm>>) dst(%arg9 : memref<200xi32, #tpu.memory_space<vmem>>)
        %add3A_227 = arith.constant 2 : i32
        %add3A_228 = arith.addi %add3A_79, %add3A_227 : i32
        %dma_start3A_229 = arith.constant 0 : i32
        %dma_start3A_230 = arith.constant 0 : i32
        %dma_start3A_231 = tpu.memref_slice %arg3[%dma_start3A_229, %dma_start3A_230] : memref<100000x128xf32, #tpu.memory_space<hbm>> -> memref<100000x128xf32, #tpu.memory_space<hbm>>
        tpu.enqueue_indirect_dma source(%dma_start3A_231 : memref<100000x128xf32, #tpu.memory_space<hbm>>) target(%arg13 : memref<200x128xf32, #tpu.memory_space<vmem>>) offsets(%arg9 : memref<200xi32, #tpu.memory_space<vmem>>) semaphore(%arg21 : memref<!tpu.dma_semaphore, #tpu.memory_space<semaphore_mem>>)
      } else {
      }
      %scan3A_98 = arith.constant 0 : i32
      %scan3A_99 = arith.constant 200 : i32
      %scan3A_100 = arith.addi %scan3A_98, %scan3A_99 : i32
      %scan3A_101 = arith.constant 8 : i32
      scf.for %scan3A_218 = %scan3A_98 to %scan3A_100 step %scan3A_101  : i32 {
        %mul3A_219 = arith.constant 1 : i32
        %mul3A_220 = arith.muli %scan3A_218, %mul3A_219 : i32
        %add3A_221 = arith.constant 0 : i32
        %add3A_222 = arith.addi %add3A_221, %mul3A_220 : i32
        %mul3A_223 = arith.constant 64 : i32
        %mul3A_224 = arith.muli %add3A_222, %mul3A_223 : i32
        %add3A_225 = arith.constant 0 : i32
        %add3A_226 = arith.addi %mul3A_224, %add3A_225 : i32
        %get3A = arith.index_cast %add3A_226 : i32 to index
        %get3A_227 = tpu.vector_load %arg6[%get3A] {strides = array<i32>} : memref<12800xf32, #tpu.memory_space<vmem>>, vector<16xf32>,
        %get3A_228 = vector.shape_cast %get3A_227 : vector<16xf32> to vector<16xf32>
        %swap3A = arith.index_cast %add3A_222 : i32 to index
        %swap3A_229 = arith.constant 0 : index
        %swap3A_230 = tpu.vector_load %arg11[%swap3A, %swap3A_229] {strides = array<i32>} : memref<200x128xf32, #tpu.memory_space<vmem>>, vector<1x16xf32>,
        %swap3A_231 = vector.shape_cast %swap3A_230 : vector<1x16xf32> to vector<16xf32>
        %swap3A_232 = vector.shape_cast %get3A_228 : vector<16xf32> to vector<1x16xf32>
        tpu.vector_store %arg11[%swap3A, %swap3A_229], %swap3A_232 {add = true, strides = array<i32>} : memref<200x128xf32, #tpu.memory_space<vmem>>, vector<1x16xf32>,
        %mul3A_233 = arith.constant 64 : i32
        %mul3A_234 = arith.muli %add3A_222, %mul3A_233 : i32
        %add3A_235 = arith.constant 16 : i32
        %add3A_236 = arith.addi %mul3A_234, %add3A_235 : i32
        %get3A_237 = arith.index_cast %add3A_236 : i32 to index
        %get3A_238 = tpu.vector_load %arg6[%get3A_237] {strides = array<i32>} : memref<12800xf32, #tpu.memory_space<vmem>>, vector<16xf32>,
        %get3A_239 = vector.shape_cast %get3A_238 : vector<16xf32> to vector<16xf32>
        %swap3A_240 = arith.index_cast %add3A_222 : i32 to index
        %swap3A_241 = arith.constant 16 : index
        %swap3A_242 = tpu.vector_load %arg11[%swap3A_240, %swap3A_241] {strides = array<i32>} : memref<200x128xf32, #tpu.memory_space<vmem>>, vector<1x16xf32>,
        %swap3A_243 = vector.shape_cast %swap3A_242 : vector<1x16xf32> to vector<16xf32>
        %swap3A_244 = vector.shape_cast %get3A_239 : vector<16xf32> to vector<1x16xf32>
        tpu.vector_store %arg11[%swap3A_240, %swap3A_241], %swap3A_244 {add = true, strides = array<i32>} : memref<200x128xf32, #tpu.memory_space<vmem>>, vector<1x16xf32>,
        %mul3A_245 = arith.constant 64 : i32
        %mul3A_246 = arith.muli %add3A_222, %mul3A_245 : i32
        %add3A_247 = arith.constant 32 : i32
        %add3A_248 = arith.addi %mul3A_246, %add3A_247 : i32
        %get3A_249 = arith.index_cast %add3A_248 : i32 to index
        %get3A_250 = tpu.vector_load %arg6[%get3A_249] {strides = array<i32>} : memref<12800xf32, #tpu.memory_space<vmem>>, vector<16xf32>,
        %get3A_251 = vector.shape_cast %get3A_250 : vector<16xf32> to vector<16xf32>
        %swap3A_252 = arith.index_cast %add3A_222 : i32 to index
        %swap3A_253 = arith.constant 32 : index
        %swap3A_254 = tpu.vector_load %arg11[%swap3A_252, %swap3A_253] {strides = array<i32>} : memref<200x128xf32, #tpu.memory_space<vmem>>, vector<1x16xf32>,
        %swap3A_255 = vector.shape_cast %swap3A_254 : vector<1x16xf32> to vector<16xf32>
        %swap3A_256 = vector.shape_cast %get3A_251 : vector<16xf32> to vector<1x16xf32>
        tpu.vector_store %arg11[%swap3A_252, %swap3A_253], %swap3A_256 {add = true, strides = array<i32>} : memref<200x128xf32, #tpu.memory_space<vmem>>, vector<1x16xf32>,
        %mul3A_257 = arith.constant 64 : i32
        %mul3A_258 = arith.muli %add3A_222, %mul3A_257 : i32
        %add3A_259 = arith.constant 48 : i32
        %add3A_260 = arith.addi %mul3A_258, %add3A_259 : i32
        %get3A_261 = arith.index_cast %add3A_260 : i32 to index
        %get3A_262 = tpu.vector_load %arg6[%get3A_261] {strides = array<i32>} : memref<12800xf32, #tpu.memory_space<vmem>>, vector<16xf32>,
        %get3A_263 = vector.shape_cast %get3A_262 : vector<16xf32> to vector<16xf32>
        %swap3A_264 = arith.index_cast %add3A_222 : i32 to index
        %swap3A_265 = arith.constant 48 : index
        %swap3A_266 = tpu.vector_load %arg11[%swap3A_264, %swap3A_265] {strides = array<i32>} : memref<200x128xf32, #tpu.memory_space<vmem>>, vector<1x16xf32>,
        %swap3A_267 = vector.shape_cast %swap3A_266 : vector<1x16xf32> to vector<16xf32>
        %swap3A_268 = vector.shape_cast %get3A_263 : vector<16xf32> to vector<1x16xf32>
        tpu.vector_store %arg11[%swap3A_264, %swap3A_265], %swap3A_268 {add = true, strides = array<i32>} : memref<200x128xf32, #tpu.memory_space<vmem>>, vector<1x16xf32>,
        %scan3A_269 = arith.constant 1 : i32
        %scan3A_270 = arith.addi %scan3A_218, %scan3A_269 : i32
        %mul3A_271 = arith.constant 1 : i32
        %mul3A_272 = arith.muli %scan3A_270, %mul3A_271 : i32
        %add3A_273 = arith.constant 0 : i32
        %add3A_274 = arith.addi %add3A_273, %mul3A_272 : i32
        %mul3A_275 = arith.constant 64 : i32
        %mul3A_276 = arith.muli %add3A_274, %mul3A_275 : i32
        %add3A_277 = arith.constant 0 : i32
        %add3A_278 = arith.addi %mul3A_276, %add3A_277 : i32
        %get3A_279 = arith.index_cast %add3A_278 : i32 to index
        %get3A_280 = tpu.vector_load %arg6[%get3A_279] {strides = array<i32>} : memref<12800xf32, #tpu.memory_space<vmem>>, vector<16xf32>,
        %get3A_281 = vector.shape_cast %get3A_280 : vector<16xf32> to vector<16xf32>
        %swap3A_282 = arith.index_cast %add3A_274 : i32 to index
        %swap3A_283 = arith.constant 0 : index
        %swap3A_284 = tpu.vector_load %arg11[%swap3A_282, %swap3A_283] {strides = array<i32>} : memref<200x128xf32, #tpu.memory_space<vmem>>, vector<1x16xf32>,
        %swap3A_285 = vector.shape_cast %swap3A_284 : vector<1x16xf32> to vector<16xf32>
        %swap3A_286 = vector.shape_cast %get3A_281 : vector<16xf32> to vector<1x16xf32>
        tpu.vector_store %arg11[%swap3A_282, %swap3A_283], %swap3A_286 {add = true, strides = array<i32>} : memref<200x128xf32, #tpu.memory_space<vmem>>, vector<1x16xf32>,
        %mul3A_287 = arith.constant 64 : i32
        %mul3A_288 = arith.muli %add3A_274, %mul3A_287 : i32
        %add3A_289 = arith.constant 16 : i32
        %add3A_290 = arith.addi %mul3A_288, %add3A_289 : i32
        %get3A_291 = arith.index_cast %add3A_290 : i32 to index
        %get3A_292 = tpu.vector_load %arg6[%get3A_291] {strides = array<i32>} : memref<12800xf32, #tpu.memory_space<vmem>>, vector<16xf32>,
        %get3A_293 = vector.shape_cast %get3A_292 : vector<16xf32> to vector<16xf32>
        %swap3A_294 = arith.index_cast %add3A_274 : i32 to index
        %swap3A_295 = arith.constant 16 : index
        %swap3A_296 = tpu.vector_load %arg11[%swap3A_294, %swap3A_295] {strides = array<i32>} : memref<200x128xf32, #tpu.memory_space<vmem>>, vector<1x16xf32>,
        %swap3A_297 = vector.shape_cast %swap3A_296 : vector<1x16xf32> to vector<16xf32>
        %swap3A_298 = vector.shape_cast %get3A_293 : vector<16xf32> to vector<1x16xf32>
        tpu.vector_store %arg11[%swap3A_294, %swap3A_295], %swap3A_298 {add = true, strides = array<i32>} : memref<200x128xf32, #tpu.memory_space<vmem>>, vector<1x16xf32>,
        %mul3A_299 = arith.constant 64 : i32
        %mul3A_300 = arith.muli %add3A_274, %mul3A_299 : i32
        %add3A_301 = arith.constant 32 : i32
        %add3A_302 = arith.addi %mul3A_300, %add3A_301 : i32
        %get3A_303 = arith.index_cast %add3A_302 : i32 to index
        %get3A_304 = tpu.vector_load %arg6[%get3A_303] {strides = array<i32>} : memref<12800xf32, #tpu.memory_space<vmem>>, vector<16xf32>,
        %get3A_305 = vector.shape_cast %get3A_304 : vector<16xf32> to vector<16xf32>
        %swap3A_306 = arith.index_cast %add3A_274 : i32 to index
        %swap3A_307 = arith.constant 32 : index
        %swap3A_308 = tpu.vector_load %arg11[%swap3A_306, %swap3A_307] {strides = array<i32>} : memref<200x128xf32, #tpu.memory_space<vmem>>, vector<1x16xf32>,
        %swap3A_309 = vector.shape_cast %swap3A_308 : vector<1x16xf32> to vector<16xf32>
        %swap3A_310 = vector.shape_cast %get3A_305 : vector<16xf32> to vector<1x16xf32>
        tpu.vector_store %arg11[%swap3A_306, %swap3A_307], %swap3A_310 {add = true, strides = array<i32>} : memref<200x128xf32, #tpu.memory_space<vmem>>, vector<1x16xf32>,
        %mul3A_311 = arith.constant 64 : i32
        %mul3A_312 = arith.muli %add3A_274, %mul3A_311 : i32
        %add3A_313 = arith.constant 48 : i32
        %add3A_314 = arith.addi %mul3A_312, %add3A_313 : i32
        %get3A_315 = arith.index_cast %add3A_314 : i32 to index
        %get3A_316 = tpu.vector_load %arg6[%get3A_315] {strides = array<i32>} : memref<12800xf32, #tpu.memory_space<vmem>>, vector<16xf32>,
        %get3A_317 = vector.shape_cast %get3A_316 : vector<16xf32> to vector<16xf32>
        %swap3A_318 = arith.index_cast %add3A_274 : i32 to index
        %swap3A_319 = arith.constant 48 : index
        %swap3A_320 = tpu.vector_load %arg11[%swap3A_318, %swap3A_319] {strides = array<i32>} : memref<200x128xf32, #tpu.memory_space<vmem>>, vector<1x16xf32>,
        %swap3A_321 = vector.shape_cast %swap3A_320 : vector<1x16xf32> to vector<16xf32>
        %swap3A_322 = vector.shape_cast %get3A_317 : vector<16xf32> to vector<1x16xf32>
        tpu.vector_store %arg11[%swap3A_318, %swap3A_319], %swap3A_322 {add = true, strides = array<i32>} : memref<200x128xf32, #tpu.memory_space<vmem>>, vector<1x16xf32>,
        %scan3A_323 = arith.constant 2 : i32
        %scan3A_324 = arith.addi %scan3A_218, %scan3A_323 : i32
        %mul3A_325 = arith.constant 1 : i32
        %mul3A_326 = arith.muli %scan3A_324, %mul3A_325 : i32
        %add3A_327 = arith.constant 0 : i32
        %add3A_328 = arith.addi %add3A_327, %mul3A_326 : i32
        %mul3A_329 = arith.constant 64 : i32
        %mul3A_330 = arith.muli %add3A_328, %mul3A_329 : i32
        %add3A_331 = arith.constant 0 : i32
        %add3A_332 = arith.addi %mul3A_330, %add3A_331 : i32
        %get3A_333 = arith.index_cast %add3A_332 : i32 to index
        %get3A_334 = tpu.vector_load %arg6[%get3A_333] {strides = array<i32>} : memref<12800xf32, #tpu.memory_space<vmem>>, vector<16xf32>,
        %get3A_335 = vector.shape_cast %get3A_334 : vector<16xf32> to vector<16xf32>
        %swap3A_336 = arith.index_cast %add3A_328 : i32 to index
        %swap3A_337 = arith.constant 0 : index
        %swap3A_338 = tpu.vector_load %arg11[%swap3A_336, %swap3A_337] {strides = array<i32>} : memref<200x128xf32, #tpu.memory_space<vmem>>, vector<1x16xf32>,
        %swap3A_339 = vector.shape_cast %swap3A_338 : vector<1x16xf32> to vector<16xf32>
        %swap3A_340 = vector.shape_cast %get3A_335 : vector<16xf32> to vector<1x16xf32>
        tpu.vector_store %arg11[%swap3A_336, %swap3A_337], %swap3A_340 {add = true, strides = array<i32>} : memref<200x128xf32, #tpu.memory_space<vmem>>, vector<1x16xf32>,
        %mul3A_341 = arith.constant 64 : i32
        %mul3A_342 = arith.muli %add3A_328, %mul3A_341 : i32
        %add3A_343 = arith.constant 16 : i32
        %add3A_344 = arith.addi %mul3A_342, %add3A_343 : i32
        %get3A_345 = arith.index_cast %add3A_344 : i32 to index
        %get3A_346 = tpu.vector_load %arg6[%get3A_345] {strides = array<i32>} : memref<12800xf32, #tpu.memory_space<vmem>>, vector<16xf32>,
        %get3A_347 = vector.shape_cast %get3A_346 : vector<16xf32> to vector<16xf32>
        %swap3A_348 = arith.index_cast %add3A_328 : i32 to index
        %swap3A_349 = arith.constant 16 : index
        %swap3A_350 = tpu.vector_load %arg11[%swap3A_348, %swap3A_349] {strides = array<i32>} : memref<200x128xf32, #tpu.memory_space<vmem>>, vector<1x16xf32>,
        %swap3A_351 = vector.shape_cast %swap3A_350 : vector<1x16xf32> to vector<16xf32>
        %swap3A_352 = vector.shape_cast %get3A_347 : vector<16xf32> to vector<1x16xf32>
        tpu.vector_store %arg11[%swap3A_348, %swap3A_349], %swap3A_352 {add = true, strides = array<i32>} : memref<200x128xf32, #tpu.memory_space<vmem>>, vector<1x16xf32>,
        %mul3A_353 = arith.constant 64 : i32
        %mul3A_354 = arith.muli %add3A_328, %mul3A_353 : i32
        %add3A_355 = arith.constant 32 : i32
        %add3A_356 = arith.addi %mul3A_354, %add3A_355 : i32
        %get3A_357 = arith.index_cast %add3A_356 : i32 to index
        %get3A_358 = tpu.vector_load %arg6[%get3A_357] {strides = array<i32>} : memref<12800xf32, #tpu.memory_space<vmem>>, vector<16xf32>,
        %get3A_359 = vector.shape_cast %get3A_358 : vector<16xf32> to vector<16xf32>
        %swap3A_360 = arith.index_cast %add3A_328 : i32 to index
        %swap3A_361 = arith.constant 32 : index
        %swap3A_362 = tpu.vector_load %arg11[%swap3A_360, %swap3A_361] {strides = array<i32>} : memref<200x128xf32, #tpu.memory_space<vmem>>, vector<1x16xf32>,
        %swap3A_363 = vector.shape_cast %swap3A_362 : vector<1x16xf32> to vector<16xf32>
        %swap3A_364 = vector.shape_cast %get3A_359 : vector<16xf32> to vector<1x16xf32>
        tpu.vector_store %arg11[%swap3A_360, %swap3A_361], %swap3A_364 {add = true, strides = array<i32>} : memref<200x128xf32, #tpu.memory_space<vmem>>, vector<1x16xf32>,
        %mul3A_365 = arith.constant 64 : i32
        %mul3A_366 = arith.muli %add3A_328, %mul3A_365 : i32
        %add3A_367 = arith.constant 48 : i32
        %add3A_368 = arith.addi %mul3A_366, %add3A_367 : i32
        %get3A_369 = arith.index_cast %add3A_368 : i32 to index
        %get3A_370 = tpu.vector_load %arg6[%get3A_369] {strides = array<i32>} : memref<12800xf32, #tpu.memory_space<vmem>>, vector<16xf32>,
        %get3A_371 = vector.shape_cast %get3A_370 : vector<16xf32> to vector<16xf32>
        %swap3A_372 = arith.index_cast %add3A_328 : i32 to index
        %swap3A_373 = arith.constant 48 : index
        %swap3A_374 = tpu.vector_load %arg11[%swap3A_372, %swap3A_373] {strides = array<i32>} : memref<200x128xf32, #tpu.memory_space<vmem>>, vector<1x16xf32>,
        %swap3A_375 = vector.shape_cast %swap3A_374 : vector<1x16xf32> to vector<16xf32>
        %swap3A_376 = vector.shape_cast %get3A_371 : vector<16xf32> to vector<1x16xf32>
        tpu.vector_store %arg11[%swap3A_372, %swap3A_373], %swap3A_376 {add = true, strides = array<i32>} : memref<200x128xf32, #tpu.memory_space<vmem>>, vector<1x16xf32>,
        %scan3A_377 = arith.constant 3 : i32
        %scan3A_378 = arith.addi %scan3A_218, %scan3A_377 : i32
        %mul3A_379 = arith.constant 1 : i32
        %mul3A_380 = arith.muli %scan3A_378, %mul3A_379 : i32
        %add3A_381 = arith.constant 0 : i32
        %add3A_382 = arith.addi %add3A_381, %mul3A_380 : i32
        %mul3A_383 = arith.constant 64 : i32
        %mul3A_384 = arith.muli %add3A_382, %mul3A_383 : i32
        %add3A_385 = arith.constant 0 : i32
        %add3A_386 = arith.addi %mul3A_384, %add3A_385 : i32
        %get3A_387 = arith.index_cast %add3A_386 : i32 to index
        %get3A_388 = tpu.vector_load %arg6[%get3A_387] {strides = array<i32>} : memref<12800xf32, #tpu.memory_space<vmem>>, vector<16xf32>,
        %get3A_389 = vector.shape_cast %get3A_388 : vector<16xf32> to vector<16xf32>
        %swap3A_390 = arith.index_cast %add3A_382 : i32 to index
        %swap3A_391 = arith.constant 0 : index
        %swap3A_392 = tpu.vector_load %arg11[%swap3A_390, %swap3A_391] {strides = array<i32>} : memref<200x128xf32, #tpu.memory_space<vmem>>, vector<1x16xf32>,
        %swap3A_393 = vector.shape_cast %swap3A_392 : vector<1x16xf32> to vector<16xf32>
        %swap3A_394 = vector.shape_cast %get3A_389 : vector<16xf32> to vector<1x16xf32>
        tpu.vector_store %arg11[%swap3A_390, %swap3A_391], %swap3A_394 {add = true, strides = array<i32>} : memref<200x128xf32, #tpu.memory_space<vmem>>, vector<1x16xf32>,
        %mul3A_395 = arith.constant 64 : i32
        %mul3A_396 = arith.muli %add3A_382, %mul3A_395 : i32
        %add3A_397 = arith.constant 16 : i32
        %add3A_398 = arith.addi %mul3A_396, %add3A_397 : i32
        %get3A_399 = arith.index_cast %add3A_398 : i32 to index
        %get3A_400 = tpu.vector_load %arg6[%get3A_399] {strides = array<i32>} : memref<12800xf32, #tpu.memory_space<vmem>>, vector<16xf32>,
        %get3A_401 = vector.shape_cast %get3A_400 : vector<16xf32> to vector<16xf32>
        %swap3A_402 = arith.index_cast %add3A_382 : i32 to index
        %swap3A_403 = arith.constant 16 : index
        %swap3A_404 = tpu.vector_load %arg11[%swap3A_402, %swap3A_403] {strides = array<i32>} : memref<200x128xf32, #tpu.memory_space<vmem>>, vector<1x16xf32>,
        %swap3A_405 = vector.shape_cast %swap3A_404 : vector<1x16xf32> to vector<16xf32>
        %swap3A_406 = vector.shape_cast %get3A_401 : vector<16xf32> to vector<1x16xf32>
        tpu.vector_store %arg11[%swap3A_402, %swap3A_403], %swap3A_406 {add = true, strides = array<i32>} : memref<200x128xf32, #tpu.memory_space<vmem>>, vector<1x16xf32>,
        %mul3A_407 = arith.constant 64 : i32
        %mul3A_408 = arith.muli %add3A_382, %mul3A_407 : i32
        %add3A_409 = arith.constant 32 : i32
        %add3A_410 = arith.addi %mul3A_408, %add3A_409 : i32
        %get3A_411 = arith.index_cast %add3A_410 : i32 to index
        %get3A_412 = tpu.vector_load %arg6[%get3A_411] {strides = array<i32>} : memref<12800xf32, #tpu.memory_space<vmem>>, vector<16xf32>,
        %get3A_413 = vector.shape_cast %get3A_412 : vector<16xf32> to vector<16xf32>
        %swap3A_414 = arith.index_cast %add3A_382 : i32 to index
        %swap3A_415 = arith.constant 32 : index
        %swap3A_416 = tpu.vector_load %arg11[%swap3A_414, %swap3A_415] {strides = array<i32>} : memref<200x128xf32, #tpu.memory_space<vmem>>, vector<1x16xf32>,
        %swap3A_417 = vector.shape_cast %swap3A_416 : vector<1x16xf32> to vector<16xf32>
        %swap3A_418 = vector.shape_cast %get3A_413 : vector<16xf32> to vector<1x16xf32>
        tpu.vector_store %arg11[%swap3A_414, %swap3A_415], %swap3A_418 {add = true, strides = array<i32>} : memref<200x128xf32, #tpu.memory_space<vmem>>, vector<1x16xf32>,
        %mul3A_419 = arith.constant 64 : i32
        %mul3A_420 = arith.muli %add3A_382, %mul3A_419 : i32
        %add3A_421 = arith.constant 48 : i32
        %add3A_422 = arith.addi %mul3A_420, %add3A_421 : i32
        %get3A_423 = arith.index_cast %add3A_422 : i32 to index
        %get3A_424 = tpu.vector_load %arg6[%get3A_423] {strides = array<i32>} : memref<12800xf32, #tpu.memory_space<vmem>>, vector<16xf32>,
        %get3A_425 = vector.shape_cast %get3A_424 : vector<16xf32> to vector<16xf32>
        %swap3A_426 = arith.index_cast %add3A_382 : i32 to index
        %swap3A_427 = arith.constant 48 : index
        %swap3A_428 = tpu.vector_load %arg11[%swap3A_426, %swap3A_427] {strides = array<i32>} : memref<200x128xf32, #tpu.memory_space<vmem>>, vector<1x16xf32>,
        %swap3A_429 = vector.shape_cast %swap3A_428 : vector<1x16xf32> to vector<16xf32>
        %swap3A_430 = vector.shape_cast %get3A_425 : vector<16xf32> to vector<1x16xf32>
        tpu.vector_store %arg11[%swap3A_426, %swap3A_427], %swap3A_430 {add = true, strides = array<i32>} : memref<200x128xf32, #tpu.memory_space<vmem>>, vector<1x16xf32>,
        %scan3A_431 = arith.constant 4 : i32
        %scan3A_432 = arith.addi %scan3A_218, %scan3A_431 : i32
        %mul3A_433 = arith.constant 1 : i32
        %mul3A_434 = arith.muli %scan3A_432, %mul3A_433 : i32
        %add3A_435 = arith.constant 0 : i32
        %add3A_436 = arith.addi %add3A_435, %mul3A_434 : i32
        %mul3A_437 = arith.constant 64 : i32
        %mul3A_438 = arith.muli %add3A_436, %mul3A_437 : i32
        %add3A_439 = arith.constant 0 : i32
        %add3A_440 = arith.addi %mul3A_438, %add3A_439 : i32
        %get3A_441 = arith.index_cast %add3A_440 : i32 to index
        %get3A_442 = tpu.vector_load %arg6[%get3A_441] {strides = array<i32>} : memref<12800xf32, #tpu.memory_space<vmem>>, vector<16xf32>,
        %get3A_443 = vector.shape_cast %get3A_442 : vector<16xf32> to vector<16xf32>
        %swap3A_444 = arith.index_cast %add3A_436 : i32 to index
        %swap3A_445 = arith.constant 0 : index
        %swap3A_446 = tpu.vector_load %arg11[%swap3A_444, %swap3A_445] {strides = array<i32>} : memref<200x128xf32, #tpu.memory_space<vmem>>, vector<1x16xf32>,
        %swap3A_447 = vector.shape_cast %swap3A_446 : vector<1x16xf32> to vector<16xf32>
        %swap3A_448 = vector.shape_cast %get3A_443 : vector<16xf32> to vector<1x16xf32>
        tpu.vector_store %arg11[%swap3A_444, %swap3A_445], %swap3A_448 {add = true, strides = array<i32>} : memref<200x128xf32, #tpu.memory_space<vmem>>, vector<1x16xf32>,
        %mul3A_449 = arith.constant 64 : i32
        %mul3A_450 = arith.muli %add3A_436, %mul3A_449 : i32
        %add3A_451 = arith.constant 16 : i32
        %add3A_452 = arith.addi %mul3A_450, %add3A_451 : i32
        %get3A_453 = arith.index_cast %add3A_452 : i32 to index
        %get3A_454 = tpu.vector_load %arg6[%get3A_453] {strides = array<i32>} : memref<12800xf32, #tpu.memory_space<vmem>>, vector<16xf32>,
        %get3A_455 = vector.shape_cast %get3A_454 : vector<16xf32> to vector<16xf32>
        %swap3A_456 = arith.index_cast %add3A_436 : i32 to index
        %swap3A_457 = arith.constant 16 : index
        %swap3A_458 = tpu.vector_load %arg11[%swap3A_456, %swap3A_457] {strides = array<i32>} : memref<200x128xf32, #tpu.memory_space<vmem>>, vector<1x16xf32>,
        %swap3A_459 = vector.shape_cast %swap3A_458 : vector<1x16xf32> to vector<16xf32>
        %swap3A_460 = vector.shape_cast %get3A_455 : vector<16xf32> to vector<1x16xf32>
        tpu.vector_store %arg11[%swap3A_456, %swap3A_457], %swap3A_460 {add = true, strides = array<i32>} : memref<200x128xf32, #tpu.memory_space<vmem>>, vector<1x16xf32>,
        %mul3A_461 = arith.constant 64 : i32
        %mul3A_462 = arith.muli %add3A_436, %mul3A_461 : i32
        %add3A_463 = arith.constant 32 : i32
        %add3A_464 = arith.addi %mul3A_462, %add3A_463 : i32
        %get3A_465 = arith.index_cast %add3A_464 : i32 to index
        %get3A_466 = tpu.vector_load %arg6[%get3A_465] {strides = array<i32>} : memref<12800xf32, #tpu.memory_space<vmem>>, vector<16xf32>,
        %get3A_467 = vector.shape_cast %get3A_466 : vector<16xf32> to vector<16xf32>
        %swap3A_468 = arith.index_cast %add3A_436 : i32 to index
        %swap3A_469 = arith.constant 32 : index
        %swap3A_470 = tpu.vector_load %arg11[%swap3A_468, %swap3A_469] {strides = array<i32>} : memref<200x128xf32, #tpu.memory_space<vmem>>, vector<1x16xf32>,
        %swap3A_471 = vector.shape_cast %swap3A_470 : vector<1x16xf32> to vector<16xf32>
        %swap3A_472 = vector.shape_cast %get3A_467 : vector<16xf32> to vector<1x16xf32>
        tpu.vector_store %arg11[%swap3A_468, %swap3A_469], %swap3A_472 {add = true, strides = array<i32>} : memref<200x128xf32, #tpu.memory_space<vmem>>, vector<1x16xf32>,
        %mul3A_473 = arith.constant 64 : i32
        %mul3A_474 = arith.muli %add3A_436, %mul3A_473 : i32
        %add3A_475 = arith.constant 48 : i32
        %add3A_476 = arith.addi %mul3A_474, %add3A_475 : i32
        %get3A_477 = arith.index_cast %add3A_476 : i32 to index
        %get3A_478 = tpu.vector_load %arg6[%get3A_477] {strides = array<i32>} : memref<12800xf32, #tpu.memory_space<vmem>>, vector<16xf32>,
        %get3A_479 = vector.shape_cast %get3A_478 : vector<16xf32> to vector<16xf32>
        %swap3A_480 = arith.index_cast %add3A_436 : i32 to index
        %swap3A_481 = arith.constant 48 : index
        %swap3A_482 = tpu.vector_load %arg11[%swap3A_480, %swap3A_481] {strides = array<i32>} : memref<200x128xf32, #tpu.memory_space<vmem>>, vector<1x16xf32>,
        %swap3A_483 = vector.shape_cast %swap3A_482 : vector<1x16xf32> to vector<16xf32>
        %swap3A_484 = vector.shape_cast %get3A_479 : vector<16xf32> to vector<1x16xf32>
        tpu.vector_store %arg11[%swap3A_480, %swap3A_481], %swap3A_484 {add = true, strides = array<i32>} : memref<200x128xf32, #tpu.memory_space<vmem>>, vector<1x16xf32>,
        %scan3A_485 = arith.constant 5 : i32
        %scan3A_486 = arith.addi %scan3A_218, %scan3A_485 : i32
        %mul3A_487 = arith.constant 1 : i32
        %mul3A_488 = arith.muli %scan3A_486, %mul3A_487 : i32
        %add3A_489 = arith.constant 0 : i32
        %add3A_490 = arith.addi %add3A_489, %mul3A_488 : i32
        %mul3A_491 = arith.constant 64 : i32
        %mul3A_492 = arith.muli %add3A_490, %mul3A_491 : i32
        %add3A_493 = arith.constant 0 : i32
        %add3A_494 = arith.addi %mul3A_492, %add3A_493 : i32
        %get3A_495 = arith.index_cast %add3A_494 : i32 to index
        %get3A_496 = tpu.vector_load %arg6[%get3A_495] {strides = array<i32>} : memref<12800xf32, #tpu.memory_space<vmem>>, vector<16xf32>,
        %get3A_497 = vector.shape_cast %get3A_496 : vector<16xf32> to vector<16xf32>
        %swap3A_498 = arith.index_cast %add3A_490 : i32 to index
        %swap3A_499 = arith.constant 0 : index
        %swap3A_500 = tpu.vector_load %arg11[%swap3A_498, %swap3A_499] {strides = array<i32>} : memref<200x128xf32, #tpu.memory_space<vmem>>, vector<1x16xf32>,
        %swap3A_501 = vector.shape_cast %swap3A_500 : vector<1x16xf32> to vector<16xf32>
        %swap3A_502 = vector.shape_cast %get3A_497 : vector<16xf32> to vector<1x16xf32>
        tpu.vector_store %arg11[%swap3A_498, %swap3A_499], %swap3A_502 {add = true, strides = array<i32>} : memref<200x128xf32, #tpu.memory_space<vmem>>, vector<1x16xf32>,
        %mul3A_503 = arith.constant 64 : i32
        %mul3A_504 = arith.muli %add3A_490, %mul3A_503 : i32
        %add3A_505 = arith.constant 16 : i32
        %add3A_506 = arith.addi %mul3A_504, %add3A_505 : i32
        %get3A_507 = arith.index_cast %add3A_506 : i32 to index
        %get3A_508 = tpu.vector_load %arg6[%get3A_507] {strides = array<i32>} : memref<12800xf32, #tpu.memory_space<vmem>>, vector<16xf32>,
        %get3A_509 = vector.shape_cast %get3A_508 : vector<16xf32> to vector<16xf32>
        %swap3A_510 = arith.index_cast %add3A_490 : i32 to index
        %swap3A_511 = arith.constant 16 : index
        %swap3A_512 = tpu.vector_load %arg11[%swap3A_510, %swap3A_511] {strides = array<i32>} : memref<200x128xf32, #tpu.memory_space<vmem>>, vector<1x16xf32>,
        %swap3A_513 = vector.shape_cast %swap3A_512 : vector<1x16xf32> to vector<16xf32>
        %swap3A_514 = vector.shape_cast %get3A_509 : vector<16xf32> to vector<1x16xf32>
        tpu.vector_store %arg11[%swap3A_510, %swap3A_511], %swap3A_514 {add = true, strides = array<i32>} : memref<200x128xf32, #tpu.memory_space<vmem>>, vector<1x16xf32>,
        %mul3A_515 = arith.constant 64 : i32
        %mul3A_516 = arith.muli %add3A_490, %mul3A_515 : i32
        %add3A_517 = arith.constant 32 : i32
        %add3A_518 = arith.addi %mul3A_516, %add3A_517 : i32
        %get3A_519 = arith.index_cast %add3A_518 : i32 to index
        %get3A_520 = tpu.vector_load %arg6[%get3A_519] {strides = array<i32>} : memref<12800xf32, #tpu.memory_space<vmem>>, vector<16xf32>,
        %get3A_521 = vector.shape_cast %get3A_520 : vector<16xf32> to vector<16xf32>
        %swap3A_522 = arith.index_cast %add3A_490 : i32 to index
        %swap3A_523 = arith.constant 32 : index
        %swap3A_524 = tpu.vector_load %arg11[%swap3A_522, %swap3A_523] {strides = array<i32>} : memref<200x128xf32, #tpu.memory_space<vmem>>, vector<1x16xf32>,
        %swap3A_525 = vector.shape_cast %swap3A_524 : vector<1x16xf32> to vector<16xf32>
        %swap3A_526 = vector.shape_cast %get3A_521 : vector<16xf32> to vector<1x16xf32>
        tpu.vector_store %arg11[%swap3A_522, %swap3A_523], %swap3A_526 {add = true, strides = array<i32>} : memref<200x128xf32, #tpu.memory_space<vmem>>, vector<1x16xf32>,
        %mul3A_527 = arith.constant 64 : i32
        %mul3A_528 = arith.muli %add3A_490, %mul3A_527 : i32
        %add3A_529 = arith.constant 48 : i32
        %add3A_530 = arith.addi %mul3A_528, %add3A_529 : i32
        %get3A_531 = arith.index_cast %add3A_530 : i32 to index
        %get3A_532 = tpu.vector_load %arg6[%get3A_531] {strides = array<i32>} : memref<12800xf32, #tpu.memory_space<vmem>>, vector<16xf32>,
        %get3A_533 = vector.shape_cast %get3A_532 : vector<16xf32> to vector<16xf32>
        %swap3A_534 = arith.index_cast %add3A_490 : i32 to index
        %swap3A_535 = arith.constant 48 : index
        %swap3A_536 = tpu.vector_load %arg11[%swap3A_534, %swap3A_535] {strides = array<i32>} : memref<200x128xf32, #tpu.memory_space<vmem>>, vector<1x16xf32>,
        %swap3A_537 = vector.shape_cast %swap3A_536 : vector<1x16xf32> to vector<16xf32>
        %swap3A_538 = vector.shape_cast %get3A_533 : vector<16xf32> to vector<1x16xf32>
        tpu.vector_store %arg11[%swap3A_534, %swap3A_535], %swap3A_538 {add = true, strides = array<i32>} : memref<200x128xf32, #tpu.memory_space<vmem>>, vector<1x16xf32>,
        %scan3A_539 = arith.constant 6 : i32
        %scan3A_540 = arith.addi %scan3A_218, %scan3A_539 : i32
        %mul3A_541 = arith.constant 1 : i32
        %mul3A_542 = arith.muli %scan3A_540, %mul3A_541 : i32
        %add3A_543 = arith.constant 0 : i32
        %add3A_544 = arith.addi %add3A_543, %mul3A_542 : i32
        %mul3A_545 = arith.constant 64 : i32
        %mul3A_546 = arith.muli %add3A_544, %mul3A_545 : i32
        %add3A_547 = arith.constant 0 : i32
        %add3A_548 = arith.addi %mul3A_546, %add3A_547 : i32
        %get3A_549 = arith.index_cast %add3A_548 : i32 to index
        %get3A_550 = tpu.vector_load %arg6[%get3A_549] {strides = array<i32>} : memref<12800xf32, #tpu.memory_space<vmem>>, vector<16xf32>,
        %get3A_551 = vector.shape_cast %get3A_550 : vector<16xf32> to vector<16xf32>
        %swap3A_552 = arith.index_cast %add3A_544 : i32 to index
        %swap3A_553 = arith.constant 0 : index
        %swap3A_554 = tpu.vector_load %arg11[%swap3A_552, %swap3A_553] {strides = array<i32>} : memref<200x128xf32, #tpu.memory_space<vmem>>, vector<1x16xf32>,
        %swap3A_555 = vector.shape_cast %swap3A_554 : vector<1x16xf32> to vector<16xf32>
        %swap3A_556 = vector.shape_cast %get3A_551 : vector<16xf32> to vector<1x16xf32>
        tpu.vector_store %arg11[%swap3A_552, %swap3A_553], %swap3A_556 {add = true, strides = array<i32>} : memref<200x128xf32, #tpu.memory_space<vmem>>, vector<1x16xf32>,
        %mul3A_557 = arith.constant 64 : i32
        %mul3A_558 = arith.muli %add3A_544, %mul3A_557 : i32
        %add3A_559 = arith.constant 16 : i32
        %add3A_560 = arith.addi %mul3A_558, %add3A_559 : i32
        %get3A_561 = arith.index_cast %add3A_560 : i32 to index
        %get3A_562 = tpu.vector_load %arg6[%get3A_561] {strides = array<i32>} : memref<12800xf32, #tpu.memory_space<vmem>>, vector<16xf32>,
        %get3A_563 = vector.shape_cast %get3A_562 : vector<16xf32> to vector<16xf32>
        %swap3A_564 = arith.index_cast %add3A_544 : i32 to index
        %swap3A_565 = arith.constant 16 : index
        %swap3A_566 = tpu.vector_load %arg11[%swap3A_564, %swap3A_565] {strides = array<i32>} : memref<200x128xf32, #tpu.memory_space<vmem>>, vector<1x16xf32>,
        %swap3A_567 = vector.shape_cast %swap3A_566 : vector<1x16xf32> to vector<16xf32>
        %swap3A_568 = vector.shape_cast %get3A_563 : vector<16xf32> to vector<1x16xf32>
        tpu.vector_store %arg11[%swap3A_564, %swap3A_565], %swap3A_568 {add = true, strides = array<i32>} : memref<200x128xf32, #tpu.memory_space<vmem>>, vector<1x16xf32>,
        %mul3A_569 = arith.constant 64 : i32
        %mul3A_570 = arith.muli %add3A_544, %mul3A_569 : i32
        %add3A_571 = arith.constant 32 : i32
        %add3A_572 = arith.addi %mul3A_570, %add3A_571 : i32
        %get3A_573 = arith.index_cast %add3A_572 : i32 to index
        %get3A_574 = tpu.vector_load %arg6[%get3A_573] {strides = array<i32>} : memref<12800xf32, #tpu.memory_space<vmem>>, vector<16xf32>,
        %get3A_575 = vector.shape_cast %get3A_574 : vector<16xf32> to vector<16xf32>
        %swap3A_576 = arith.index_cast %add3A_544 : i32 to index
        %swap3A_577 = arith.constant 32 : index
        %swap3A_578 = tpu.vector_load %arg11[%swap3A_576, %swap3A_577] {strides = array<i32>} : memref<200x128xf32, #tpu.memory_space<vmem>>, vector<1x16xf32>,
        %swap3A_579 = vector.shape_cast %swap3A_578 : vector<1x16xf32> to vector<16xf32>
        %swap3A_580 = vector.shape_cast %get3A_575 : vector<16xf32> to vector<1x16xf32>
        tpu.vector_store %arg11[%swap3A_576, %swap3A_577], %swap3A_580 {add = true, strides = array<i32>} : memref<200x128xf32, #tpu.memory_space<vmem>>, vector<1x16xf32>,
        %mul3A_581 = arith.constant 64 : i32
        %mul3A_582 = arith.muli %add3A_544, %mul3A_581 : i32
        %add3A_583 = arith.constant 48 : i32
        %add3A_584 = arith.addi %mul3A_582, %add3A_583 : i32
        %get3A_585 = arith.index_cast %add3A_584 : i32 to index
        %get3A_586 = tpu.vector_load %arg6[%get3A_585] {strides = array<i32>} : memref<12800xf32, #tpu.memory_space<vmem>>, vector<16xf32>,
        %get3A_587 = vector.shape_cast %get3A_586 : vector<16xf32> to vector<16xf32>
        %swap3A_588 = arith.index_cast %add3A_544 : i32 to index
        %swap3A_589 = arith.constant 48 : index
        %swap3A_590 = tpu.vector_load %arg11[%swap3A_588, %swap3A_589] {strides = array<i32>} : memref<200x128xf32, #tpu.memory_space<vmem>>, vector<1x16xf32>,
        %swap3A_591 = vector.shape_cast %swap3A_590 : vector<1x16xf32> to vector<16xf32>
        %swap3A_592 = vector.shape_cast %get3A_587 : vector<16xf32> to vector<1x16xf32>
        tpu.vector_store %arg11[%swap3A_588, %swap3A_589], %swap3A_592 {add = true, strides = array<i32>} : memref<200x128xf32, #tpu.memory_space<vmem>>, vector<1x16xf32>,
        %scan3A_593 = arith.constant 7 : i32
        %scan3A_594 = arith.addi %scan3A_218, %scan3A_593 : i32
        %mul3A_595 = arith.constant 1 : i32
        %mul3A_596 = arith.muli %scan3A_594, %mul3A_595 : i32
        %add3A_597 = arith.constant 0 : i32
        %add3A_598 = arith.addi %add3A_597, %mul3A_596 : i32
        %mul3A_599 = arith.constant 64 : i32
        %mul3A_600 = arith.muli %add3A_598, %mul3A_599 : i32
        %add3A_601 = arith.constant 0 : i32
        %add3A_602 = arith.addi %mul3A_600, %add3A_601 : i32
        %get3A_603 = arith.index_cast %add3A_602 : i32 to index
        %get3A_604 = tpu.vector_load %arg6[%get3A_603] {strides = array<i32>} : memref<12800xf32, #tpu.memory_space<vmem>>, vector<16xf32>,
        %get3A_605 = vector.shape_cast %get3A_604 : vector<16xf32> to vector<16xf32>
        %swap3A_606 = arith.index_cast %add3A_598 : i32 to index
        %swap3A_607 = arith.constant 0 : index
        %swap3A_608 = tpu.vector_load %arg11[%swap3A_606, %swap3A_607] {strides = array<i32>} : memref<200x128xf32, #tpu.memory_space<vmem>>, vector<1x16xf32>,
        %swap3A_609 = vector.shape_cast %swap3A_608 : vector<1x16xf32> to vector<16xf32>
        %swap3A_610 = vector.shape_cast %get3A_605 : vector<16xf32> to vector<1x16xf32>
        tpu.vector_store %arg11[%swap3A_606, %swap3A_607], %swap3A_610 {add = true, strides = array<i32>} : memref<200x128xf32, #tpu.memory_space<vmem>>, vector<1x16xf32>,
        %mul3A_611 = arith.constant 64 : i32
        %mul3A_612 = arith.muli %add3A_598, %mul3A_611 : i32
        %add3A_613 = arith.constant 16 : i32
        %add3A_614 = arith.addi %mul3A_612, %add3A_613 : i32
        %get3A_615 = arith.index_cast %add3A_614 : i32 to index
        %get3A_616 = tpu.vector_load %arg6[%get3A_615] {strides = array<i32>} : memref<12800xf32, #tpu.memory_space<vmem>>, vector<16xf32>,
        %get3A_617 = vector.shape_cast %get3A_616 : vector<16xf32> to vector<16xf32>
        %swap3A_618 = arith.index_cast %add3A_598 : i32 to index
        %swap3A_619 = arith.constant 16 : index
        %swap3A_620 = tpu.vector_load %arg11[%swap3A_618, %swap3A_619] {strides = array<i32>} : memref<200x128xf32, #tpu.memory_space<vmem>>, vector<1x16xf32>,
        %swap3A_621 = vector.shape_cast %swap3A_620 : vector<1x16xf32> to vector<16xf32>
        %swap3A_622 = vector.shape_cast %get3A_617 : vector<16xf32> to vector<1x16xf32>
        tpu.vector_store %arg11[%swap3A_618, %swap3A_619], %swap3A_622 {add = true, strides = array<i32>} : memref<200x128xf32, #tpu.memory_space<vmem>>, vector<1x16xf32>,
        %mul3A_623 = arith.constant 64 : i32
        %mul3A_624 = arith.muli %add3A_598, %mul3A_623 : i32
        %add3A_625 = arith.constant 32 : i32
        %add3A_626 = arith.addi %mul3A_624, %add3A_625 : i32
        %get3A_627 = arith.index_cast %add3A_626 : i32 to index
        %get3A_628 = tpu.vector_load %arg6[%get3A_627] {strides = array<i32>} : memref<12800xf32, #tpu.memory_space<vmem>>, vector<16xf32>,
        %get3A_629 = vector.shape_cast %get3A_628 : vector<16xf32> to vector<16xf32>
        %swap3A_630 = arith.index_cast %add3A_598 : i32 to index
        %swap3A_631 = arith.constant 32 : index
        %swap3A_632 = tpu.vector_load %arg11[%swap3A_630, %swap3A_631] {strides = array<i32>} : memref<200x128xf32, #tpu.memory_space<vmem>>, vector<1x16xf32>,
        %swap3A_633 = vector.shape_cast %swap3A_632 : vector<1x16xf32> to vector<16xf32>
        %swap3A_634 = vector.shape_cast %get3A_629 : vector<16xf32> to vector<1x16xf32>
        tpu.vector_store %arg11[%swap3A_630, %swap3A_631], %swap3A_634 {add = true, strides = array<i32>} : memref<200x128xf32, #tpu.memory_space<vmem>>, vector<1x16xf32>,
        %mul3A_635 = arith.constant 64 : i32
        %mul3A_636 = arith.muli %add3A_598, %mul3A_635 : i32
        %add3A_637 = arith.constant 48 : i32
        %add3A_638 = arith.addi %mul3A_636, %add3A_637 : i32
        %get3A_639 = arith.index_cast %add3A_638 : i32 to index
        %get3A_640 = tpu.vector_load %arg6[%get3A_639] {strides = array<i32>} : memref<12800xf32, #tpu.memory_space<vmem>>, vector<16xf32>,
        %get3A_641 = vector.shape_cast %get3A_640 : vector<16xf32> to vector<16xf32>
        %swap3A_642 = arith.index_cast %add3A_598 : i32 to index
        %swap3A_643 = arith.constant 48 : index
        %swap3A_644 = tpu.vector_load %arg11[%swap3A_642, %swap3A_643] {strides = array<i32>} : memref<200x128xf32, #tpu.memory_space<vmem>>, vector<1x16xf32>,
        %swap3A_645 = vector.shape_cast %swap3A_644 : vector<1x16xf32> to vector<16xf32>
        %swap3A_646 = vector.shape_cast %get3A_641 : vector<16xf32> to vector<1x16xf32>
        tpu.vector_store %arg11[%swap3A_642, %swap3A_643], %swap3A_646 {add = true, strides = array<i32>} : memref<200x128xf32, #tpu.memory_space<vmem>>, vector<1x16xf32>,
      }
      %scan3A_102 = arith.constant 200 : i32
      %mul3A_103 = arith.constant 200 : i32
      %mul3A_104 = arith.muli %add3A_79, %mul3A_103 : i32
      %add3A_105 = arith.addi %mul3A_2, %mul3A_104 : i32
      %dma_start3A_106 = arith.constant 0 : i32
      %dma_start3A_107 = tpu.memref_slice %arg5[%add3A_105, %dma_start3A_106] : memref<819200x128xf32, #tpu.memory_space<hbm>> -> memref<200x128xf32, #tpu.memory_space<hbm>>
      %dma_start3A_108 = arith.constant 0 : i32
      %dma_start3A_109 = tpu.memref_slice %arg5[%add3A_105, %dma_start3A_108] : memref<819200x128xf32, #tpu.memory_space<hbm>> -> memref<200x128xf32, #tpu.memory_space<hbm>>
      tpu.enqueue_dma source(%arg11 : memref<200x128xf32, #tpu.memory_space<vmem>>) target(%dma_start3A_109 : memref<200x128xf32, #tpu.memory_space<hbm>>) target_semaphore(%arg23 : memref<!tpu.dma_semaphore, #tpu.memory_space<semaphore_mem>>)
      %add3A_110 = arith.constant 1 : i32
      %add3A_111 = arith.addi %add3A_77, %add3A_110 : i32
      %dma_wait3A_112 = arith.constant 0 : i32
      %dma_wait3A_113 = arith.constant 0 : i32
      %dma_wait3A_114 = tpu.memref_slice %arg3[%dma_wait3A_112, %dma_wait3A_113] : memref<100000x128xf32, #tpu.memory_space<hbm>> -> memref<100000x128xf32, #tpu.memory_space<hbm>>
      tpu.wait_indirect_dma semaphore(%arg20 : memref<!tpu.dma_semaphore, #tpu.memory_space<semaphore_mem>>) src(%dma_wait3A_114 : memref<100000x128xf32, #tpu.memory_space<hbm>>) dst(%arg12 : memref<200x128xf32, #tpu.memory_space<vmem>>)
      %add3A_115 = arith.constant 4 : i32
      %add3A_116 = arith.addi %add3A_111, %add3A_115 : i32
      %lt3A_117 = arith.constant 128 : i32
      %lt3A_118 = arith.cmpi slt, %add3A_116, %lt3A_117 : i32
      %convert_element_type3A_119 = arith.extui %lt3A_118 : i1 to i32
      %cond3A_120 = arith.constant 0 : i32
      %cond3A_121 = arith.cmpi ne, %convert_element_type3A_119, %cond3A_120 : i32
      scf.if %cond3A_121 {
        %add3A_218 = arith.constant 4 : i32
        %add3A_219 = arith.addi %add3A_111, %add3A_218 : i32
        %add3A_220 = arith.addi %mul3A_4, %add3A_219 : i32
        %dma_start3A_221 = arith.constant 0 : i32
        %dma_start3A_222 = tpu.memref_slice %arg2[%add3A_220, %dma_start3A_221] : memref<4096x200xi32, #tpu.memory_space<hbm>> -> memref<1x200xi32, #tpu.memory_space<hbm>>
        %dma_start3A_223 = tpu.memref_squeeze %dma_start3A_222 : memref<1x200xi32, #tpu.memory_space<hbm>> -> memref<200xi32, #tpu.memory_space<hbm>>
        %dma_start3A_224 = arith.constant 0 : i32
        %dma_start3A_225 = tpu.memref_slice %arg2[%add3A_220, %dma_start3A_224] : memref<4096x200xi32, #tpu.memory_space<hbm>> -> memref<1x200xi32, #tpu.memory_space<hbm>>
        %dma_start3A_226 = tpu.memref_squeeze %dma_start3A_225 : memref<1x200xi32, #tpu.memory_space<hbm>> -> memref<200xi32, #tpu.memory_space<hbm>>
        tpu.enqueue_dma source(%dma_start3A_226 : memref<200xi32, #tpu.memory_space<hbm>>) target(%arg8 : memref<200xi32, #tpu.memory_space<vmem>>) target_semaphore(%arg16 : memref<!tpu.dma_semaphore, #tpu.memory_space<semaphore_mem>>)
      } else {
      }
      %ge3A_122 = arith.constant 2 : i32
      %ge3A_123 = arith.cmpi sge, %add3A_111, %ge3A_122 : i32
      %convert_element_type3A_124 = arith.extui %ge3A_123 : i1 to i32
      %cond3A_125 = arith.constant 0 : i32
      %cond3A_126 = arith.cmpi ne, %convert_element_type3A_124, %cond3A_125 : i32
      scf.if %cond3A_126 {
        %sub3A = arith.constant 2 : i32
        %sub3A_218 = arith.subi %add3A_111, %sub3A : i32
        %mul3A_219 = arith.constant 200 : i32
        %mul3A_220 = arith.muli %sub3A_218, %mul3A_219 : i32
        %add3A_221 = arith.addi %mul3A_2, %mul3A_220 : i32
        %dma_wait3A_222 = arith.constant 0 : i32
        %dma_wait3A_223 = tpu.memref_slice %arg5[%add3A_221, %dma_wait3A_222] : memref<819200x128xf32, #tpu.memory_space<hbm>> -> memref<200x128xf32, #tpu.memory_space<hbm>>
        %dma_wait3A_224 = arith.constant 0 : i32
        %dma_wait3A_225 = tpu.memref_slice %arg5[%add3A_221, %dma_wait3A_224] : memref<819200x128xf32, #tpu.memory_space<hbm>> -> memref<200x128xf32, #tpu.memory_space<hbm>>
        tpu.wait_dma2 semaphore(%arg26 : memref<!tpu.dma_semaphore, #tpu.memory_space<semaphore_mem>>) src(%arg14 : memref<200x128xf32, #tpu.memory_space<vmem>>) dst(%dma_wait3A_225 : memref<200x128xf32, #tpu.memory_space<hbm>>)
      } else {
      }
      %add3A_127 = arith.constant 2 : i32
      %add3A_128 = arith.addi %add3A_111, %add3A_127 : i32
      %lt3A_129 = arith.constant 128 : i32
      %lt3A_130 = arith.cmpi slt, %add3A_128, %lt3A_129 : i32
      %convert_element_type3A_131 = arith.extui %lt3A_130 : i1 to i32
      %cond3A_132 = arith.constant 0 : i32
      %cond3A_133 = arith.cmpi ne, %convert_element_type3A_131, %cond3A_132 : i32
      scf.if %cond3A_133 {
        %add3A_218 = arith.constant 2 : i32
        %add3A_219 = arith.addi %add3A_111, %add3A_218 : i32
        %add3A_220 = arith.addi %mul3A_4, %add3A_219 : i32
        %dma_wait3A_221 = arith.constant 0 : i32
        %dma_wait3A_222 = tpu.memref_slice %arg2[%add3A_220, %dma_wait3A_221] : memref<4096x200xi32, #tpu.memory_space<hbm>> -> memref<1x200xi32, #tpu.memory_space<hbm>>
        %dma_wait3A_223 = tpu.memref_squeeze %dma_wait3A_222 : memref<1x200xi32, #tpu.memory_space<hbm>> -> memref<200xi32, #tpu.memory_space<hbm>>
        %dma_wait3A_224 = arith.constant 0 : i32
        %dma_wait3A_225 = tpu.memref_slice %arg2[%add3A_220, %dma_wait3A_224] : memref<4096x200xi32, #tpu.memory_space<hbm>> -> memref<1x200xi32, #tpu.memory_space<hbm>>
        %dma_wait3A_226 = tpu.memref_squeeze %dma_wait3A_225 : memref<1x200xi32, #tpu.memory_space<hbm>> -> memref<200xi32, #tpu.memory_space<hbm>>
        tpu.wait_dma2 semaphore(%arg18 : memref<!tpu.dma_semaphore, #tpu.memory_space<semaphore_mem>>) src(%dma_wait3A_226 : memref<200xi32, #tpu.memory_space<hbm>>) dst(%arg10 : memref<200xi32, #tpu.memory_space<vmem>>)
        %add3A_227 = arith.constant 2 : i32
        %add3A_228 = arith.addi %add3A_111, %add3A_227 : i32
        %dma_start3A_229 = arith.constant 0 : i32
        %dma_start3A_230 = arith.constant 0 : i32
        %dma_start3A_231 = tpu.memref_slice %arg3[%dma_start3A_229, %dma_start3A_230] : memref<100000x128xf32, #tpu.memory_space<hbm>> -> memref<100000x128xf32, #tpu.memory_space<hbm>>
        tpu.enqueue_indirect_dma source(%dma_start3A_231 : memref<100000x128xf32, #tpu.memory_space<hbm>>) target(%arg14 : memref<200x128xf32, #tpu.memory_space<vmem>>) offsets(%arg10 : memref<200xi32, #tpu.memory_space<vmem>>) semaphore(%arg22 : memref<!tpu.dma_semaphore, #tpu.memory_space<semaphore_mem>>)
      } else {
      }
      %scan3A_134 = arith.constant 0 : i32
      %scan3A_135 = arith.constant 200 : i32
      %scan3A_136 = arith.addi %scan3A_134, %scan3A_135 : i32
      %scan3A_137 = arith.constant 8 : i32
      scf.for %scan3A_218 = %scan3A_134 to %scan3A_136 step %scan3A_137  : i32 {
        %mul3A_219 = arith.constant 1 : i32
        %mul3A_220 = arith.muli %scan3A_218, %mul3A_219 : i32
        %add3A_221 = arith.constant 0 : i32
        %add3A_222 = arith.addi %add3A_221, %mul3A_220 : i32
        %mul3A_223 = arith.constant 64 : i32
        %mul3A_224 = arith.muli %add3A_222, %mul3A_223 : i32
        %add3A_225 = arith.constant 0 : i32
        %add3A_226 = arith.addi %mul3A_224, %add3A_225 : i32
        %get3A = arith.index_cast %add3A_226 : i32 to index
        %get3A_227 = tpu.vector_load %arg6[%get3A] {strides = array<i32>} : memref<12800xf32, #tpu.memory_space<vmem>>, vector<16xf32>,
        %get3A_228 = vector.shape_cast %get3A_227 : vector<16xf32> to vector<16xf32>
        %swap3A = arith.index_cast %add3A_222 : i32 to index
        %swap3A_229 = arith.constant 0 : index
        %swap3A_230 = tpu.vector_load %arg12[%swap3A, %swap3A_229] {strides = array<i32>} : memref<200x128xf32, #tpu.memory_space<vmem>>, vector<1x16xf32>,
        %swap3A_231 = vector.shape_cast %swap3A_230 : vector<1x16xf32> to vector<16xf32>
        %swap3A_232 = vector.shape_cast %get3A_228 : vector<16xf32> to vector<1x16xf32>
        tpu.vector_store %arg12[%swap3A, %swap3A_229], %swap3A_232 {add = true, strides = array<i32>} : memref<200x128xf32, #tpu.memory_space<vmem>>, vector<1x16xf32>,
        %mul3A_233 = arith.constant 64 : i32
        %mul3A_234 = arith.muli %add3A_222, %mul3A_233 : i32
        %add3A_235 = arith.constant 16 : i32
        %add3A_236 = arith.addi %mul3A_234, %add3A_235 : i32
        %get3A_237 = arith.index_cast %add3A_236 : i32 to index
        %get3A_238 = tpu.vector_load %arg6[%get3A_237] {strides = array<i32>} : memref<12800xf32, #tpu.memory_space<vmem>>, vector<16xf32>,
        %get3A_239 = vector.shape_cast %get3A_238 : vector<16xf32> to vector<16xf32>
        %swap3A_240 = arith.index_cast %add3A_222 : i32 to index
        %swap3A_241 = arith.constant 16 : index
        %swap3A_242 = tpu.vector_load %arg12[%swap3A_240, %swap3A_241] {strides = array<i32>} : memref<200x128xf32, #tpu.memory_space<vmem>>, vector<1x16xf32>,
        %swap3A_243 = vector.shape_cast %swap3A_242 : vector<1x16xf32> to vector<16xf32>
        %swap3A_244 = vector.shape_cast %get3A_239 : vector<16xf32> to vector<1x16xf32>
        tpu.vector_store %arg12[%swap3A_240, %swap3A_241], %swap3A_244 {add = true, strides = array<i32>} : memref<200x128xf32, #tpu.memory_space<vmem>>, vector<1x16xf32>,
        %mul3A_245 = arith.constant 64 : i32
        %mul3A_246 = arith.muli %add3A_222, %mul3A_245 : i32
        %add3A_247 = arith.constant 32 : i32
        %add3A_248 = arith.addi %mul3A_246, %add3A_247 : i32
        %get3A_249 = arith.index_cast %add3A_248 : i32 to index
        %get3A_250 = tpu.vector_load %arg6[%get3A_249] {strides = array<i32>} : memref<12800xf32, #tpu.memory_space<vmem>>, vector<16xf32>,
        %get3A_251 = vector.shape_cast %get3A_250 : vector<16xf32> to vector<16xf32>
        %swap3A_252 = arith.index_cast %add3A_222 : i32 to index
        %swap3A_253 = arith.constant 32 : index
        %swap3A_254 = tpu.vector_load %arg12[%swap3A_252, %swap3A_253] {strides = array<i32>} : memref<200x128xf32, #tpu.memory_space<vmem>>, vector<1x16xf32>,
        %swap3A_255 = vector.shape_cast %swap3A_254 : vector<1x16xf32> to vector<16xf32>
        %swap3A_256 = vector.shape_cast %get3A_251 : vector<16xf32> to vector<1x16xf32>
        tpu.vector_store %arg12[%swap3A_252, %swap3A_253], %swap3A_256 {add = true, strides = array<i32>} : memref<200x128xf32, #tpu.memory_space<vmem>>, vector<1x16xf32>,
        %mul3A_257 = arith.constant 64 : i32
        %mul3A_258 = arith.muli %add3A_222, %mul3A_257 : i32
        %add3A_259 = arith.constant 48 : i32
        %add3A_260 = arith.addi %mul3A_258, %add3A_259 : i32
        %get3A_261 = arith.index_cast %add3A_260 : i32 to index
        %get3A_262 = tpu.vector_load %arg6[%get3A_261] {strides = array<i32>} : memref<12800xf32, #tpu.memory_space<vmem>>, vector<16xf32>,
        %get3A_263 = vector.shape_cast %get3A_262 : vector<16xf32> to vector<16xf32>
        %swap3A_264 = arith.index_cast %add3A_222 : i32 to index
        %swap3A_265 = arith.constant 48 : index
        %swap3A_266 = tpu.vector_load %arg12[%swap3A_264, %swap3A_265] {strides = array<i32>} : memref<200x128xf32, #tpu.memory_space<vmem>>, vector<1x16xf32>,
        %swap3A_267 = vector.shape_cast %swap3A_266 : vector<1x16xf32> to vector<16xf32>
        %swap3A_268 = vector.shape_cast %get3A_263 : vector<16xf32> to vector<1x16xf32>
        tpu.vector_store %arg12[%swap3A_264, %swap3A_265], %swap3A_268 {add = true, strides = array<i32>} : memref<200x128xf32, #tpu.memory_space<vmem>>, vector<1x16xf32>,
        %scan3A_269 = arith.constant 1 : i32
        %scan3A_270 = arith.addi %scan3A_218, %scan3A_269 : i32
        %mul3A_271 = arith.constant 1 : i32
        %mul3A_272 = arith.muli %scan3A_270, %mul3A_271 : i32
        %add3A_273 = arith.constant 0 : i32
        %add3A_274 = arith.addi %add3A_273, %mul3A_272 : i32
        %mul3A_275 = arith.constant 64 : i32
        %mul3A_276 = arith.muli %add3A_274, %mul3A_275 : i32
        %add3A_277 = arith.constant 0 : i32
        %add3A_278 = arith.addi %mul3A_276, %add3A_277 : i32
        %get3A_279 = arith.index_cast %add3A_278 : i32 to index
        %get3A_280 = tpu.vector_load %arg6[%get3A_279] {strides = array<i32>} : memref<12800xf32, #tpu.memory_space<vmem>>, vector<16xf32>,
        %get3A_281 = vector.shape_cast %get3A_280 : vector<16xf32> to vector<16xf32>
        %swap3A_282 = arith.index_cast %add3A_274 : i32 to index
        %swap3A_283 = arith.constant 0 : index
        %swap3A_284 = tpu.vector_load %arg12[%swap3A_282, %swap3A_283] {strides = array<i32>} : memref<200x128xf32, #tpu.memory_space<vmem>>, vector<1x16xf32>,
        %swap3A_285 = vector.shape_cast %swap3A_284 : vector<1x16xf32> to vector<16xf32>
        %swap3A_286 = vector.shape_cast %get3A_281 : vector<16xf32> to vector<1x16xf32>
        tpu.vector_store %arg12[%swap3A_282, %swap3A_283], %swap3A_286 {add = true, strides = array<i32>} : memref<200x128xf32, #tpu.memory_space<vmem>>, vector<1x16xf32>,
        %mul3A_287 = arith.constant 64 : i32
        %mul3A_288 = arith.muli %add3A_274, %mul3A_287 : i32
        %add3A_289 = arith.constant 16 : i32
        %add3A_290 = arith.addi %mul3A_288, %add3A_289 : i32
        %get3A_291 = arith.index_cast %add3A_290 : i32 to index
        %get3A_292 = tpu.vector_load %arg6[%get3A_291] {strides = array<i32>} : memref<12800xf32, #tpu.memory_space<vmem>>, vector<16xf32>,
        %get3A_293 = vector.shape_cast %get3A_292 : vector<16xf32> to vector<16xf32>
        %swap3A_294 = arith.index_cast %add3A_274 : i32 to index
        %swap3A_295 = arith.constant 16 : index
        %swap3A_296 = tpu.vector_load %arg12[%swap3A_294, %swap3A_295] {strides = array<i32>} : memref<200x128xf32, #tpu.memory_space<vmem>>, vector<1x16xf32>,
        %swap3A_297 = vector.shape_cast %swap3A_296 : vector<1x16xf32> to vector<16xf32>
        %swap3A_298 = vector.shape_cast %get3A_293 : vector<16xf32> to vector<1x16xf32>
        tpu.vector_store %arg12[%swap3A_294, %swap3A_295], %swap3A_298 {add = true, strides = array<i32>} : memref<200x128xf32, #tpu.memory_space<vmem>>, vector<1x16xf32>,
        %mul3A_299 = arith.constant 64 : i32
        %mul3A_300 = arith.muli %add3A_274, %mul3A_299 : i32
        %add3A_301 = arith.constant 32 : i32
        %add3A_302 = arith.addi %mul3A_300, %add3A_301 : i32
        %get3A_303 = arith.index_cast %add3A_302 : i32 to index
        %get3A_304 = tpu.vector_load %arg6[%get3A_303] {strides = array<i32>} : memref<12800xf32, #tpu.memory_space<vmem>>, vector<16xf32>,
        %get3A_305 = vector.shape_cast %get3A_304 : vector<16xf32> to vector<16xf32>
        %swap3A_306 = arith.index_cast %add3A_274 : i32 to index
        %swap3A_307 = arith.constant 32 : index
        %swap3A_308 = tpu.vector_load %arg12[%swap3A_306, %swap3A_307] {strides = array<i32>} : memref<200x128xf32, #tpu.memory_space<vmem>>, vector<1x16xf32>,
        %swap3A_309 = vector.shape_cast %swap3A_308 : vector<1x16xf32> to vector<16xf32>
        %swap3A_310 = vector.shape_cast %get3A_305 : vector<16xf32> to vector<1x16xf32>
        tpu.vector_store %arg12[%swap3A_306, %swap3A_307], %swap3A_310 {add = true, strides = array<i32>} : memref<200x128xf32, #tpu.memory_space<vmem>>, vector<1x16xf32>,
        %mul3A_311 = arith.constant 64 : i32
        %mul3A_312 = arith.muli %add3A_274, %mul3A_311 : i32
        %add3A_313 = arith.constant 48 : i32
        %add3A_314 = arith.addi %mul3A_312, %add3A_313 : i32
        %get3A_315 = arith.index_cast %add3A_314 : i32 to index
        %get3A_316 = tpu.vector_load %arg6[%get3A_315] {strides = array<i32>} : memref<12800xf32, #tpu.memory_space<vmem>>, vector<16xf32>,
        %get3A_317 = vector.shape_cast %get3A_316 : vector<16xf32> to vector<16xf32>
        %swap3A_318 = arith.index_cast %add3A_274 : i32 to index
        %swap3A_319 = arith.constant 48 : index
        %swap3A_320 = tpu.vector_load %arg12[%swap3A_318, %swap3A_319] {strides = array<i32>} : memref<200x128xf32, #tpu.memory_space<vmem>>, vector<1x16xf32>,
        %swap3A_321 = vector.shape_cast %swap3A_320 : vector<1x16xf32> to vector<16xf32>
        %swap3A_322 = vector.shape_cast %get3A_317 : vector<16xf32> to vector<1x16xf32>
        tpu.vector_store %arg12[%swap3A_318, %swap3A_319], %swap3A_322 {add = true, strides = array<i32>} : memref<200x128xf32, #tpu.memory_space<vmem>>, vector<1x16xf32>,
        %scan3A_323 = arith.constant 2 : i32
        %scan3A_324 = arith.addi %scan3A_218, %scan3A_323 : i32
        %mul3A_325 = arith.constant 1 : i32
        %mul3A_326 = arith.muli %scan3A_324, %mul3A_325 : i32
        %add3A_327 = arith.constant 0 : i32
        %add3A_328 = arith.addi %add3A_327, %mul3A_326 : i32
        %mul3A_329 = arith.constant 64 : i32
        %mul3A_330 = arith.muli %add3A_328, %mul3A_329 : i32
        %add3A_331 = arith.constant 0 : i32
        %add3A_332 = arith.addi %mul3A_330, %add3A_331 : i32
        %get3A_333 = arith.index_cast %add3A_332 : i32 to index
        %get3A_334 = tpu.vector_load %arg6[%get3A_333] {strides = array<i32>} : memref<12800xf32, #tpu.memory_space<vmem>>, vector<16xf32>,
        %get3A_335 = vector.shape_cast %get3A_334 : vector<16xf32> to vector<16xf32>
        %swap3A_336 = arith.index_cast %add3A_328 : i32 to index
        %swap3A_337 = arith.constant 0 : index
        %swap3A_338 = tpu.vector_load %arg12[%swap3A_336, %swap3A_337] {strides = array<i32>} : memref<200x128xf32, #tpu.memory_space<vmem>>, vector<1x16xf32>,
        %swap3A_339 = vector.shape_cast %swap3A_338 : vector<1x16xf32> to vector<16xf32>
        %swap3A_340 = vector.shape_cast %get3A_335 : vector<16xf32> to vector<1x16xf32>
        tpu.vector_store %arg12[%swap3A_336, %swap3A_337], %swap3A_340 {add = true, strides = array<i32>} : memref<200x128xf32, #tpu.memory_space<vmem>>, vector<1x16xf32>,
        %mul3A_341 = arith.constant 64 : i32
        %mul3A_342 = arith.muli %add3A_328, %mul3A_341 : i32
        %add3A_343 = arith.constant 16 : i32
        %add3A_344 = arith.addi %mul3A_342, %add3A_343 : i32
        %get3A_345 = arith.index_cast %add3A_344 : i32 to index
        %get3A_346 = tpu.vector_load %arg6[%get3A_345] {strides = array<i32>} : memref<12800xf32, #tpu.memory_space<vmem>>, vector<16xf32>,
        %get3A_347 = vector.shape_cast %get3A_346 : vector<16xf32> to vector<16xf32>
        %swap3A_348 = arith.index_cast %add3A_328 : i32 to index
        %swap3A_349 = arith.constant 16 : index
        %swap3A_350 = tpu.vector_load %arg12[%swap3A_348, %swap3A_349] {strides = array<i32>} : memref<200x128xf32, #tpu.memory_space<vmem>>, vector<1x16xf32>,
        %swap3A_351 = vector.shape_cast %swap3A_350 : vector<1x16xf32> to vector<16xf32>
        %swap3A_352 = vector.shape_cast %get3A_347 : vector<16xf32> to vector<1x16xf32>
        tpu.vector_store %arg12[%swap3A_348, %swap3A_349], %swap3A_352 {add = true, strides = array<i32>} : memref<200x128xf32, #tpu.memory_space<vmem>>, vector<1x16xf32>,
        %mul3A_353 = arith.constant 64 : i32
        %mul3A_354 = arith.muli %add3A_328, %mul3A_353 : i32
        %add3A_355 = arith.constant 32 : i32
        %add3A_356 = arith.addi %mul3A_354, %add3A_355 : i32
        %get3A_357 = arith.index_cast %add3A_356 : i32 to index
        %get3A_358 = tpu.vector_load %arg6[%get3A_357] {strides = array<i32>} : memref<12800xf32, #tpu.memory_space<vmem>>, vector<16xf32>,
        %get3A_359 = vector.shape_cast %get3A_358 : vector<16xf32> to vector<16xf32>
        %swap3A_360 = arith.index_cast %add3A_328 : i32 to index
        %swap3A_361 = arith.constant 32 : index
        %swap3A_362 = tpu.vector_load %arg12[%swap3A_360, %swap3A_361] {strides = array<i32>} : memref<200x128xf32, #tpu.memory_space<vmem>>, vector<1x16xf32>,
        %swap3A_363 = vector.shape_cast %swap3A_362 : vector<1x16xf32> to vector<16xf32>
        %swap3A_364 = vector.shape_cast %get3A_359 : vector<16xf32> to vector<1x16xf32>
        tpu.vector_store %arg12[%swap3A_360, %swap3A_361], %swap3A_364 {add = true, strides = array<i32>} : memref<200x128xf32, #tpu.memory_space<vmem>>, vector<1x16xf32>,
        %mul3A_365 = arith.constant 64 : i32
        %mul3A_366 = arith.muli %add3A_328, %mul3A_365 : i32
        %add3A_367 = arith.constant 48 : i32
        %add3A_368 = arith.addi %mul3A_366, %add3A_367 : i32
        %get3A_369 = arith.index_cast %add3A_368 : i32 to index
        %get3A_370 = tpu.vector_load %arg6[%get3A_369] {strides = array<i32>} : memref<12800xf32, #tpu.memory_space<vmem>>, vector<16xf32>,
        %get3A_371 = vector.shape_cast %get3A_370 : vector<16xf32> to vector<16xf32>
        %swap3A_372 = arith.index_cast %add3A_328 : i32 to index
        %swap3A_373 = arith.constant 48 : index
        %swap3A_374 = tpu.vector_load %arg12[%swap3A_372, %swap3A_373] {strides = array<i32>} : memref<200x128xf32, #tpu.memory_space<vmem>>, vector<1x16xf32>,
        %swap3A_375 = vector.shape_cast %swap3A_374 : vector<1x16xf32> to vector<16xf32>
        %swap3A_376 = vector.shape_cast %get3A_371 : vector<16xf32> to vector<1x16xf32>
        tpu.vector_store %arg12[%swap3A_372, %swap3A_373], %swap3A_376 {add = true, strides = array<i32>} : memref<200x128xf32, #tpu.memory_space<vmem>>, vector<1x16xf32>,
        %scan3A_377 = arith.constant 3 : i32
        %scan3A_378 = arith.addi %scan3A_218, %scan3A_377 : i32
        %mul3A_379 = arith.constant 1 : i32
        %mul3A_380 = arith.muli %scan3A_378, %mul3A_379 : i32
        %add3A_381 = arith.constant 0 : i32
        %add3A_382 = arith.addi %add3A_381, %mul3A_380 : i32
        %mul3A_383 = arith.constant 64 : i32
        %mul3A_384 = arith.muli %add3A_382, %mul3A_383 : i32
        %add3A_385 = arith.constant 0 : i32
        %add3A_386 = arith.addi %mul3A_384, %add3A_385 : i32
        %get3A_387 = arith.index_cast %add3A_386 : i32 to index
        %get3A_388 = tpu.vector_load %arg6[%get3A_387] {strides = array<i32>} : memref<12800xf32, #tpu.memory_space<vmem>>, vector<16xf32>,
        %get3A_389 = vector.shape_cast %get3A_388 : vector<16xf32> to vector<16xf32>
        %swap3A_390 = arith.index_cast %add3A_382 : i32 to index
        %swap3A_391 = arith.constant 0 : index
        %swap3A_392 = tpu.vector_load %arg12[%swap3A_390, %swap3A_391] {strides = array<i32>} : memref<200x128xf32, #tpu.memory_space<vmem>>, vector<1x16xf32>,
        %swap3A_393 = vector.shape_cast %swap3A_392 : vector<1x16xf32> to vector<16xf32>
        %swap3A_394 = vector.shape_cast %get3A_389 : vector<16xf32> to vector<1x16xf32>
        tpu.vector_store %arg12[%swap3A_390, %swap3A_391], %swap3A_394 {add = true, strides = array<i32>} : memref<200x128xf32, #tpu.memory_space<vmem>>, vector<1x16xf32>,
        %mul3A_395 = arith.constant 64 : i32
        %mul3A_396 = arith.muli %add3A_382, %mul3A_395 : i32
        %add3A_397 = arith.constant 16 : i32
        %add3A_398 = arith.addi %mul3A_396, %add3A_397 : i32
        %get3A_399 = arith.index_cast %add3A_398 : i32 to index
        %get3A_400 = tpu.vector_load %arg6[%get3A_399] {strides = array<i32>} : memref<12800xf32, #tpu.memory_space<vmem>>, vector<16xf32>,
        %get3A_401 = vector.shape_cast %get3A_400 : vector<16xf32> to vector<16xf32>
        %swap3A_402 = arith.index_cast %add3A_382 : i32 to index
        %swap3A_403 = arith.constant 16 : index
        %swap3A_404 = tpu.vector_load %arg12[%swap3A_402, %swap3A_403] {strides = array<i32>} : memref<200x128xf32, #tpu.memory_space<vmem>>, vector<1x16xf32>,
        %swap3A_405 = vector.shape_cast %swap3A_404 : vector<1x16xf32> to vector<16xf32>
        %swap3A_406 = vector.shape_cast %get3A_401 : vector<16xf32> to vector<1x16xf32>
        tpu.vector_store %arg12[%swap3A_402, %swap3A_403], %swap3A_406 {add = true, strides = array<i32>} : memref<200x128xf32, #tpu.memory_space<vmem>>, vector<1x16xf32>,
        %mul3A_407 = arith.constant 64 : i32
        %mul3A_408 = arith.muli %add3A_382, %mul3A_407 : i32
        %add3A_409 = arith.constant 32 : i32
        %add3A_410 = arith.addi %mul3A_408, %add3A_409 : i32
        %get3A_411 = arith.index_cast %add3A_410 : i32 to index
        %get3A_412 = tpu.vector_load %arg6[%get3A_411] {strides = array<i32>} : memref<12800xf32, #tpu.memory_space<vmem>>, vector<16xf32>,
        %get3A_413 = vector.shape_cast %get3A_412 : vector<16xf32> to vector<16xf32>
        %swap3A_414 = arith.index_cast %add3A_382 : i32 to index
        %swap3A_415 = arith.constant 32 : index
        %swap3A_416 = tpu.vector_load %arg12[%swap3A_414, %swap3A_415] {strides = array<i32>} : memref<200x128xf32, #tpu.memory_space<vmem>>, vector<1x16xf32>,
        %swap3A_417 = vector.shape_cast %swap3A_416 : vector<1x16xf32> to vector<16xf32>
        %swap3A_418 = vector.shape_cast %get3A_413 : vector<16xf32> to vector<1x16xf32>
        tpu.vector_store %arg12[%swap3A_414, %swap3A_415], %swap3A_418 {add = true, strides = array<i32>} : memref<200x128xf32, #tpu.memory_space<vmem>>, vector<1x16xf32>,
        %mul3A_419 = arith.constant 64 : i32
        %mul3A_420 = arith.muli %add3A_382, %mul3A_419 : i32
        %add3A_421 = arith.constant 48 : i32
        %add3A_422 = arith.addi %mul3A_420, %add3A_421 : i32
        %get3A_423 = arith.index_cast %add3A_422 : i32 to index
        %get3A_424 = tpu.vector_load %arg6[%get3A_423] {strides = array<i32>} : memref<12800xf32, #tpu.memory_space<vmem>>, vector<16xf32>,
        %get3A_425 = vector.shape_cast %get3A_424 : vector<16xf32> to vector<16xf32>
        %swap3A_426 = arith.index_cast %add3A_382 : i32 to index
        %swap3A_427 = arith.constant 48 : index
        %swap3A_428 = tpu.vector_load %arg12[%swap3A_426, %swap3A_427] {strides = array<i32>} : memref<200x128xf32, #tpu.memory_space<vmem>>, vector<1x16xf32>,
        %swap3A_429 = vector.shape_cast %swap3A_428 : vector<1x16xf32> to vector<16xf32>
        %swap3A_430 = vector.shape_cast %get3A_425 : vector<16xf32> to vector<1x16xf32>
        tpu.vector_store %arg12[%swap3A_426, %swap3A_427], %swap3A_430 {add = true, strides = array<i32>} : memref<200x128xf32, #tpu.memory_space<vmem>>, vector<1x16xf32>,
        %scan3A_431 = arith.constant 4 : i32
        %scan3A_432 = arith.addi %scan3A_218, %scan3A_431 : i32
        %mul3A_433 = arith.constant 1 : i32
        %mul3A_434 = arith.muli %scan3A_432, %mul3A_433 : i32
        %add3A_435 = arith.constant 0 : i32
        %add3A_436 = arith.addi %add3A_435, %mul3A_434 : i32
        %mul3A_437 = arith.constant 64 : i32
        %mul3A_438 = arith.muli %add3A_436, %mul3A_437 : i32
        %add3A_439 = arith.constant 0 : i32
        %add3A_440 = arith.addi %mul3A_438, %add3A_439 : i32
        %get3A_441 = arith.index_cast %add3A_440 : i32 to index
        %get3A_442 = tpu.vector_load %arg6[%get3A_441] {strides = array<i32>} : memref<12800xf32, #tpu.memory_space<vmem>>, vector<16xf32>,
        %get3A_443 = vector.shape_cast %get3A_442 : vector<16xf32> to vector<16xf32>
        %swap3A_444 = arith.index_cast %add3A_436 : i32 to index
        %swap3A_445 = arith.constant 0 : index
        %swap3A_446 = tpu.vector_load %arg12[%swap3A_444, %swap3A_445] {strides = array<i32>} : memref<200x128xf32, #tpu.memory_space<vmem>>, vector<1x16xf32>,
        %swap3A_447 = vector.shape_cast %swap3A_446 : vector<1x16xf32> to vector<16xf32>
        %swap3A_448 = vector.shape_cast %get3A_443 : vector<16xf32> to vector<1x16xf32>
        tpu.vector_store %arg12[%swap3A_444, %swap3A_445], %swap3A_448 {add = true, strides = array<i32>} : memref<200x128xf32, #tpu.memory_space<vmem>>, vector<1x16xf32>,
        %mul3A_449 = arith.constant 64 : i32
        %mul3A_450 = arith.muli %add3A_436, %mul3A_449 : i32
        %add3A_451 = arith.constant 16 : i32
        %add3A_452 = arith.addi %mul3A_450, %add3A_451 : i32
        %get3A_453 = arith.index_cast %add3A_452 : i32 to index
        %get3A_454 = tpu.vector_load %arg6[%get3A_453] {strides = array<i32>} : memref<12800xf32, #tpu.memory_space<vmem>>, vector<16xf32>,
        %get3A_455 = vector.shape_cast %get3A_454 : vector<16xf32> to vector<16xf32>
        %swap3A_456 = arith.index_cast %add3A_436 : i32 to index
        %swap3A_457 = arith.constant 16 : index
        %swap3A_458 = tpu.vector_load %arg12[%swap3A_456, %swap3A_457] {strides = array<i32>} : memref<200x128xf32, #tpu.memory_space<vmem>>, vector<1x16xf32>,
        %swap3A_459 = vector.shape_cast %swap3A_458 : vector<1x16xf32> to vector<16xf32>
        %swap3A_460 = vector.shape_cast %get3A_455 : vector<16xf32> to vector<1x16xf32>
        tpu.vector_store %arg12[%swap3A_456, %swap3A_457], %swap3A_460 {add = true, strides = array<i32>} : memref<200x128xf32, #tpu.memory_space<vmem>>, vector<1x16xf32>,
        %mul3A_461 = arith.constant 64 : i32
        %mul3A_462 = arith.muli %add3A_436, %mul3A_461 : i32
        %add3A_463 = arith.constant 32 : i32
        %add3A_464 = arith.addi %mul3A_462, %add3A_463 : i32
        %get3A_465 = arith.index_cast %add3A_464 : i32 to index
        %get3A_466 = tpu.vector_load %arg6[%get3A_465] {strides = array<i32>} : memref<12800xf32, #tpu.memory_space<vmem>>, vector<16xf32>,
        %get3A_467 = vector.shape_cast %get3A_466 : vector<16xf32> to vector<16xf32>
        %swap3A_468 = arith.index_cast %add3A_436 : i32 to index
        %swap3A_469 = arith.constant 32 : index
        %swap3A_470 = tpu.vector_load %arg12[%swap3A_468, %swap3A_469] {strides = array<i32>} : memref<200x128xf32, #tpu.memory_space<vmem>>, vector<1x16xf32>,
        %swap3A_471 = vector.shape_cast %swap3A_470 : vector<1x16xf32> to vector<16xf32>
        %swap3A_472 = vector.shape_cast %get3A_467 : vector<16xf32> to vector<1x16xf32>
        tpu.vector_store %arg12[%swap3A_468, %swap3A_469], %swap3A_472 {add = true, strides = array<i32>} : memref<200x128xf32, #tpu.memory_space<vmem>>, vector<1x16xf32>,
        %mul3A_473 = arith.constant 64 : i32
        %mul3A_474 = arith.muli %add3A_436, %mul3A_473 : i32
        %add3A_475 = arith.constant 48 : i32
        %add3A_476 = arith.addi %mul3A_474, %add3A_475 : i32
        %get3A_477 = arith.index_cast %add3A_476 : i32 to index
        %get3A_478 = tpu.vector_load %arg6[%get3A_477] {strides = array<i32>} : memref<12800xf32, #tpu.memory_space<vmem>>, vector<16xf32>,
        %get3A_479 = vector.shape_cast %get3A_478 : vector<16xf32> to vector<16xf32>
        %swap3A_480 = arith.index_cast %add3A_436 : i32 to index
        %swap3A_481 = arith.constant 48 : index
        %swap3A_482 = tpu.vector_load %arg12[%swap3A_480, %swap3A_481] {strides = array<i32>} : memref<200x128xf32, #tpu.memory_space<vmem>>, vector<1x16xf32>,
        %swap3A_483 = vector.shape_cast %swap3A_482 : vector<1x16xf32> to vector<16xf32>
        %swap3A_484 = vector.shape_cast %get3A_479 : vector<16xf32> to vector<1x16xf32>
        tpu.vector_store %arg12[%swap3A_480, %swap3A_481], %swap3A_484 {add = true, strides = array<i32>} : memref<200x128xf32, #tpu.memory_space<vmem>>, vector<1x16xf32>,
        %scan3A_485 = arith.constant 5 : i32
        %scan3A_486 = arith.addi %scan3A_218, %scan3A_485 : i32
        %mul3A_487 = arith.constant 1 : i32
        %mul3A_488 = arith.muli %scan3A_486, %mul3A_487 : i32
        %add3A_489 = arith.constant 0 : i32
        %add3A_490 = arith.addi %add3A_489, %mul3A_488 : i32
        %mul3A_491 = arith.constant 64 : i32
        %mul3A_492 = arith.muli %add3A_490, %mul3A_491 : i32
        %add3A_493 = arith.constant 0 : i32
        %add3A_494 = arith.addi %mul3A_492, %add3A_493 : i32
        %get3A_495 = arith.index_cast %add3A_494 : i32 to index
        %get3A_496 = tpu.vector_load %arg6[%get3A_495] {strides = array<i32>} : memref<12800xf32, #tpu.memory_space<vmem>>, vector<16xf32>,
        %get3A_497 = vector.shape_cast %get3A_496 : vector<16xf32> to vector<16xf32>
        %swap3A_498 = arith.index_cast %add3A_490 : i32 to index
        %swap3A_499 = arith.constant 0 : index
        %swap3A_500 = tpu.vector_load %arg12[%swap3A_498, %swap3A_499] {strides = array<i32>} : memref<200x128xf32, #tpu.memory_space<vmem>>, vector<1x16xf32>,
        %swap3A_501 = vector.shape_cast %swap3A_500 : vector<1x16xf32> to vector<16xf32>
        %swap3A_502 = vector.shape_cast %get3A_497 : vector<16xf32> to vector<1x16xf32>
        tpu.vector_store %arg12[%swap3A_498, %swap3A_499], %swap3A_502 {add = true, strides = array<i32>} : memref<200x128xf32, #tpu.memory_space<vmem>>, vector<1x16xf32>,
        %mul3A_503 = arith.constant 64 : i32
        %mul3A_504 = arith.muli %add3A_490, %mul3A_503 : i32
        %add3A_505 = arith.constant 16 : i32
        %add3A_506 = arith.addi %mul3A_504, %add3A_505 : i32
        %get3A_507 = arith.index_cast %add3A_506 : i32 to index
        %get3A_508 = tpu.vector_load %arg6[%get3A_507] {strides = array<i32>} : memref<12800xf32, #tpu.memory_space<vmem>>, vector<16xf32>,
        %get3A_509 = vector.shape_cast %get3A_508 : vector<16xf32> to vector<16xf32>
        %swap3A_510 = arith.index_cast %add3A_490 : i32 to index
        %swap3A_511 = arith.constant 16 : index
        %swap3A_512 = tpu.vector_load %arg12[%swap3A_510, %swap3A_511] {strides = array<i32>} : memref<200x128xf32, #tpu.memory_space<vmem>>, vector<1x16xf32>,
        %swap3A_513 = vector.shape_cast %swap3A_512 : vector<1x16xf32> to vector<16xf32>
        %swap3A_514 = vector.shape_cast %get3A_509 : vector<16xf32> to vector<1x16xf32>
        tpu.vector_store %arg12[%swap3A_510, %swap3A_511], %swap3A_514 {add = true, strides = array<i32>} : memref<200x128xf32, #tpu.memory_space<vmem>>, vector<1x16xf32>,
        %mul3A_515 = arith.constant 64 : i32
        %mul3A_516 = arith.muli %add3A_490, %mul3A_515 : i32
        %add3A_517 = arith.constant 32 : i32
        %add3A_518 = arith.addi %mul3A_516, %add3A_517 : i32
        %get3A_519 = arith.index_cast %add3A_518 : i32 to index
        %get3A_520 = tpu.vector_load %arg6[%get3A_519] {strides = array<i32>} : memref<12800xf32, #tpu.memory_space<vmem>>, vector<16xf32>,
        %get3A_521 = vector.shape_cast %get3A_520 : vector<16xf32> to vector<16xf32>
        %swap3A_522 = arith.index_cast %add3A_490 : i32 to index
        %swap3A_523 = arith.constant 32 : index
        %swap3A_524 = tpu.vector_load %arg12[%swap3A_522, %swap3A_523] {strides = array<i32>} : memref<200x128xf32, #tpu.memory_space<vmem>>, vector<1x16xf32>,
        %swap3A_525 = vector.shape_cast %swap3A_524 : vector<1x16xf32> to vector<16xf32>
        %swap3A_526 = vector.shape_cast %get3A_521 : vector<16xf32> to vector<1x16xf32>
        tpu.vector_store %arg12[%swap3A_522, %swap3A_523], %swap3A_526 {add = true, strides = array<i32>} : memref<200x128xf32, #tpu.memory_space<vmem>>, vector<1x16xf32>,
        %mul3A_527 = arith.constant 64 : i32
        %mul3A_528 = arith.muli %add3A_490, %mul3A_527 : i32
        %add3A_529 = arith.constant 48 : i32
        %add3A_530 = arith.addi %mul3A_528, %add3A_529 : i32
        %get3A_531 = arith.index_cast %add3A_530 : i32 to index
        %get3A_532 = tpu.vector_load %arg6[%get3A_531] {strides = array<i32>} : memref<12800xf32, #tpu.memory_space<vmem>>, vector<16xf32>,
        %get3A_533 = vector.shape_cast %get3A_532 : vector<16xf32> to vector<16xf32>
        %swap3A_534 = arith.index_cast %add3A_490 : i32 to index
        %swap3A_535 = arith.constant 48 : index
        %swap3A_536 = tpu.vector_load %arg12[%swap3A_534, %swap3A_535] {strides = array<i32>} : memref<200x128xf32, #tpu.memory_space<vmem>>, vector<1x16xf32>,
        %swap3A_537 = vector.shape_cast %swap3A_536 : vector<1x16xf32> to vector<16xf32>
        %swap3A_538 = vector.shape_cast %get3A_533 : vector<16xf32> to vector<1x16xf32>
        tpu.vector_store %arg12[%swap3A_534, %swap3A_535], %swap3A_538 {add = true, strides = array<i32>} : memref<200x128xf32, #tpu.memory_space<vmem>>, vector<1x16xf32>,
        %scan3A_539 = arith.constant 6 : i32
        %scan3A_540 = arith.addi %scan3A_218, %scan3A_539 : i32
        %mul3A_541 = arith.constant 1 : i32
        %mul3A_542 = arith.muli %scan3A_540, %mul3A_541 : i32
        %add3A_543 = arith.constant 0 : i32
        %add3A_544 = arith.addi %add3A_543, %mul3A_542 : i32
        %mul3A_545 = arith.constant 64 : i32
        %mul3A_546 = arith.muli %add3A_544, %mul3A_545 : i32
        %add3A_547 = arith.constant 0 : i32
        %add3A_548 = arith.addi %mul3A_546, %add3A_547 : i32
        %get3A_549 = arith.index_cast %add3A_548 : i32 to index
        %get3A_550 = tpu.vector_load %arg6[%get3A_549] {strides = array<i32>} : memref<12800xf32, #tpu.memory_space<vmem>>, vector<16xf32>,
        %get3A_551 = vector.shape_cast %get3A_550 : vector<16xf32> to vector<16xf32>
        %swap3A_552 = arith.index_cast %add3A_544 : i32 to index
        %swap3A_553 = arith.constant 0 : index
        %swap3A_554 = tpu.vector_load %arg12[%swap3A_552, %swap3A_553] {strides = array<i32>} : memref<200x128xf32, #tpu.memory_space<vmem>>, vector<1x16xf32>,
        %swap3A_555 = vector.shape_cast %swap3A_554 : vector<1x16xf32> to vector<16xf32>
        %swap3A_556 = vector.shape_cast %get3A_551 : vector<16xf32> to vector<1x16xf32>
        tpu.vector_store %arg12[%swap3A_552, %swap3A_553], %swap3A_556 {add = true, strides = array<i32>} : memref<200x128xf32, #tpu.memory_space<vmem>>, vector<1x16xf32>,
        %mul3A_557 = arith.constant 64 : i32
        %mul3A_558 = arith.muli %add3A_544, %mul3A_557 : i32
        %add3A_559 = arith.constant 16 : i32
        %add3A_560 = arith.addi %mul3A_558, %add3A_559 : i32
        %get3A_561 = arith.index_cast %add3A_560 : i32 to index
        %get3A_562 = tpu.vector_load %arg6[%get3A_561] {strides = array<i32>} : memref<12800xf32, #tpu.memory_space<vmem>>, vector<16xf32>,
        %get3A_563 = vector.shape_cast %get3A_562 : vector<16xf32> to vector<16xf32>
        %swap3A_564 = arith.index_cast %add3A_544 : i32 to index
        %swap3A_565 = arith.constant 16 : index
        %swap3A_566 = tpu.vector_load %arg12[%swap3A_564, %swap3A_565] {strides = array<i32>} : memref<200x128xf32, #tpu.memory_space<vmem>>, vector<1x16xf32>,
        %swap3A_567 = vector.shape_cast %swap3A_566 : vector<1x16xf32> to vector<16xf32>
        %swap3A_568 = vector.shape_cast %get3A_563 : vector<16xf32> to vector<1x16xf32>
        tpu.vector_store %arg12[%swap3A_564, %swap3A_565], %swap3A_568 {add = true, strides = array<i32>} : memref<200x128xf32, #tpu.memory_space<vmem>>, vector<1x16xf32>,
        %mul3A_569 = arith.constant 64 : i32
        %mul3A_570 = arith.muli %add3A_544, %mul3A_569 : i32
        %add3A_571 = arith.constant 32 : i32
        %add3A_572 = arith.addi %mul3A_570, %add3A_571 : i32
        %get3A_573 = arith.index_cast %add3A_572 : i32 to index
        %get3A_574 = tpu.vector_load %arg6[%get3A_573] {strides = array<i32>} : memref<12800xf32, #tpu.memory_space<vmem>>, vector<16xf32>,
        %get3A_575 = vector.shape_cast %get3A_574 : vector<16xf32> to vector<16xf32>
        %swap3A_576 = arith.index_cast %add3A_544 : i32 to index
        %swap3A_577 = arith.constant 32 : index
        %swap3A_578 = tpu.vector_load %arg12[%swap3A_576, %swap3A_577] {strides = array<i32>} : memref<200x128xf32, #tpu.memory_space<vmem>>, vector<1x16xf32>,
        %swap3A_579 = vector.shape_cast %swap3A_578 : vector<1x16xf32> to vector<16xf32>
        %swap3A_580 = vector.shape_cast %get3A_575 : vector<16xf32> to vector<1x16xf32>
        tpu.vector_store %arg12[%swap3A_576, %swap3A_577], %swap3A_580 {add = true, strides = array<i32>} : memref<200x128xf32, #tpu.memory_space<vmem>>, vector<1x16xf32>,
        %mul3A_581 = arith.constant 64 : i32
        %mul3A_582 = arith.muli %add3A_544, %mul3A_581 : i32
        %add3A_583 = arith.constant 48 : i32
        %add3A_584 = arith.addi %mul3A_582, %add3A_583 : i32
        %get3A_585 = arith.index_cast %add3A_584 : i32 to index
        %get3A_586 = tpu.vector_load %arg6[%get3A_585] {strides = array<i32>} : memref<12800xf32, #tpu.memory_space<vmem>>, vector<16xf32>,
        %get3A_587 = vector.shape_cast %get3A_586 : vector<16xf32> to vector<16xf32>
        %swap3A_588 = arith.index_cast %add3A_544 : i32 to index
        %swap3A_589 = arith.constant 48 : index
        %swap3A_590 = tpu.vector_load %arg12[%swap3A_588, %swap3A_589] {strides = array<i32>} : memref<200x128xf32, #tpu.memory_space<vmem>>, vector<1x16xf32>,
        %swap3A_591 = vector.shape_cast %swap3A_590 : vector<1x16xf32> to vector<16xf32>
        %swap3A_592 = vector.shape_cast %get3A_587 : vector<16xf32> to vector<1x16xf32>
        tpu.vector_store %arg12[%swap3A_588, %swap3A_589], %swap3A_592 {add = true, strides = array<i32>} : memref<200x128xf32, #tpu.memory_space<vmem>>, vector<1x16xf32>,
        %scan3A_593 = arith.constant 7 : i32
        %scan3A_594 = arith.addi %scan3A_218, %scan3A_593 : i32
        %mul3A_595 = arith.constant 1 : i32
        %mul3A_596 = arith.muli %scan3A_594, %mul3A_595 : i32
        %add3A_597 = arith.constant 0 : i32
        %add3A_598 = arith.addi %add3A_597, %mul3A_596 : i32
        %mul3A_599 = arith.constant 64 : i32
        %mul3A_600 = arith.muli %add3A_598, %mul3A_599 : i32
        %add3A_601 = arith.constant 0 : i32
        %add3A_602 = arith.addi %mul3A_600, %add3A_601 : i32
        %get3A_603 = arith.index_cast %add3A_602 : i32 to index
        %get3A_604 = tpu.vector_load %arg6[%get3A_603] {strides = array<i32>} : memref<12800xf32, #tpu.memory_space<vmem>>, vector<16xf32>,
        %get3A_605 = vector.shape_cast %get3A_604 : vector<16xf32> to vector<16xf32>
        %swap3A_606 = arith.index_cast %add3A_598 : i32 to index
        %swap3A_607 = arith.constant 0 : index
        %swap3A_608 = tpu.vector_load %arg12[%swap3A_606, %swap3A_607] {strides = array<i32>} : memref<200x128xf32, #tpu.memory_space<vmem>>, vector<1x16xf32>,
        %swap3A_609 = vector.shape_cast %swap3A_608 : vector<1x16xf32> to vector<16xf32>
        %swap3A_610 = vector.shape_cast %get3A_605 : vector<16xf32> to vector<1x16xf32>
        tpu.vector_store %arg12[%swap3A_606, %swap3A_607], %swap3A_610 {add = true, strides = array<i32>} : memref<200x128xf32, #tpu.memory_space<vmem>>, vector<1x16xf32>,
        %mul3A_611 = arith.constant 64 : i32
        %mul3A_612 = arith.muli %add3A_598, %mul3A_611 : i32
        %add3A_613 = arith.constant 16 : i32
        %add3A_614 = arith.addi %mul3A_612, %add3A_613 : i32
        %get3A_615 = arith.index_cast %add3A_614 : i32 to index
        %get3A_616 = tpu.vector_load %arg6[%get3A_615] {strides = array<i32>} : memref<12800xf32, #tpu.memory_space<vmem>>, vector<16xf32>,
        %get3A_617 = vector.shape_cast %get3A_616 : vector<16xf32> to vector<16xf32>
        %swap3A_618 = arith.index_cast %add3A_598 : i32 to index
        %swap3A_619 = arith.constant 16 : index
        %swap3A_620 = tpu.vector_load %arg12[%swap3A_618, %swap3A_619] {strides = array<i32>} : memref<200x128xf32, #tpu.memory_space<vmem>>, vector<1x16xf32>,
        %swap3A_621 = vector.shape_cast %swap3A_620 : vector<1x16xf32> to vector<16xf32>
        %swap3A_622 = vector.shape_cast %get3A_617 : vector<16xf32> to vector<1x16xf32>
        tpu.vector_store %arg12[%swap3A_618, %swap3A_619], %swap3A_622 {add = true, strides = array<i32>} : memref<200x128xf32, #tpu.memory_space<vmem>>, vector<1x16xf32>,
        %mul3A_623 = arith.constant 64 : i32
        %mul3A_624 = arith.muli %add3A_598, %mul3A_623 : i32
        %add3A_625 = arith.constant 32 : i32
        %add3A_626 = arith.addi %mul3A_624, %add3A_625 : i32
        %get3A_627 = arith.index_cast %add3A_626 : i32 to index
        %get3A_628 = tpu.vector_load %arg6[%get3A_627] {strides = array<i32>} : memref<12800xf32, #tpu.memory_space<vmem>>, vector<16xf32>,
        %get3A_629 = vector.shape_cast %get3A_628 : vector<16xf32> to vector<16xf32>
        %swap3A_630 = arith.index_cast %add3A_598 : i32 to index
        %swap3A_631 = arith.constant 32 : index
        %swap3A_632 = tpu.vector_load %arg12[%swap3A_630, %swap3A_631] {strides = array<i32>} : memref<200x128xf32, #tpu.memory_space<vmem>>, vector<1x16xf32>,
        %swap3A_633 = vector.shape_cast %swap3A_632 : vector<1x16xf32> to vector<16xf32>
        %swap3A_634 = vector.shape_cast %get3A_629 : vector<16xf32> to vector<1x16xf32>
        tpu.vector_store %arg12[%swap3A_630, %swap3A_631], %swap3A_634 {add = true, strides = array<i32>} : memref<200x128xf32, #tpu.memory_space<vmem>>, vector<1x16xf32>,
        %mul3A_635 = arith.constant 64 : i32
        %mul3A_636 = arith.muli %add3A_598, %mul3A_635 : i32
        %add3A_637 = arith.constant 48 : i32
        %add3A_638 = arith.addi %mul3A_636, %add3A_637 : i32
        %get3A_639 = arith.index_cast %add3A_638 : i32 to index
        %get3A_640 = tpu.vector_load %arg6[%get3A_639] {strides = array<i32>} : memref<12800xf32, #tpu.memory_space<vmem>>, vector<16xf32>,
        %get3A_641 = vector.shape_cast %get3A_640 : vector<16xf32> to vector<16xf32>
        %swap3A_642 = arith.index_cast %add3A_598 : i32 to index
        %swap3A_643 = arith.constant 48 : index
        %swap3A_644 = tpu.vector_load %arg12[%swap3A_642, %swap3A_643] {strides = array<i32>} : memref<200x128xf32, #tpu.memory_space<vmem>>, vector<1x16xf32>,
        %swap3A_645 = vector.shape_cast %swap3A_644 : vector<1x16xf32> to vector<16xf32>
        %swap3A_646 = vector.shape_cast %get3A_641 : vector<16xf32> to vector<1x16xf32>
        tpu.vector_store %arg12[%swap3A_642, %swap3A_643], %swap3A_646 {add = true, strides = array<i32>} : memref<200x128xf32, #tpu.memory_space<vmem>>, vector<1x16xf32>,
      }
      %scan3A_138 = arith.constant 200 : i32
      %mul3A_139 = arith.constant 200 : i32
      %mul3A_140 = arith.muli %add3A_111, %mul3A_139 : i32
      %add3A_141 = arith.addi %mul3A_2, %mul3A_140 : i32
      %dma_start3A_142 = arith.constant 0 : i32
      %dma_start3A_143 = tpu.memref_slice %arg5[%add3A_141, %dma_start3A_142] : memref<819200x128xf32, #tpu.memory_space<hbm>> -> memref<200x128xf32, #tpu.memory_space<hbm>>
      %dma_start3A_144 = arith.constant 0 : i32
      %dma_start3A_145 = tpu.memref_slice %arg5[%add3A_141, %dma_start3A_144] : memref<819200x128xf32, #tpu.memory_space<hbm>> -> memref<200x128xf32, #tpu.memory_space<hbm>>
      tpu.enqueue_dma source(%arg12 : memref<200x128xf32, #tpu.memory_space<vmem>>) target(%dma_start3A_145 : memref<200x128xf32, #tpu.memory_space<hbm>>) target_semaphore(%arg24 : memref<!tpu.dma_semaphore, #tpu.memory_space<semaphore_mem>>)
      %add3A_146 = arith.constant 2 : i32
      %add3A_147 = arith.addi %add3A_77, %add3A_146 : i32
      %dma_wait3A_148 = arith.constant 0 : i32
      %dma_wait3A_149 = arith.constant 0 : i32
      %dma_wait3A_150 = tpu.memref_slice %arg3[%dma_wait3A_148, %dma_wait3A_149] : memref<100000x128xf32, #tpu.memory_space<hbm>> -> memref<100000x128xf32, #tpu.memory_space<hbm>>
      tpu.wait_indirect_dma semaphore(%arg21 : memref<!tpu.dma_semaphore, #tpu.memory_space<semaphore_mem>>) src(%dma_wait3A_150 : memref<100000x128xf32, #tpu.memory_space<hbm>>) dst(%arg13 : memref<200x128xf32, #tpu.memory_space<vmem>>)
      %add3A_151 = arith.constant 4 : i32
      %add3A_152 = arith.addi %add3A_147, %add3A_151 : i32
      %lt3A_153 = arith.constant 128 : i32
      %lt3A_154 = arith.cmpi slt, %add3A_152, %lt3A_153 : i32
      %convert_element_type3A_155 = arith.extui %lt3A_154 : i1 to i32
      %cond3A_156 = arith.constant 0 : i32
      %cond3A_157 = arith.cmpi ne, %convert_element_type3A_155, %cond3A_156 : i32
      scf.if %cond3A_157 {
        %add3A_218 = arith.constant 4 : i32
        %add3A_219 = arith.addi %add3A_147, %add3A_218 : i32
        %add3A_220 = arith.addi %mul3A_4, %add3A_219 : i32
        %dma_start3A_221 = arith.constant 0 : i32
        %dma_start3A_222 = tpu.memref_slice %arg2[%add3A_220, %dma_start3A_221] : memref<4096x200xi32, #tpu.memory_space<hbm>> -> memref<1x200xi32, #tpu.memory_space<hbm>>
        %dma_start3A_223 = tpu.memref_squeeze %dma_start3A_222 : memref<1x200xi32, #tpu.memory_space<hbm>> -> memref<200xi32, #tpu.memory_space<hbm>>
        %dma_start3A_224 = arith.constant 0 : i32
        %dma_start3A_225 = tpu.memref_slice %arg2[%add3A_220, %dma_start3A_224] : memref<4096x200xi32, #tpu.memory_space<hbm>> -> memref<1x200xi32, #tpu.memory_space<hbm>>
        %dma_start3A_226 = tpu.memref_squeeze %dma_start3A_225 : memref<1x200xi32, #tpu.memory_space<hbm>> -> memref<200xi32, #tpu.memory_space<hbm>>
        tpu.enqueue_dma source(%dma_start3A_226 : memref<200xi32, #tpu.memory_space<hbm>>) target(%arg9 : memref<200xi32, #tpu.memory_space<vmem>>) target_semaphore(%arg17 : memref<!tpu.dma_semaphore, #tpu.memory_space<semaphore_mem>>)
      } else {
      }
      %ge3A_158 = arith.constant 2 : i32
      %ge3A_159 = arith.cmpi sge, %add3A_147, %ge3A_158 : i32
      %convert_element_type3A_160 = arith.extui %ge3A_159 : i1 to i32
      %cond3A_161 = arith.constant 0 : i32
      %cond3A_162 = arith.cmpi ne, %convert_element_type3A_160, %cond3A_161 : i32
      scf.if %cond3A_162 {
        %sub3A = arith.constant 2 : i32
        %sub3A_218 = arith.subi %add3A_147, %sub3A : i32
        %mul3A_219 = arith.constant 200 : i32
        %mul3A_220 = arith.muli %sub3A_218, %mul3A_219 : i32
        %add3A_221 = arith.addi %mul3A_2, %mul3A_220 : i32
        %dma_wait3A_222 = arith.constant 0 : i32
        %dma_wait3A_223 = tpu.memref_slice %arg5[%add3A_221, %dma_wait3A_222] : memref<819200x128xf32, #tpu.memory_space<hbm>> -> memref<200x128xf32, #tpu.memory_space<hbm>>
        %dma_wait3A_224 = arith.constant 0 : i32
        %dma_wait3A_225 = tpu.memref_slice %arg5[%add3A_221, %dma_wait3A_224] : memref<819200x128xf32, #tpu.memory_space<hbm>> -> memref<200x128xf32, #tpu.memory_space<hbm>>
        tpu.wait_dma2 semaphore(%arg23 : memref<!tpu.dma_semaphore, #tpu.memory_space<semaphore_mem>>) src(%arg11 : memref<200x128xf32, #tpu.memory_space<vmem>>) dst(%dma_wait3A_225 : memref<200x128xf32, #tpu.memory_space<hbm>>)
      } else {
      }
      %add3A_163 = arith.constant 2 : i32
      %add3A_164 = arith.addi %add3A_147, %add3A_163 : i32
      %lt3A_165 = arith.constant 128 : i32
      %lt3A_166 = arith.cmpi slt, %add3A_164, %lt3A_165 : i32
      %convert_element_type3A_167 = arith.extui %lt3A_166 : i1 to i32
      %cond3A_168 = arith.constant 0 : i32
      %cond3A_169 = arith.cmpi ne, %convert_element_type3A_167, %cond3A_168 : i32
      scf.if %cond3A_169 {
        %add3A_218 = arith.constant 2 : i32
        %add3A_219 = arith.addi %add3A_147, %add3A_218 : i32
        %add3A_220 = arith.addi %mul3A_4, %add3A_219 : i32
        %dma_wait3A_221 = arith.constant 0 : i32
        %dma_wait3A_222 = tpu.memref_slice %arg2[%add3A_220, %dma_wait3A_221] : memref<4096x200xi32, #tpu.memory_space<hbm>> -> memref<1x200xi32, #tpu.memory_space<hbm>>
        %dma_wait3A_223 = tpu.memref_squeeze %dma_wait3A_222 : memref<1x200xi32, #tpu.memory_space<hbm>> -> memref<200xi32, #tpu.memory_space<hbm>>
        %dma_wait3A_224 = arith.constant 0 : i32
        %dma_wait3A_225 = tpu.memref_slice %arg2[%add3A_220, %dma_wait3A_224] : memref<4096x200xi32, #tpu.memory_space<hbm>> -> memref<1x200xi32, #tpu.memory_space<hbm>>
        %dma_wait3A_226 = tpu.memref_squeeze %dma_wait3A_225 : memref<1x200xi32, #tpu.memory_space<hbm>> -> memref<200xi32, #tpu.memory_space<hbm>>
        tpu.wait_dma2 semaphore(%arg15 : memref<!tpu.dma_semaphore, #tpu.memory_space<semaphore_mem>>) src(%dma_wait3A_226 : memref<200xi32, #tpu.memory_space<hbm>>) dst(%arg7 : memref<200xi32, #tpu.memory_space<vmem>>)
        %add3A_227 = arith.constant 2 : i32
        %add3A_228 = arith.addi %add3A_147, %add3A_227 : i32
        %dma_start3A_229 = arith.constant 0 : i32
        %dma_start3A_230 = arith.constant 0 : i32
        %dma_start3A_231 = tpu.memref_slice %arg3[%dma_start3A_229, %dma_start3A_230] : memref<100000x128xf32, #tpu.memory_space<hbm>> -> memref<100000x128xf32, #tpu.memory_space<hbm>>
        tpu.enqueue_indirect_dma source(%dma_start3A_231 : memref<100000x128xf32, #tpu.memory_space<hbm>>) target(%arg11 : memref<200x128xf32, #tpu.memory_space<vmem>>) offsets(%arg7 : memref<200xi32, #tpu.memory_space<vmem>>) semaphore(%arg19 : memref<!tpu.dma_semaphore, #tpu.memory_space<semaphore_mem>>)
      } else {
      }
      %scan3A_170 = arith.constant 0 : i32
      %scan3A_171 = arith.constant 200 : i32
      %scan3A_172 = arith.addi %scan3A_170, %scan3A_171 : i32
      %scan3A_173 = arith.constant 8 : i32
      scf.for %scan3A_218 = %scan3A_170 to %scan3A_172 step %scan3A_173  : i32 {
        %mul3A_219 = arith.constant 1 : i32
        %mul3A_220 = arith.muli %scan3A_218, %mul3A_219 : i32
        %add3A_221 = arith.constant 0 : i32
        %add3A_222 = arith.addi %add3A_221, %mul3A_220 : i32
        %mul3A_223 = arith.constant 64 : i32
        %mul3A_224 = arith.muli %add3A_222, %mul3A_223 : i32
        %add3A_225 = arith.constant 0 : i32
        %add3A_226 = arith.addi %mul3A_224, %add3A_225 : i32
        %get3A = arith.index_cast %add3A_226 : i32 to index
        %get3A_227 = tpu.vector_load %arg6[%get3A] {strides = array<i32>} : memref<12800xf32, #tpu.memory_space<vmem>>, vector<16xf32>,
        %get3A_228 = vector.shape_cast %get3A_227 : vector<16xf32> to vector<16xf32>
        %swap3A = arith.index_cast %add3A_222 : i32 to index
        %swap3A_229 = arith.constant 0 : index
        %swap3A_230 = tpu.vector_load %arg13[%swap3A, %swap3A_229] {strides = array<i32>} : memref<200x128xf32, #tpu.memory_space<vmem>>, vector<1x16xf32>,
        %swap3A_231 = vector.shape_cast %swap3A_230 : vector<1x16xf32> to vector<16xf32>
        %swap3A_232 = vector.shape_cast %get3A_228 : vector<16xf32> to vector<1x16xf32>
        tpu.vector_store %arg13[%swap3A, %swap3A_229], %swap3A_232 {add = true, strides = array<i32>} : memref<200x128xf32, #tpu.memory_space<vmem>>, vector<1x16xf32>,
        %mul3A_233 = arith.constant 64 : i32
        %mul3A_234 = arith.muli %add3A_222, %mul3A_233 : i32
        %add3A_235 = arith.constant 16 : i32
        %add3A_236 = arith.addi %mul3A_234, %add3A_235 : i32
        %get3A_237 = arith.index_cast %add3A_236 : i32 to index
        %get3A_238 = tpu.vector_load %arg6[%get3A_237] {strides = array<i32>} : memref<12800xf32, #tpu.memory_space<vmem>>, vector<16xf32>,
        %get3A_239 = vector.shape_cast %get3A_238 : vector<16xf32> to vector<16xf32>
        %swap3A_240 = arith.index_cast %add3A_222 : i32 to index
        %swap3A_241 = arith.constant 16 : index
        %swap3A_242 = tpu.vector_load %arg13[%swap3A_240, %swap3A_241] {strides = array<i32>} : memref<200x128xf32, #tpu.memory_space<vmem>>, vector<1x16xf32>,
        %swap3A_243 = vector.shape_cast %swap3A_242 : vector<1x16xf32> to vector<16xf32>
        %swap3A_244 = vector.shape_cast %get3A_239 : vector<16xf32> to vector<1x16xf32>
        tpu.vector_store %arg13[%swap3A_240, %swap3A_241], %swap3A_244 {add = true, strides = array<i32>} : memref<200x128xf32, #tpu.memory_space<vmem>>, vector<1x16xf32>,
        %mul3A_245 = arith.constant 64 : i32
        %mul3A_246 = arith.muli %add3A_222, %mul3A_245 : i32
        %add3A_247 = arith.constant 32 : i32
        %add3A_248 = arith.addi %mul3A_246, %add3A_247 : i32
        %get3A_249 = arith.index_cast %add3A_248 : i32 to index
        %get3A_250 = tpu.vector_load %arg6[%get3A_249] {strides = array<i32>} : memref<12800xf32, #tpu.memory_space<vmem>>, vector<16xf32>,
        %get3A_251 = vector.shape_cast %get3A_250 : vector<16xf32> to vector<16xf32>
        %swap3A_252 = arith.index_cast %add3A_222 : i32 to index
        %swap3A_253 = arith.constant 32 : index
        %swap3A_254 = tpu.vector_load %arg13[%swap3A_252, %swap3A_253] {strides = array<i32>} : memref<200x128xf32, #tpu.memory_space<vmem>>, vector<1x16xf32>,
        %swap3A_255 = vector.shape_cast %swap3A_254 : vector<1x16xf32> to vector<16xf32>
        %swap3A_256 = vector.shape_cast %get3A_251 : vector<16xf32> to vector<1x16xf32>
        tpu.vector_store %arg13[%swap3A_252, %swap3A_253], %swap3A_256 {add = true, strides = array<i32>} : memref<200x128xf32, #tpu.memory_space<vmem>>, vector<1x16xf32>,
        %mul3A_257 = arith.constant 64 : i32
        %mul3A_258 = arith.muli %add3A_222, %mul3A_257 : i32
        %add3A_259 = arith.constant 48 : i32
        %add3A_260 = arith.addi %mul3A_258, %add3A_259 : i32
        %get3A_261 = arith.index_cast %add3A_260 : i32 to index
        %get3A_262 = tpu.vector_load %arg6[%get3A_261] {strides = array<i32>} : memref<12800xf32, #tpu.memory_space<vmem>>, vector<16xf32>,
        %get3A_263 = vector.shape_cast %get3A_262 : vector<16xf32> to vector<16xf32>
        %swap3A_264 = arith.index_cast %add3A_222 : i32 to index
        %swap3A_265 = arith.constant 48 : index
        %swap3A_266 = tpu.vector_load %arg13[%swap3A_264, %swap3A_265] {strides = array<i32>} : memref<200x128xf32, #tpu.memory_space<vmem>>, vector<1x16xf32>,
        %swap3A_267 = vector.shape_cast %swap3A_266 : vector<1x16xf32> to vector<16xf32>
        %swap3A_268 = vector.shape_cast %get3A_263 : vector<16xf32> to vector<1x16xf32>
        tpu.vector_store %arg13[%swap3A_264, %swap3A_265], %swap3A_268 {add = true, strides = array<i32>} : memref<200x128xf32, #tpu.memory_space<vmem>>, vector<1x16xf32>,
        %scan3A_269 = arith.constant 1 : i32
        %scan3A_270 = arith.addi %scan3A_218, %scan3A_269 : i32
        %mul3A_271 = arith.constant 1 : i32
        %mul3A_272 = arith.muli %scan3A_270, %mul3A_271 : i32
        %add3A_273 = arith.constant 0 : i32
        %add3A_274 = arith.addi %add3A_273, %mul3A_272 : i32
        %mul3A_275 = arith.constant 64 : i32
        %mul3A_276 = arith.muli %add3A_274, %mul3A_275 : i32
        %add3A_277 = arith.constant 0 : i32
        %add3A_278 = arith.addi %mul3A_276, %add3A_277 : i32
        %get3A_279 = arith.index_cast %add3A_278 : i32 to index
        %get3A_280 = tpu.vector_load %arg6[%get3A_279] {strides = array<i32>} : memref<12800xf32, #tpu.memory_space<vmem>>, vector<16xf32>,
        %get3A_281 = vector.shape_cast %get3A_280 : vector<16xf32> to vector<16xf32>
        %swap3A_282 = arith.index_cast %add3A_274 : i32 to index
        %swap3A_283 = arith.constant 0 : index
        %swap3A_284 = tpu.vector_load %arg13[%swap3A_282, %swap3A_283] {strides = array<i32>} : memref<200x128xf32, #tpu.memory_space<vmem>>, vector<1x16xf32>,
        %swap3A_285 = vector.shape_cast %swap3A_284 : vector<1x16xf32> to vector<16xf32>
        %swap3A_286 = vector.shape_cast %get3A_281 : vector<16xf32> to vector<1x16xf32>
        tpu.vector_store %arg13[%swap3A_282, %swap3A_283], %swap3A_286 {add = true, strides = array<i32>} : memref<200x128xf32, #tpu.memory_space<vmem>>, vector<1x16xf32>,
        %mul3A_287 = arith.constant 64 : i32
        %mul3A_288 = arith.muli %add3A_274, %mul3A_287 : i32
        %add3A_289 = arith.constant 16 : i32
        %add3A_290 = arith.addi %mul3A_288, %add3A_289 : i32
        %get3A_291 = arith.index_cast %add3A_290 : i32 to index
        %get3A_292 = tpu.vector_load %arg6[%get3A_291] {strides = array<i32>} : memref<12800xf32, #tpu.memory_space<vmem>>, vector<16xf32>,
        %get3A_293 = vector.shape_cast %get3A_292 : vector<16xf32> to vector<16xf32>
        %swap3A_294 = arith.index_cast %add3A_274 : i32 to index
        %swap3A_295 = arith.constant 16 : index
        %swap3A_296 = tpu.vector_load %arg13[%swap3A_294, %swap3A_295] {strides = array<i32>} : memref<200x128xf32, #tpu.memory_space<vmem>>, vector<1x16xf32>,
        %swap3A_297 = vector.shape_cast %swap3A_296 : vector<1x16xf32> to vector<16xf32>
        %swap3A_298 = vector.shape_cast %get3A_293 : vector<16xf32> to vector<1x16xf32>
        tpu.vector_store %arg13[%swap3A_294, %swap3A_295], %swap3A_298 {add = true, strides = array<i32>} : memref<200x128xf32, #tpu.memory_space<vmem>>, vector<1x16xf32>,
        %mul3A_299 = arith.constant 64 : i32
        %mul3A_300 = arith.muli %add3A_274, %mul3A_299 : i32
        %add3A_301 = arith.constant 32 : i32
        %add3A_302 = arith.addi %mul3A_300, %add3A_301 : i32
        %get3A_303 = arith.index_cast %add3A_302 : i32 to index
        %get3A_304 = tpu.vector_load %arg6[%get3A_303] {strides = array<i32>} : memref<12800xf32, #tpu.memory_space<vmem>>, vector<16xf32>,
        %get3A_305 = vector.shape_cast %get3A_304 : vector<16xf32> to vector<16xf32>
        %swap3A_306 = arith.index_cast %add3A_274 : i32 to index
        %swap3A_307 = arith.constant 32 : index
        %swap3A_308 = tpu.vector_load %arg13[%swap3A_306, %swap3A_307] {strides = array<i32>} : memref<200x128xf32, #tpu.memory_space<vmem>>, vector<1x16xf32>,
        %swap3A_309 = vector.shape_cast %swap3A_308 : vector<1x16xf32> to vector<16xf32>
        %swap3A_310 = vector.shape_cast %get3A_305 : vector<16xf32> to vector<1x16xf32>
        tpu.vector_store %arg13[%swap3A_306, %swap3A_307], %swap3A_310 {add = true, strides = array<i32>} : memref<200x128xf32, #tpu.memory_space<vmem>>, vector<1x16xf32>,
        %mul3A_311 = arith.constant 64 : i32
        %mul3A_312 = arith.muli %add3A_274, %mul3A_311 : i32
        %add3A_313 = arith.constant 48 : i32
        %add3A_314 = arith.addi %mul3A_312, %add3A_313 : i32
        %get3A_315 = arith.index_cast %add3A_314 : i32 to index
        %get3A_316 = tpu.vector_load %arg6[%get3A_315] {strides = array<i32>} : memref<12800xf32, #tpu.memory_space<vmem>>, vector<16xf32>,
        %get3A_317 = vector.shape_cast %get3A_316 : vector<16xf32> to vector<16xf32>
        %swap3A_318 = arith.index_cast %add3A_274 : i32 to index
        %swap3A_319 = arith.constant 48 : index
        %swap3A_320 = tpu.vector_load %arg13[%swap3A_318, %swap3A_319] {strides = array<i32>} : memref<200x128xf32, #tpu.memory_space<vmem>>, vector<1x16xf32>,
        %swap3A_321 = vector.shape_cast %swap3A_320 : vector<1x16xf32> to vector<16xf32>
        %swap3A_322 = vector.shape_cast %get3A_317 : vector<16xf32> to vector<1x16xf32>
        tpu.vector_store %arg13[%swap3A_318, %swap3A_319], %swap3A_322 {add = true, strides = array<i32>} : memref<200x128xf32, #tpu.memory_space<vmem>>, vector<1x16xf32>,
        %scan3A_323 = arith.constant 2 : i32
        %scan3A_324 = arith.addi %scan3A_218, %scan3A_323 : i32
        %mul3A_325 = arith.constant 1 : i32
        %mul3A_326 = arith.muli %scan3A_324, %mul3A_325 : i32
        %add3A_327 = arith.constant 0 : i32
        %add3A_328 = arith.addi %add3A_327, %mul3A_326 : i32
        %mul3A_329 = arith.constant 64 : i32
        %mul3A_330 = arith.muli %add3A_328, %mul3A_329 : i32
        %add3A_331 = arith.constant 0 : i32
        %add3A_332 = arith.addi %mul3A_330, %add3A_331 : i32
        %get3A_333 = arith.index_cast %add3A_332 : i32 to index
        %get3A_334 = tpu.vector_load %arg6[%get3A_333] {strides = array<i32>} : memref<12800xf32, #tpu.memory_space<vmem>>, vector<16xf32>,
        %get3A_335 = vector.shape_cast %get3A_334 : vector<16xf32> to vector<16xf32>
        %swap3A_336 = arith.index_cast %add3A_328 : i32 to index
        %swap3A_337 = arith.constant 0 : index
        %swap3A_338 = tpu.vector_load %arg13[%swap3A_336, %swap3A_337] {strides = array<i32>} : memref<200x128xf32, #tpu.memory_space<vmem>>, vector<1x16xf32>,
        %swap3A_339 = vector.shape_cast %swap3A_338 : vector<1x16xf32> to vector<16xf32>
        %swap3A_340 = vector.shape_cast %get3A_335 : vector<16xf32> to vector<1x16xf32>
        tpu.vector_store %arg13[%swap3A_336, %swap3A_337], %swap3A_340 {add = true, strides = array<i32>} : memref<200x128xf32, #tpu.memory_space<vmem>>, vector<1x16xf32>,
        %mul3A_341 = arith.constant 64 : i32
        %mul3A_342 = arith.muli %add3A_328, %mul3A_341 : i32
        %add3A_343 = arith.constant 16 : i32
        %add3A_344 = arith.addi %mul3A_342, %add3A_343 : i32
        %get3A_345 = arith.index_cast %add3A_344 : i32 to index
        %get3A_346 = tpu.vector_load %arg6[%get3A_345] {strides = array<i32>} : memref<12800xf32, #tpu.memory_space<vmem>>, vector<16xf32>,
        %get3A_347 = vector.shape_cast %get3A_346 : vector<16xf32> to vector<16xf32>
        %swap3A_348 = arith.index_cast %add3A_328 : i32 to index
        %swap3A_349 = arith.constant 16 : index
        %swap3A_350 = tpu.vector_load %arg13[%swap3A_348, %swap3A_349] {strides = array<i32>} : memref<200x128xf32, #tpu.memory_space<vmem>>, vector<1x16xf32>,
        %swap3A_351 = vector.shape_cast %swap3A_350 : vector<1x16xf32> to vector<16xf32>
        %swap3A_352 = vector.shape_cast %get3A_347 : vector<16xf32> to vector<1x16xf32>
        tpu.vector_store %arg13[%swap3A_348, %swap3A_349], %swap3A_352 {add = true, strides = array<i32>} : memref<200x128xf32, #tpu.memory_space<vmem>>, vector<1x16xf32>,
        %mul3A_353 = arith.constant 64 : i32
        %mul3A_354 = arith.muli %add3A_328, %mul3A_353 : i32
        %add3A_355 = arith.constant 32 : i32
        %add3A_356 = arith.addi %mul3A_354, %add3A_355 : i32
        %get3A_357 = arith.index_cast %add3A_356 : i32 to index
        %get3A_358 = tpu.vector_load %arg6[%get3A_357] {strides = array<i32>} : memref<12800xf32, #tpu.memory_space<vmem>>, vector<16xf32>,
        %get3A_359 = vector.shape_cast %get3A_358 : vector<16xf32> to vector<16xf32>
        %swap3A_360 = arith.index_cast %add3A_328 : i32 to index
        %swap3A_361 = arith.constant 32 : index
        %swap3A_362 = tpu.vector_load %arg13[%swap3A_360, %swap3A_361] {strides = array<i32>} : memref<200x128xf32, #tpu.memory_space<vmem>>, vector<1x16xf32>,
        %swap3A_363 = vector.shape_cast %swap3A_362 : vector<1x16xf32> to vector<16xf32>
        %swap3A_364 = vector.shape_cast %get3A_359 : vector<16xf32> to vector<1x16xf32>
        tpu.vector_store %arg13[%swap3A_360, %swap3A_361], %swap3A_364 {add = true, strides = array<i32>} : memref<200x128xf32, #tpu.memory_space<vmem>>, vector<1x16xf32>,
        %mul3A_365 = arith.constant 64 : i32
        %mul3A_366 = arith.muli %add3A_328, %mul3A_365 : i32
        %add3A_367 = arith.constant 48 : i32
        %add3A_368 = arith.addi %mul3A_366, %add3A_367 : i32
        %get3A_369 = arith.index_cast %add3A_368 : i32 to index
        %get3A_370 = tpu.vector_load %arg6[%get3A_369] {strides = array<i32>} : memref<12800xf32, #tpu.memory_space<vmem>>, vector<16xf32>,
        %get3A_371 = vector.shape_cast %get3A_370 : vector<16xf32> to vector<16xf32>
        %swap3A_372 = arith.index_cast %add3A_328 : i32 to index
        %swap3A_373 = arith.constant 48 : index
        %swap3A_374 = tpu.vector_load %arg13[%swap3A_372, %swap3A_373] {strides = array<i32>} : memref<200x128xf32, #tpu.memory_space<vmem>>, vector<1x16xf32>,
        %swap3A_375 = vector.shape_cast %swap3A_374 : vector<1x16xf32> to vector<16xf32>
        %swap3A_376 = vector.shape_cast %get3A_371 : vector<16xf32> to vector<1x16xf32>
        tpu.vector_store %arg13[%swap3A_372, %swap3A_373], %swap3A_376 {add = true, strides = array<i32>} : memref<200x128xf32, #tpu.memory_space<vmem>>, vector<1x16xf32>,
        %scan3A_377 = arith.constant 3 : i32
        %scan3A_378 = arith.addi %scan3A_218, %scan3A_377 : i32
        %mul3A_379 = arith.constant 1 : i32
        %mul3A_380 = arith.muli %scan3A_378, %mul3A_379 : i32
        %add3A_381 = arith.constant 0 : i32
        %add3A_382 = arith.addi %add3A_381, %mul3A_380 : i32
        %mul3A_383 = arith.constant 64 : i32
        %mul3A_384 = arith.muli %add3A_382, %mul3A_383 : i32
        %add3A_385 = arith.constant 0 : i32
        %add3A_386 = arith.addi %mul3A_384, %add3A_385 : i32
        %get3A_387 = arith.index_cast %add3A_386 : i32 to index
        %get3A_388 = tpu.vector_load %arg6[%get3A_387] {strides = array<i32>} : memref<12800xf32, #tpu.memory_space<vmem>>, vector<16xf32>,
        %get3A_389 = vector.shape_cast %get3A_388 : vector<16xf32> to vector<16xf32>
        %swap3A_390 = arith.index_cast %add3A_382 : i32 to index
        %swap3A_391 = arith.constant 0 : index
        %swap3A_392 = tpu.vector_load %arg13[%swap3A_390, %swap3A_391] {strides = array<i32>} : memref<200x128xf32, #tpu.memory_space<vmem>>, vector<1x16xf32>,
        %swap3A_393 = vector.shape_cast %swap3A_392 : vector<1x16xf32> to vector<16xf32>
        %swap3A_394 = vector.shape_cast %get3A_389 : vector<16xf32> to vector<1x16xf32>
        tpu.vector_store %arg13[%swap3A_390, %swap3A_391], %swap3A_394 {add = true, strides = array<i32>} : memref<200x128xf32, #tpu.memory_space<vmem>>, vector<1x16xf32>,
        %mul3A_395 = arith.constant 64 : i32
        %mul3A_396 = arith.muli %add3A_382, %mul3A_395 : i32
        %add3A_397 = arith.constant 16 : i32
        %add3A_398 = arith.addi %mul3A_396, %add3A_397 : i32
        %get3A_399 = arith.index_cast %add3A_398 : i32 to index
        %get3A_400 = tpu.vector_load %arg6[%get3A_399] {strides = array<i32>} : memref<12800xf32, #tpu.memory_space<vmem>>, vector<16xf32>,
        %get3A_401 = vector.shape_cast %get3A_400 : vector<16xf32> to vector<16xf32>
        %swap3A_402 = arith.index_cast %add3A_382 : i32 to index
        %swap3A_403 = arith.constant 16 : index
        %swap3A_404 = tpu.vector_load %arg13[%swap3A_402, %swap3A_403] {strides = array<i32>} : memref<200x128xf32, #tpu.memory_space<vmem>>, vector<1x16xf32>,
        %swap3A_405 = vector.shape_cast %swap3A_404 : vector<1x16xf32> to vector<16xf32>
        %swap3A_406 = vector.shape_cast %get3A_401 : vector<16xf32> to vector<1x16xf32>
        tpu.vector_store %arg13[%swap3A_402, %swap3A_403], %swap3A_406 {add = true, strides = array<i32>} : memref<200x128xf32, #tpu.memory_space<vmem>>, vector<1x16xf32>,
        %mul3A_407 = arith.constant 64 : i32
        %mul3A_408 = arith.muli %add3A_382, %mul3A_407 : i32
        %add3A_409 = arith.constant 32 : i32
        %add3A_410 = arith.addi %mul3A_408, %add3A_409 : i32
        %get3A_411 = arith.index_cast %add3A_410 : i32 to index
        %get3A_412 = tpu.vector_load %arg6[%get3A_411] {strides = array<i32>} : memref<12800xf32, #tpu.memory_space<vmem>>, vector<16xf32>,
        %get3A_413 = vector.shape_cast %get3A_412 : vector<16xf32> to vector<16xf32>
        %swap3A_414 = arith.index_cast %add3A_382 : i32 to index
        %swap3A_415 = arith.constant 32 : index
        %swap3A_416 = tpu.vector_load %arg13[%swap3A_414, %swap3A_415] {strides = array<i32>} : memref<200x128xf32, #tpu.memory_space<vmem>>, vector<1x16xf32>,
        %swap3A_417 = vector.shape_cast %swap3A_416 : vector<1x16xf32> to vector<16xf32>
        %swap3A_418 = vector.shape_cast %get3A_413 : vector<16xf32> to vector<1x16xf32>
        tpu.vector_store %arg13[%swap3A_414, %swap3A_415], %swap3A_418 {add = true, strides = array<i32>} : memref<200x128xf32, #tpu.memory_space<vmem>>, vector<1x16xf32>,
        %mul3A_419 = arith.constant 64 : i32
        %mul3A_420 = arith.muli %add3A_382, %mul3A_419 : i32
        %add3A_421 = arith.constant 48 : i32
        %add3A_422 = arith.addi %mul3A_420, %add3A_421 : i32
        %get3A_423 = arith.index_cast %add3A_422 : i32 to index
        %get3A_424 = tpu.vector_load %arg6[%get3A_423] {strides = array<i32>} : memref<12800xf32, #tpu.memory_space<vmem>>, vector<16xf32>,
        %get3A_425 = vector.shape_cast %get3A_424 : vector<16xf32> to vector<16xf32>
        %swap3A_426 = arith.index_cast %add3A_382 : i32 to index
        %swap3A_427 = arith.constant 48 : index
        %swap3A_428 = tpu.vector_load %arg13[%swap3A_426, %swap3A_427] {strides = array<i32>} : memref<200x128xf32, #tpu.memory_space<vmem>>, vector<1x16xf32>,
        %swap3A_429 = vector.shape_cast %swap3A_428 : vector<1x16xf32> to vector<16xf32>
        %swap3A_430 = vector.shape_cast %get3A_425 : vector<16xf32> to vector<1x16xf32>
        tpu.vector_store %arg13[%swap3A_426, %swap3A_427], %swap3A_430 {add = true, strides = array<i32>} : memref<200x128xf32, #tpu.memory_space<vmem>>, vector<1x16xf32>,
        %scan3A_431 = arith.constant 4 : i32
        %scan3A_432 = arith.addi %scan3A_218, %scan3A_431 : i32
        %mul3A_433 = arith.constant 1 : i32
        %mul3A_434 = arith.muli %scan3A_432, %mul3A_433 : i32
        %add3A_435 = arith.constant 0 : i32
        %add3A_436 = arith.addi %add3A_435, %mul3A_434 : i32
        %mul3A_437 = arith.constant 64 : i32
        %mul3A_438 = arith.muli %add3A_436, %mul3A_437 : i32
        %add3A_439 = arith.constant 0 : i32
        %add3A_440 = arith.addi %mul3A_438, %add3A_439 : i32
        %get3A_441 = arith.index_cast %add3A_440 : i32 to index
        %get3A_442 = tpu.vector_load %arg6[%get3A_441] {strides = array<i32>} : memref<12800xf32, #tpu.memory_space<vmem>>, vector<16xf32>,
        %get3A_443 = vector.shape_cast %get3A_442 : vector<16xf32> to vector<16xf32>
        %swap3A_444 = arith.index_cast %add3A_436 : i32 to index
        %swap3A_445 = arith.constant 0 : index
        %swap3A_446 = tpu.vector_load %arg13[%swap3A_444, %swap3A_445] {strides = array<i32>} : memref<200x128xf32, #tpu.memory_space<vmem>>, vector<1x16xf32>,
        %swap3A_447 = vector.shape_cast %swap3A_446 : vector<1x16xf32> to vector<16xf32>
        %swap3A_448 = vector.shape_cast %get3A_443 : vector<16xf32> to vector<1x16xf32>
        tpu.vector_store %arg13[%swap3A_444, %swap3A_445], %swap3A_448 {add = true, strides = array<i32>} : memref<200x128xf32, #tpu.memory_space<vmem>>, vector<1x16xf32>,
        %mul3A_449 = arith.constant 64 : i32
        %mul3A_450 = arith.muli %add3A_436, %mul3A_449 : i32
        %add3A_451 = arith.constant 16 : i32
        %add3A_452 = arith.addi %mul3A_450, %add3A_451 : i32
        %get3A_453 = arith.index_cast %add3A_452 : i32 to index
        %get3A_454 = tpu.vector_load %arg6[%get3A_453] {strides = array<i32>} : memref<12800xf32, #tpu.memory_space<vmem>>, vector<16xf32>,
        %get3A_455 = vector.shape_cast %get3A_454 : vector<16xf32> to vector<16xf32>
        %swap3A_456 = arith.index_cast %add3A_436 : i32 to index
        %swap3A_457 = arith.constant 16 : index
        %swap3A_458 = tpu.vector_load %arg13[%swap3A_456, %swap3A_457] {strides = array<i32>} : memref<200x128xf32, #tpu.memory_space<vmem>>, vector<1x16xf32>,
        %swap3A_459 = vector.shape_cast %swap3A_458 : vector<1x16xf32> to vector<16xf32>
        %swap3A_460 = vector.shape_cast %get3A_455 : vector<16xf32> to vector<1x16xf32>
        tpu.vector_store %arg13[%swap3A_456, %swap3A_457], %swap3A_460 {add = true, strides = array<i32>} : memref<200x128xf32, #tpu.memory_space<vmem>>, vector<1x16xf32>,
        %mul3A_461 = arith.constant 64 : i32
        %mul3A_462 = arith.muli %add3A_436, %mul3A_461 : i32
        %add3A_463 = arith.constant 32 : i32
        %add3A_464 = arith.addi %mul3A_462, %add3A_463 : i32
        %get3A_465 = arith.index_cast %add3A_464 : i32 to index
        %get3A_466 = tpu.vector_load %arg6[%get3A_465] {strides = array<i32>} : memref<12800xf32, #tpu.memory_space<vmem>>, vector<16xf32>,
        %get3A_467 = vector.shape_cast %get3A_466 : vector<16xf32> to vector<16xf32>
        %swap3A_468 = arith.index_cast %add3A_436 : i32 to index
        %swap3A_469 = arith.constant 32 : index
        %swap3A_470 = tpu.vector_load %arg13[%swap3A_468, %swap3A_469] {strides = array<i32>} : memref<200x128xf32, #tpu.memory_space<vmem>>, vector<1x16xf32>,
        %swap3A_471 = vector.shape_cast %swap3A_470 : vector<1x16xf32> to vector<16xf32>
        %swap3A_472 = vector.shape_cast %get3A_467 : vector<16xf32> to vector<1x16xf32>
        tpu.vector_store %arg13[%swap3A_468, %swap3A_469], %swap3A_472 {add = true, strides = array<i32>} : memref<200x128xf32, #tpu.memory_space<vmem>>, vector<1x16xf32>,
        %mul3A_473 = arith.constant 64 : i32
        %mul3A_474 = arith.muli %add3A_436, %mul3A_473 : i32
        %add3A_475 = arith.constant 48 : i32
        %add3A_476 = arith.addi %mul3A_474, %add3A_475 : i32
        %get3A_477 = arith.index_cast %add3A_476 : i32 to index
        %get3A_478 = tpu.vector_load %arg6[%get3A_477] {strides = array<i32>} : memref<12800xf32, #tpu.memory_space<vmem>>, vector<16xf32>,
        %get3A_479 = vector.shape_cast %get3A_478 : vector<16xf32> to vector<16xf32>
        %swap3A_480 = arith.index_cast %add3A_436 : i32 to index
        %swap3A_481 = arith.constant 48 : index
        %swap3A_482 = tpu.vector_load %arg13[%swap3A_480, %swap3A_481] {strides = array<i32>} : memref<200x128xf32, #tpu.memory_space<vmem>>, vector<1x16xf32>,
        %swap3A_483 = vector.shape_cast %swap3A_482 : vector<1x16xf32> to vector<16xf32>
        %swap3A_484 = vector.shape_cast %get3A_479 : vector<16xf32> to vector<1x16xf32>
        tpu.vector_store %arg13[%swap3A_480, %swap3A_481], %swap3A_484 {add = true, strides = array<i32>} : memref<200x128xf32, #tpu.memory_space<vmem>>, vector<1x16xf32>,
        %scan3A_485 = arith.constant 5 : i32
        %scan3A_486 = arith.addi %scan3A_218, %scan3A_485 : i32
        %mul3A_487 = arith.constant 1 : i32
        %mul3A_488 = arith.muli %scan3A_486, %mul3A_487 : i32
        %add3A_489 = arith.constant 0 : i32
        %add3A_490 = arith.addi %add3A_489, %mul3A_488 : i32
        %mul3A_491 = arith.constant 64 : i32
        %mul3A_492 = arith.muli %add3A_490, %mul3A_491 : i32
        %add3A_493 = arith.constant 0 : i32
        %add3A_494 = arith.addi %mul3A_492, %add3A_493 : i32
        %get3A_495 = arith.index_cast %add3A_494 : i32 to index
        %get3A_496 = tpu.vector_load %arg6[%get3A_495] {strides = array<i32>} : memref<12800xf32, #tpu.memory_space<vmem>>, vector<16xf32>,
        %get3A_497 = vector.shape_cast %get3A_496 : vector<16xf32> to vector<16xf32>
        %swap3A_498 = arith.index_cast %add3A_490 : i32 to index
        %swap3A_499 = arith.constant 0 : index
        %swap3A_500 = tpu.vector_load %arg13[%swap3A_498, %swap3A_499] {strides = array<i32>} : memref<200x128xf32, #tpu.memory_space<vmem>>, vector<1x16xf32>,
        %swap3A_501 = vector.shape_cast %swap3A_500 : vector<1x16xf32> to vector<16xf32>
        %swap3A_502 = vector.shape_cast %get3A_497 : vector<16xf32> to vector<1x16xf32>
        tpu.vector_store %arg13[%swap3A_498, %swap3A_499], %swap3A_502 {add = true, strides = array<i32>} : memref<200x128xf32, #tpu.memory_space<vmem>>, vector<1x16xf32>,
        %mul3A_503 = arith.constant 64 : i32
        %mul3A_504 = arith.muli %add3A_490, %mul3A_503 : i32
        %add3A_505 = arith.constant 16 : i32
        %add3A_506 = arith.addi %mul3A_504, %add3A_505 : i32
        %get3A_507 = arith.index_cast %add3A_506 : i32 to index
        %get3A_508 = tpu.vector_load %arg6[%get3A_507] {strides = array<i32>} : memref<12800xf32, #tpu.memory_space<vmem>>, vector<16xf32>,
        %get3A_509 = vector.shape_cast %get3A_508 : vector<16xf32> to vector<16xf32>
        %swap3A_510 = arith.index_cast %add3A_490 : i32 to index
        %swap3A_511 = arith.constant 16 : index
        %swap3A_512 = tpu.vector_load %arg13[%swap3A_510, %swap3A_511] {strides = array<i32>} : memref<200x128xf32, #tpu.memory_space<vmem>>, vector<1x16xf32>,
        %swap3A_513 = vector.shape_cast %swap3A_512 : vector<1x16xf32> to vector<16xf32>
        %swap3A_514 = vector.shape_cast %get3A_509 : vector<16xf32> to vector<1x16xf32>
        tpu.vector_store %arg13[%swap3A_510, %swap3A_511], %swap3A_514 {add = true, strides = array<i32>} : memref<200x128xf32, #tpu.memory_space<vmem>>, vector<1x16xf32>,
        %mul3A_515 = arith.constant 64 : i32
        %mul3A_516 = arith.muli %add3A_490, %mul3A_515 : i32
        %add3A_517 = arith.constant 32 : i32
        %add3A_518 = arith.addi %mul3A_516, %add3A_517 : i32
        %get3A_519 = arith.index_cast %add3A_518 : i32 to index
        %get3A_520 = tpu.vector_load %arg6[%get3A_519] {strides = array<i32>} : memref<12800xf32, #tpu.memory_space<vmem>>, vector<16xf32>,
        %get3A_521 = vector.shape_cast %get3A_520 : vector<16xf32> to vector<16xf32>
        %swap3A_522 = arith.index_cast %add3A_490 : i32 to index
        %swap3A_523 = arith.constant 32 : index
        %swap3A_524 = tpu.vector_load %arg13[%swap3A_522, %swap3A_523] {strides = array<i32>} : memref<200x128xf32, #tpu.memory_space<vmem>>, vector<1x16xf32>,
        %swap3A_525 = vector.shape_cast %swap3A_524 : vector<1x16xf32> to vector<16xf32>
        %swap3A_526 = vector.shape_cast %get3A_521 : vector<16xf32> to vector<1x16xf32>
        tpu.vector_store %arg13[%swap3A_522, %swap3A_523], %swap3A_526 {add = true, strides = array<i32>} : memref<200x128xf32, #tpu.memory_space<vmem>>, vector<1x16xf32>,
        %mul3A_527 = arith.constant 64 : i32
        %mul3A_528 = arith.muli %add3A_490, %mul3A_527 : i32
        %add3A_529 = arith.constant 48 : i32
        %add3A_530 = arith.addi %mul3A_528, %add3A_529 : i32
        %get3A_531 = arith.index_cast %add3A_530 : i32 to index
        %get3A_532 = tpu.vector_load %arg6[%get3A_531] {strides = array<i32>} : memref<12800xf32, #tpu.memory_space<vmem>>, vector<16xf32>,
        %get3A_533 = vector.shape_cast %get3A_532 : vector<16xf32> to vector<16xf32>
        %swap3A_534 = arith.index_cast %add3A_490 : i32 to index
        %swap3A_535 = arith.constant 48 : index
        %swap3A_536 = tpu.vector_load %arg13[%swap3A_534, %swap3A_535] {strides = array<i32>} : memref<200x128xf32, #tpu.memory_space<vmem>>, vector<1x16xf32>,
        %swap3A_537 = vector.shape_cast %swap3A_536 : vector<1x16xf32> to vector<16xf32>
        %swap3A_538 = vector.shape_cast %get3A_533 : vector<16xf32> to vector<1x16xf32>
        tpu.vector_store %arg13[%swap3A_534, %swap3A_535], %swap3A_538 {add = true, strides = array<i32>} : memref<200x128xf32, #tpu.memory_space<vmem>>, vector<1x16xf32>,
        %scan3A_539 = arith.constant 6 : i32
        %scan3A_540 = arith.addi %scan3A_218, %scan3A_539 : i32
        %mul3A_541 = arith.constant 1 : i32
        %mul3A_542 = arith.muli %scan3A_540, %mul3A_541 : i32
        %add3A_543 = arith.constant 0 : i32
        %add3A_544 = arith.addi %add3A_543, %mul3A_542 : i32
        %mul3A_545 = arith.constant 64 : i32
        %mul3A_546 = arith.muli %add3A_544, %mul3A_545 : i32
        %add3A_547 = arith.constant 0 : i32
        %add3A_548 = arith.addi %mul3A_546, %add3A_547 : i32
        %get3A_549 = arith.index_cast %add3A_548 : i32 to index
        %get3A_550 = tpu.vector_load %arg6[%get3A_549] {strides = array<i32>} : memref<12800xf32, #tpu.memory_space<vmem>>, vector<16xf32>,
        %get3A_551 = vector.shape_cast %get3A_550 : vector<16xf32> to vector<16xf32>
        %swap3A_552 = arith.index_cast %add3A_544 : i32 to index
        %swap3A_553 = arith.constant 0 : index
        %swap3A_554 = tpu.vector_load %arg13[%swap3A_552, %swap3A_553] {strides = array<i32>} : memref<200x128xf32, #tpu.memory_space<vmem>>, vector<1x16xf32>,
        %swap3A_555 = vector.shape_cast %swap3A_554 : vector<1x16xf32> to vector<16xf32>
        %swap3A_556 = vector.shape_cast %get3A_551 : vector<16xf32> to vector<1x16xf32>
        tpu.vector_store %arg13[%swap3A_552, %swap3A_553], %swap3A_556 {add = true, strides = array<i32>} : memref<200x128xf32, #tpu.memory_space<vmem>>, vector<1x16xf32>,
        %mul3A_557 = arith.constant 64 : i32
        %mul3A_558 = arith.muli %add3A_544, %mul3A_557 : i32
        %add3A_559 = arith.constant 16 : i32
        %add3A_560 = arith.addi %mul3A_558, %add3A_559 : i32
        %get3A_561 = arith.index_cast %add3A_560 : i32 to index
        %get3A_562 = tpu.vector_load %arg6[%get3A_561] {strides = array<i32>} : memref<12800xf32, #tpu.memory_space<vmem>>, vector<16xf32>,
        %get3A_563 = vector.shape_cast %get3A_562 : vector<16xf32> to vector<16xf32>
        %swap3A_564 = arith.index_cast %add3A_544 : i32 to index
        %swap3A_565 = arith.constant 16 : index
        %swap3A_566 = tpu.vector_load %arg13[%swap3A_564, %swap3A_565] {strides = array<i32>} : memref<200x128xf32, #tpu.memory_space<vmem>>, vector<1x16xf32>,
        %swap3A_567 = vector.shape_cast %swap3A_566 : vector<1x16xf32> to vector<16xf32>
        %swap3A_568 = vector.shape_cast %get3A_563 : vector<16xf32> to vector<1x16xf32>
        tpu.vector_store %arg13[%swap3A_564, %swap3A_565], %swap3A_568 {add = true, strides = array<i32>} : memref<200x128xf32, #tpu.memory_space<vmem>>, vector<1x16xf32>,
        %mul3A_569 = arith.constant 64 : i32
        %mul3A_570 = arith.muli %add3A_544, %mul3A_569 : i32
        %add3A_571 = arith.constant 32 : i32
        %add3A_572 = arith.addi %mul3A_570, %add3A_571 : i32
        %get3A_573 = arith.index_cast %add3A_572 : i32 to index
        %get3A_574 = tpu.vector_load %arg6[%get3A_573] {strides = array<i32>} : memref<12800xf32, #tpu.memory_space<vmem>>, vector<16xf32>,
        %get3A_575 = vector.shape_cast %get3A_574 : vector<16xf32> to vector<16xf32>
        %swap3A_576 = arith.index_cast %add3A_544 : i32 to index
        %swap3A_577 = arith.constant 32 : index
        %swap3A_578 = tpu.vector_load %arg13[%swap3A_576, %swap3A_577] {strides = array<i32>} : memref<200x128xf32, #tpu.memory_space<vmem>>, vector<1x16xf32>,
        %swap3A_579 = vector.shape_cast %swap3A_578 : vector<1x16xf32> to vector<16xf32>
        %swap3A_580 = vector.shape_cast %get3A_575 : vector<16xf32> to vector<1x16xf32>
        tpu.vector_store %arg13[%swap3A_576, %swap3A_577], %swap3A_580 {add = true, strides = array<i32>} : memref<200x128xf32, #tpu.memory_space<vmem>>, vector<1x16xf32>,
        %mul3A_581 = arith.constant 64 : i32
        %mul3A_582 = arith.muli %add3A_544, %mul3A_581 : i32
        %add3A_583 = arith.constant 48 : i32
        %add3A_584 = arith.addi %mul3A_582, %add3A_583 : i32
        %get3A_585 = arith.index_cast %add3A_584 : i32 to index
        %get3A_586 = tpu.vector_load %arg6[%get3A_585] {strides = array<i32>} : memref<12800xf32, #tpu.memory_space<vmem>>, vector<16xf32>,
        %get3A_587 = vector.shape_cast %get3A_586 : vector<16xf32> to vector<16xf32>
        %swap3A_588 = arith.index_cast %add3A_544 : i32 to index
        %swap3A_589 = arith.constant 48 : index
        %swap3A_590 = tpu.vector_load %arg13[%swap3A_588, %swap3A_589] {strides = array<i32>} : memref<200x128xf32, #tpu.memory_space<vmem>>, vector<1x16xf32>,
        %swap3A_591 = vector.shape_cast %swap3A_590 : vector<1x16xf32> to vector<16xf32>
        %swap3A_592 = vector.shape_cast %get3A_587 : vector<16xf32> to vector<1x16xf32>
        tpu.vector_store %arg13[%swap3A_588, %swap3A_589], %swap3A_592 {add = true, strides = array<i32>} : memref<200x128xf32, #tpu.memory_space<vmem>>, vector<1x16xf32>,
        %scan3A_593 = arith.constant 7 : i32
        %scan3A_594 = arith.addi %scan3A_218, %scan3A_593 : i32
        %mul3A_595 = arith.constant 1 : i32
        %mul3A_596 = arith.muli %scan3A_594, %mul3A_595 : i32
        %add3A_597 = arith.constant 0 : i32
        %add3A_598 = arith.addi %add3A_597, %mul3A_596 : i32
        %mul3A_599 = arith.constant 64 : i32
        %mul3A_600 = arith.muli %add3A_598, %mul3A_599 : i32
        %add3A_601 = arith.constant 0 : i32
        %add3A_602 = arith.addi %mul3A_600, %add3A_601 : i32
        %get3A_603 = arith.index_cast %add3A_602 : i32 to index
        %get3A_604 = tpu.vector_load %arg6[%get3A_603] {strides = array<i32>} : memref<12800xf32, #tpu.memory_space<vmem>>, vector<16xf32>,
        %get3A_605 = vector.shape_cast %get3A_604 : vector<16xf32> to vector<16xf32>
        %swap3A_606 = arith.index_cast %add3A_598 : i32 to index
        %swap3A_607 = arith.constant 0 : index
        %swap3A_608 = tpu.vector_load %arg13[%swap3A_606, %swap3A_607] {strides = array<i32>} : memref<200x128xf32, #tpu.memory_space<vmem>>, vector<1x16xf32>,
        %swap3A_609 = vector.shape_cast %swap3A_608 : vector<1x16xf32> to vector<16xf32>
        %swap3A_610 = vector.shape_cast %get3A_605 : vector<16xf32> to vector<1x16xf32>
        tpu.vector_store %arg13[%swap3A_606, %swap3A_607], %swap3A_610 {add = true, strides = array<i32>} : memref<200x128xf32, #tpu.memory_space<vmem>>, vector<1x16xf32>,
        %mul3A_611 = arith.constant 64 : i32
        %mul3A_612 = arith.muli %add3A_598, %mul3A_611 : i32
        %add3A_613 = arith.constant 16 : i32
        %add3A_614 = arith.addi %mul3A_612, %add3A_613 : i32
        %get3A_615 = arith.index_cast %add3A_614 : i32 to index
        %get3A_616 = tpu.vector_load %arg6[%get3A_615] {strides = array<i32>} : memref<12800xf32, #tpu.memory_space<vmem>>, vector<16xf32>,
        %get3A_617 = vector.shape_cast %get3A_616 : vector<16xf32> to vector<16xf32>
        %swap3A_618 = arith.index_cast %add3A_598 : i32 to index
        %swap3A_619 = arith.constant 16 : index
        %swap3A_620 = tpu.vector_load %arg13[%swap3A_618, %swap3A_619] {strides = array<i32>} : memref<200x128xf32, #tpu.memory_space<vmem>>, vector<1x16xf32>,
        %swap3A_621 = vector.shape_cast %swap3A_620 : vector<1x16xf32> to vector<16xf32>
        %swap3A_622 = vector.shape_cast %get3A_617 : vector<16xf32> to vector<1x16xf32>
        tpu.vector_store %arg13[%swap3A_618, %swap3A_619], %swap3A_622 {add = true, strides = array<i32>} : memref<200x128xf32, #tpu.memory_space<vmem>>, vector<1x16xf32>,
        %mul3A_623 = arith.constant 64 : i32
        %mul3A_624 = arith.muli %add3A_598, %mul3A_623 : i32
        %add3A_625 = arith.constant 32 : i32
        %add3A_626 = arith.addi %mul3A_624, %add3A_625 : i32
        %get3A_627 = arith.index_cast %add3A_626 : i32 to index
        %get3A_628 = tpu.vector_load %arg6[%get3A_627] {strides = array<i32>} : memref<12800xf32, #tpu.memory_space<vmem>>, vector<16xf32>,
        %get3A_629 = vector.shape_cast %get3A_628 : vector<16xf32> to vector<16xf32>
        %swap3A_630 = arith.index_cast %add3A_598 : i32 to index
        %swap3A_631 = arith.constant 32 : index
        %swap3A_632 = tpu.vector_load %arg13[%swap3A_630, %swap3A_631] {strides = array<i32>} : memref<200x128xf32, #tpu.memory_space<vmem>>, vector<1x16xf32>,
        %swap3A_633 = vector.shape_cast %swap3A_632 : vector<1x16xf32> to vector<16xf32>
        %swap3A_634 = vector.shape_cast %get3A_629 : vector<16xf32> to vector<1x16xf32>
        tpu.vector_store %arg13[%swap3A_630, %swap3A_631], %swap3A_634 {add = true, strides = array<i32>} : memref<200x128xf32, #tpu.memory_space<vmem>>, vector<1x16xf32>,
        %mul3A_635 = arith.constant 64 : i32
        %mul3A_636 = arith.muli %add3A_598, %mul3A_635 : i32
        %add3A_637 = arith.constant 48 : i32
        %add3A_638 = arith.addi %mul3A_636, %add3A_637 : i32
        %get3A_639 = arith.index_cast %add3A_638 : i32 to index
        %get3A_640 = tpu.vector_load %arg6[%get3A_639] {strides = array<i32>} : memref<12800xf32, #tpu.memory_space<vmem>>, vector<16xf32>,
        %get3A_641 = vector.shape_cast %get3A_640 : vector<16xf32> to vector<16xf32>
        %swap3A_642 = arith.index_cast %add3A_598 : i32 to index
        %swap3A_643 = arith.constant 48 : index
        %swap3A_644 = tpu.vector_load %arg13[%swap3A_642, %swap3A_643] {strides = array<i32>} : memref<200x128xf32, #tpu.memory_space<vmem>>, vector<1x16xf32>,
        %swap3A_645 = vector.shape_cast %swap3A_644 : vector<1x16xf32> to vector<16xf32>
        %swap3A_646 = vector.shape_cast %get3A_641 : vector<16xf32> to vector<1x16xf32>
        tpu.vector_store %arg13[%swap3A_642, %swap3A_643], %swap3A_646 {add = true, strides = array<i32>} : memref<200x128xf32, #tpu.memory_space<vmem>>, vector<1x16xf32>,
      }
      %scan3A_174 = arith.constant 200 : i32
      %mul3A_175 = arith.constant 200 : i32
      %mul3A_176 = arith.muli %add3A_147, %mul3A_175 : i32
      %add3A_177 = arith.addi %mul3A_2, %mul3A_176 : i32
      %dma_start3A_178 = arith.constant 0 : i32
      %dma_start3A_179 = tpu.memref_slice %arg5[%add3A_177, %dma_start3A_178] : memref<819200x128xf32, #tpu.memory_space<hbm>> -> memref<200x128xf32, #tpu.memory_space<hbm>>
      %dma_start3A_180 = arith.constant 0 : i32
      %dma_start3A_181 = tpu.memref_slice %arg5[%add3A_177, %dma_start3A_180] : memref<819200x128xf32, #tpu.memory_space<hbm>> -> memref<200x128xf32, #tpu.memory_space<hbm>>
      tpu.enqueue_dma source(%arg13 : memref<200x128xf32, #tpu.memory_space<vmem>>) target(%dma_start3A_181 : memref<200x128xf32, #tpu.memory_space<hbm>>) target_semaphore(%arg25 : memref<!tpu.dma_semaphore, #tpu.memory_space<semaphore_mem>>)
      %add3A_182 = arith.constant 3 : i32
      %add3A_183 = arith.addi %add3A_77, %add3A_182 : i32
      %dma_wait3A_184 = arith.constant 0 : i32
      %dma_wait3A_185 = arith.constant 0 : i32
      %dma_wait3A_186 = tpu.memref_slice %arg3[%dma_wait3A_184, %dma_wait3A_185] : memref<100000x128xf32, #tpu.memory_space<hbm>> -> memref<100000x128xf32, #tpu.memory_space<hbm>>
      tpu.wait_indirect_dma semaphore(%arg22 : memref<!tpu.dma_semaphore, #tpu.memory_space<semaphore_mem>>) src(%dma_wait3A_186 : memref<100000x128xf32, #tpu.memory_space<hbm>>) dst(%arg14 : memref<200x128xf32, #tpu.memory_space<vmem>>)
      %add3A_187 = arith.constant 4 : i32
      %add3A_188 = arith.addi %add3A_183, %add3A_187 : i32
      %lt3A_189 = arith.constant 128 : i32
      %lt3A_190 = arith.cmpi slt, %add3A_188, %lt3A_189 : i32
      %convert_element_type3A_191 = arith.extui %lt3A_190 : i1 to i32
      %cond3A_192 = arith.constant 0 : i32
      %cond3A_193 = arith.cmpi ne, %convert_element_type3A_191, %cond3A_192 : i32
      scf.if %cond3A_193 {
        %add3A_218 = arith.constant 4 : i32
        %add3A_219 = arith.addi %add3A_183, %add3A_218 : i32
        %add3A_220 = arith.addi %mul3A_4, %add3A_219 : i32
        %dma_start3A_221 = arith.constant 0 : i32
        %dma_start3A_222 = tpu.memref_slice %arg2[%add3A_220, %dma_start3A_221] : memref<4096x200xi32, #tpu.memory_space<hbm>> -> memref<1x200xi32, #tpu.memory_space<hbm>>
        %dma_start3A_223 = tpu.memref_squeeze %dma_start3A_222 : memref<1x200xi32, #tpu.memory_space<hbm>> -> memref<200xi32, #tpu.memory_space<hbm>>
        %dma_start3A_224 = arith.constant 0 : i32
        %dma_start3A_225 = tpu.memref_slice %arg2[%add3A_220, %dma_start3A_224] : memref<4096x200xi32, #tpu.memory_space<hbm>> -> memref<1x200xi32, #tpu.memory_space<hbm>>
        %dma_start3A_226 = tpu.memref_squeeze %dma_start3A_225 : memref<1x200xi32, #tpu.memory_space<hbm>> -> memref<200xi32, #tpu.memory_space<hbm>>
        tpu.enqueue_dma source(%dma_start3A_226 : memref<200xi32, #tpu.memory_space<hbm>>) target(%arg10 : memref<200xi32, #tpu.memory_space<vmem>>) target_semaphore(%arg18 : memref<!tpu.dma_semaphore, #tpu.memory_space<semaphore_mem>>)
      } else {
      }
      %ge3A_194 = arith.constant 2 : i32
      %ge3A_195 = arith.cmpi sge, %add3A_183, %ge3A_194 : i32
      %convert_element_type3A_196 = arith.extui %ge3A_195 : i1 to i32
      %cond3A_197 = arith.constant 0 : i32
      %cond3A_198 = arith.cmpi ne, %convert_element_type3A_196, %cond3A_197 : i32
      scf.if %cond3A_198 {
        %sub3A = arith.constant 2 : i32
        %sub3A_218 = arith.subi %add3A_183, %sub3A : i32
        %mul3A_219 = arith.constant 200 : i32
        %mul3A_220 = arith.muli %sub3A_218, %mul3A_219 : i32
        %add3A_221 = arith.addi %mul3A_2, %mul3A_220 : i32
        %dma_wait3A_222 = arith.constant 0 : i32
        %dma_wait3A_223 = tpu.memref_slice %arg5[%add3A_221, %dma_wait3A_222] : memref<819200x128xf32, #tpu.memory_space<hbm>> -> memref<200x128xf32, #tpu.memory_space<hbm>>
        %dma_wait3A_224 = arith.constant 0 : i32
        %dma_wait3A_225 = tpu.memref_slice %arg5[%add3A_221, %dma_wait3A_224] : memref<819200x128xf32, #tpu.memory_space<hbm>> -> memref<200x128xf32, #tpu.memory_space<hbm>>
        tpu.wait_dma2 semaphore(%arg24 : memref<!tpu.dma_semaphore, #tpu.memory_space<semaphore_mem>>) src(%arg12 : memref<200x128xf32, #tpu.memory_space<vmem>>) dst(%dma_wait3A_225 : memref<200x128xf32, #tpu.memory_space<hbm>>)
      } else {
      }
      %add3A_199 = arith.constant 2 : i32
      %add3A_200 = arith.addi %add3A_183, %add3A_199 : i32
      %lt3A_201 = arith.constant 128 : i32
      %lt3A_202 = arith.cmpi slt, %add3A_200, %lt3A_201 : i32
      %convert_element_type3A_203 = arith.extui %lt3A_202 : i1 to i32
      %cond3A_204 = arith.constant 0 : i32
      %cond3A_205 = arith.cmpi ne, %convert_element_type3A_203, %cond3A_204 : i32
      scf.if %cond3A_205 {
        %add3A_218 = arith.constant 2 : i32
        %add3A_219 = arith.addi %add3A_183, %add3A_218 : i32
        %add3A_220 = arith.addi %mul3A_4, %add3A_219 : i32
        %dma_wait3A_221 = arith.constant 0 : i32
        %dma_wait3A_222 = tpu.memref_slice %arg2[%add3A_220, %dma_wait3A_221] : memref<4096x200xi32, #tpu.memory_space<hbm>> -> memref<1x200xi32, #tpu.memory_space<hbm>>
        %dma_wait3A_223 = tpu.memref_squeeze %dma_wait3A_222 : memref<1x200xi32, #tpu.memory_space<hbm>> -> memref<200xi32, #tpu.memory_space<hbm>>
        %dma_wait3A_224 = arith.constant 0 : i32
        %dma_wait3A_225 = tpu.memref_slice %arg2[%add3A_220, %dma_wait3A_224] : memref<4096x200xi32, #tpu.memory_space<hbm>> -> memref<1x200xi32, #tpu.memory_space<hbm>>
        %dma_wait3A_226 = tpu.memref_squeeze %dma_wait3A_225 : memref<1x200xi32, #tpu.memory_space<hbm>> -> memref<200xi32, #tpu.memory_space<hbm>>
        tpu.wait_dma2 semaphore(%arg16 : memref<!tpu.dma_semaphore, #tpu.memory_space<semaphore_mem>>) src(%dma_wait3A_226 : memref<200xi32, #tpu.memory_space<hbm>>) dst(%arg8 : memref<200xi32, #tpu.memory_space<vmem>>)
        %add3A_227 = arith.constant 2 : i32
        %add3A_228 = arith.addi %add3A_183, %add3A_227 : i32
        %dma_start3A_229 = arith.constant 0 : i32
        %dma_start3A_230 = arith.constant 0 : i32
        %dma_start3A_231 = tpu.memref_slice %arg3[%dma_start3A_229, %dma_start3A_230] : memref<100000x128xf32, #tpu.memory_space<hbm>> -> memref<100000x128xf32, #tpu.memory_space<hbm>>
        tpu.enqueue_indirect_dma source(%dma_start3A_231 : memref<100000x128xf32, #tpu.memory_space<hbm>>) target(%arg12 : memref<200x128xf32, #tpu.memory_space<vmem>>) offsets(%arg8 : memref<200xi32, #tpu.memory_space<vmem>>) semaphore(%arg20 : memref<!tpu.dma_semaphore, #tpu.memory_space<semaphore_mem>>)
      } else {
      }
      %scan3A_206 = arith.constant 0 : i32
      %scan3A_207 = arith.constant 200 : i32
      %scan3A_208 = arith.addi %scan3A_206, %scan3A_207 : i32
      %scan3A_209 = arith.constant 8 : i32
      scf.for %scan3A_218 = %scan3A_206 to %scan3A_208 step %scan3A_209  : i32 {
        %mul3A_219 = arith.constant 1 : i32
        %mul3A_220 = arith.muli %scan3A_218, %mul3A_219 : i32
        %add3A_221 = arith.constant 0 : i32
        %add3A_222 = arith.addi %add3A_221, %mul3A_220 : i32
        %mul3A_223 = arith.constant 64 : i32
        %mul3A_224 = arith.muli %add3A_222, %mul3A_223 : i32
        %add3A_225 = arith.constant 0 : i32
        %add3A_226 = arith.addi %mul3A_224, %add3A_225 : i32
        %get3A = arith.index_cast %add3A_226 : i32 to index
        %get3A_227 = tpu.vector_load %arg6[%get3A] {strides = array<i32>} : memref<12800xf32, #tpu.memory_space<vmem>>, vector<16xf32>,
        %get3A_228 = vector.shape_cast %get3A_227 : vector<16xf32> to vector<16xf32>
        %swap3A = arith.index_cast %add3A_222 : i32 to index
        %swap3A_229 = arith.constant 0 : index
        %swap3A_230 = tpu.vector_load %arg14[%swap3A, %swap3A_229] {strides = array<i32>} : memref<200x128xf32, #tpu.memory_space<vmem>>, vector<1x16xf32>,
        %swap3A_231 = vector.shape_cast %swap3A_230 : vector<1x16xf32> to vector<16xf32>
        %swap3A_232 = vector.shape_cast %get3A_228 : vector<16xf32> to vector<1x16xf32>
        tpu.vector_store %arg14[%swap3A, %swap3A_229], %swap3A_232 {add = true, strides = array<i32>} : memref<200x128xf32, #tpu.memory_space<vmem>>, vector<1x16xf32>,
        %mul3A_233 = arith.constant 64 : i32
        %mul3A_234 = arith.muli %add3A_222, %mul3A_233 : i32
        %add3A_235 = arith.constant 16 : i32
        %add3A_236 = arith.addi %mul3A_234, %add3A_235 : i32
        %get3A_237 = arith.index_cast %add3A_236 : i32 to index
        %get3A_238 = tpu.vector_load %arg6[%get3A_237] {strides = array<i32>} : memref<12800xf32, #tpu.memory_space<vmem>>, vector<16xf32>,
        %get3A_239 = vector.shape_cast %get3A_238 : vector<16xf32> to vector<16xf32>
        %swap3A_240 = arith.index_cast %add3A_222 : i32 to index
        %swap3A_241 = arith.constant 16 : index
        %swap3A_242 = tpu.vector_load %arg14[%swap3A_240, %swap3A_241] {strides = array<i32>} : memref<200x128xf32, #tpu.memory_space<vmem>>, vector<1x16xf32>,
        %swap3A_243 = vector.shape_cast %swap3A_242 : vector<1x16xf32> to vector<16xf32>
        %swap3A_244 = vector.shape_cast %get3A_239 : vector<16xf32> to vector<1x16xf32>
        tpu.vector_store %arg14[%swap3A_240, %swap3A_241], %swap3A_244 {add = true, strides = array<i32>} : memref<200x128xf32, #tpu.memory_space<vmem>>, vector<1x16xf32>,
        %mul3A_245 = arith.constant 64 : i32
        %mul3A_246 = arith.muli %add3A_222, %mul3A_245 : i32
        %add3A_247 = arith.constant 32 : i32
        %add3A_248 = arith.addi %mul3A_246, %add3A_247 : i32
        %get3A_249 = arith.index_cast %add3A_248 : i32 to index
        %get3A_250 = tpu.vector_load %arg6[%get3A_249] {strides = array<i32>} : memref<12800xf32, #tpu.memory_space<vmem>>, vector<16xf32>,
        %get3A_251 = vector.shape_cast %get3A_250 : vector<16xf32> to vector<16xf32>
        %swap3A_252 = arith.index_cast %add3A_222 : i32 to index
        %swap3A_253 = arith.constant 32 : index
        %swap3A_254 = tpu.vector_load %arg14[%swap3A_252, %swap3A_253] {strides = array<i32>} : memref<200x128xf32, #tpu.memory_space<vmem>>, vector<1x16xf32>,
        %swap3A_255 = vector.shape_cast %swap3A_254 : vector<1x16xf32> to vector<16xf32>
        %swap3A_256 = vector.shape_cast %get3A_251 : vector<16xf32> to vector<1x16xf32>
        tpu.vector_store %arg14[%swap3A_252, %swap3A_253], %swap3A_256 {add = true, strides = array<i32>} : memref<200x128xf32, #tpu.memory_space<vmem>>, vector<1x16xf32>,
        %mul3A_257 = arith.constant 64 : i32
        %mul3A_258 = arith.muli %add3A_222, %mul3A_257 : i32
        %add3A_259 = arith.constant 48 : i32
        %add3A_260 = arith.addi %mul3A_258, %add3A_259 : i32
        %get3A_261 = arith.index_cast %add3A_260 : i32 to index
        %get3A_262 = tpu.vector_load %arg6[%get3A_261] {strides = array<i32>} : memref<12800xf32, #tpu.memory_space<vmem>>, vector<16xf32>,
        %get3A_263 = vector.shape_cast %get3A_262 : vector<16xf32> to vector<16xf32>
        %swap3A_264 = arith.index_cast %add3A_222 : i32 to index
        %swap3A_265 = arith.constant 48 : index
        %swap3A_266 = tpu.vector_load %arg14[%swap3A_264, %swap3A_265] {strides = array<i32>} : memref<200x128xf32, #tpu.memory_space<vmem>>, vector<1x16xf32>,
        %swap3A_267 = vector.shape_cast %swap3A_266 : vector<1x16xf32> to vector<16xf32>
        %swap3A_268 = vector.shape_cast %get3A_263 : vector<16xf32> to vector<1x16xf32>
        tpu.vector_store %arg14[%swap3A_264, %swap3A_265], %swap3A_268 {add = true, strides = array<i32>} : memref<200x128xf32, #tpu.memory_space<vmem>>, vector<1x16xf32>,
        %scan3A_269 = arith.constant 1 : i32
        %scan3A_270 = arith.addi %scan3A_218, %scan3A_269 : i32
        %mul3A_271 = arith.constant 1 : i32
        %mul3A_272 = arith.muli %scan3A_270, %mul3A_271 : i32
        %add3A_273 = arith.constant 0 : i32
        %add3A_274 = arith.addi %add3A_273, %mul3A_272 : i32
        %mul3A_275 = arith.constant 64 : i32
        %mul3A_276 = arith.muli %add3A_274, %mul3A_275 : i32
        %add3A_277 = arith.constant 0 : i32
        %add3A_278 = arith.addi %mul3A_276, %add3A_277 : i32
        %get3A_279 = arith.index_cast %add3A_278 : i32 to index
        %get3A_280 = tpu.vector_load %arg6[%get3A_279] {strides = array<i32>} : memref<12800xf32, #tpu.memory_space<vmem>>, vector<16xf32>,
        %get3A_281 = vector.shape_cast %get3A_280 : vector<16xf32> to vector<16xf32>
        %swap3A_282 = arith.index_cast %add3A_274 : i32 to index
        %swap3A_283 = arith.constant 0 : index
        %swap3A_284 = tpu.vector_load %arg14[%swap3A_282, %swap3A_283] {strides = array<i32>} : memref<200x128xf32, #tpu.memory_space<vmem>>, vector<1x16xf32>,
        %swap3A_285 = vector.shape_cast %swap3A_284 : vector<1x16xf32> to vector<16xf32>
        %swap3A_286 = vector.shape_cast %get3A_281 : vector<16xf32> to vector<1x16xf32>
        tpu.vector_store %arg14[%swap3A_282, %swap3A_283], %swap3A_286 {add = true, strides = array<i32>} : memref<200x128xf32, #tpu.memory_space<vmem>>, vector<1x16xf32>,
        %mul3A_287 = arith.constant 64 : i32
        %mul3A_288 = arith.muli %add3A_274, %mul3A_287 : i32
        %add3A_289 = arith.constant 16 : i32
        %add3A_290 = arith.addi %mul3A_288, %add3A_289 : i32
        %get3A_291 = arith.index_cast %add3A_290 : i32 to index
        %get3A_292 = tpu.vector_load %arg6[%get3A_291] {strides = array<i32>} : memref<12800xf32, #tpu.memory_space<vmem>>, vector<16xf32>,
        %get3A_293 = vector.shape_cast %get3A_292 : vector<16xf32> to vector<16xf32>
        %swap3A_294 = arith.index_cast %add3A_274 : i32 to index
        %swap3A_295 = arith.constant 16 : index
        %swap3A_296 = tpu.vector_load %arg14[%swap3A_294, %swap3A_295] {strides = array<i32>} : memref<200x128xf32, #tpu.memory_space<vmem>>, vector<1x16xf32>,
        %swap3A_297 = vector.shape_cast %swap3A_296 : vector<1x16xf32> to vector<16xf32>
        %swap3A_298 = vector.shape_cast %get3A_293 : vector<16xf32> to vector<1x16xf32>
        tpu.vector_store %arg14[%swap3A_294, %swap3A_295], %swap3A_298 {add = true, strides = array<i32>} : memref<200x128xf32, #tpu.memory_space<vmem>>, vector<1x16xf32>,
        %mul3A_299 = arith.constant 64 : i32
        %mul3A_300 = arith.muli %add3A_274, %mul3A_299 : i32
        %add3A_301 = arith.constant 32 : i32
        %add3A_302 = arith.addi %mul3A_300, %add3A_301 : i32
        %get3A_303 = arith.index_cast %add3A_302 : i32 to index
        %get3A_304 = tpu.vector_load %arg6[%get3A_303] {strides = array<i32>} : memref<12800xf32, #tpu.memory_space<vmem>>, vector<16xf32>,
        %get3A_305 = vector.shape_cast %get3A_304 : vector<16xf32> to vector<16xf32>
        %swap3A_306 = arith.index_cast %add3A_274 : i32 to index
        %swap3A_307 = arith.constant 32 : index
        %swap3A_308 = tpu.vector_load %arg14[%swap3A_306, %swap3A_307] {strides = array<i32>} : memref<200x128xf32, #tpu.memory_space<vmem>>, vector<1x16xf32>,
        %swap3A_309 = vector.shape_cast %swap3A_308 : vector<1x16xf32> to vector<16xf32>
        %swap3A_310 = vector.shape_cast %get3A_305 : vector<16xf32> to vector<1x16xf32>
        tpu.vector_store %arg14[%swap3A_306, %swap3A_307], %swap3A_310 {add = true, strides = array<i32>} : memref<200x128xf32, #tpu.memory_space<vmem>>, vector<1x16xf32>,
        %mul3A_311 = arith.constant 64 : i32
        %mul3A_312 = arith.muli %add3A_274, %mul3A_311 : i32
        %add3A_313 = arith.constant 48 : i32
        %add3A_314 = arith.addi %mul3A_312, %add3A_313 : i32
        %get3A_315 = arith.index_cast %add3A_314 : i32 to index
        %get3A_316 = tpu.vector_load %arg6[%get3A_315] {strides = array<i32>} : memref<12800xf32, #tpu.memory_space<vmem>>, vector<16xf32>,
        %get3A_317 = vector.shape_cast %get3A_316 : vector<16xf32> to vector<16xf32>
        %swap3A_318 = arith.index_cast %add3A_274 : i32 to index
        %swap3A_319 = arith.constant 48 : index
        %swap3A_320 = tpu.vector_load %arg14[%swap3A_318, %swap3A_319] {strides = array<i32>} : memref<200x128xf32, #tpu.memory_space<vmem>>, vector<1x16xf32>,
        %swap3A_321 = vector.shape_cast %swap3A_320 : vector<1x16xf32> to vector<16xf32>
        %swap3A_322 = vector.shape_cast %get3A_317 : vector<16xf32> to vector<1x16xf32>
        tpu.vector_store %arg14[%swap3A_318, %swap3A_319], %swap3A_322 {add = true, strides = array<i32>} : memref<200x128xf32, #tpu.memory_space<vmem>>, vector<1x16xf32>,
        %scan3A_323 = arith.constant 2 : i32
        %scan3A_324 = arith.addi %scan3A_218, %scan3A_323 : i32
        %mul3A_325 = arith.constant 1 : i32
        %mul3A_326 = arith.muli %scan3A_324, %mul3A_325 : i32
        %add3A_327 = arith.constant 0 : i32
        %add3A_328 = arith.addi %add3A_327, %mul3A_326 : i32
        %mul3A_329 = arith.constant 64 : i32
        %mul3A_330 = arith.muli %add3A_328, %mul3A_329 : i32
        %add3A_331 = arith.constant 0 : i32
        %add3A_332 = arith.addi %mul3A_330, %add3A_331 : i32
        %get3A_333 = arith.index_cast %add3A_332 : i32 to index
        %get3A_334 = tpu.vector_load %arg6[%get3A_333] {strides = array<i32>} : memref<12800xf32, #tpu.memory_space<vmem>>, vector<16xf32>,
        %get3A_335 = vector.shape_cast %get3A_334 : vector<16xf32> to vector<16xf32>
        %swap3A_336 = arith.index_cast %add3A_328 : i32 to index
        %swap3A_337 = arith.constant 0 : index
        %swap3A_338 = tpu.vector_load %arg14[%swap3A_336, %swap3A_337] {strides = array<i32>} : memref<200x128xf32, #tpu.memory_space<vmem>>, vector<1x16xf32>,
        %swap3A_339 = vector.shape_cast %swap3A_338 : vector<1x16xf32> to vector<16xf32>
        %swap3A_340 = vector.shape_cast %get3A_335 : vector<16xf32> to vector<1x16xf32>
        tpu.vector_store %arg14[%swap3A_336, %swap3A_337], %swap3A_340 {add = true, strides = array<i32>} : memref<200x128xf32, #tpu.memory_space<vmem>>, vector<1x16xf32>,
        %mul3A_341 = arith.constant 64 : i32
        %mul3A_342 = arith.muli %add3A_328, %mul3A_341 : i32
        %add3A_343 = arith.constant 16 : i32
        %add3A_344 = arith.addi %mul3A_342, %add3A_343 : i32
        %get3A_345 = arith.index_cast %add3A_344 : i32 to index
        %get3A_346 = tpu.vector_load %arg6[%get3A_345] {strides = array<i32>} : memref<12800xf32, #tpu.memory_space<vmem>>, vector<16xf32>,
        %get3A_347 = vector.shape_cast %get3A_346 : vector<16xf32> to vector<16xf32>
        %swap3A_348 = arith.index_cast %add3A_328 : i32 to index
        %swap3A_349 = arith.constant 16 : index
        %swap3A_350 = tpu.vector_load %arg14[%swap3A_348, %swap3A_349] {strides = array<i32>} : memref<200x128xf32, #tpu.memory_space<vmem>>, vector<1x16xf32>,
        %swap3A_351 = vector.shape_cast %swap3A_350 : vector<1x16xf32> to vector<16xf32>
        %swap3A_352 = vector.shape_cast %get3A_347 : vector<16xf32> to vector<1x16xf32>
        tpu.vector_store %arg14[%swap3A_348, %swap3A_349], %swap3A_352 {add = true, strides = array<i32>} : memref<200x128xf32, #tpu.memory_space<vmem>>, vector<1x16xf32>,
        %mul3A_353 = arith.constant 64 : i32
        %mul3A_354 = arith.muli %add3A_328, %mul3A_353 : i32
        %add3A_355 = arith.constant 32 : i32
        %add3A_356 = arith.addi %mul3A_354, %add3A_355 : i32
        %get3A_357 = arith.index_cast %add3A_356 : i32 to index
        %get3A_358 = tpu.vector_load %arg6[%get3A_357] {strides = array<i32>} : memref<12800xf32, #tpu.memory_space<vmem>>, vector<16xf32>,
        %get3A_359 = vector.shape_cast %get3A_358 : vector<16xf32> to vector<16xf32>
        %swap3A_360 = arith.index_cast %add3A_328 : i32 to index
        %swap3A_361 = arith.constant 32 : index
        %swap3A_362 = tpu.vector_load %arg14[%swap3A_360, %swap3A_361] {strides = array<i32>} : memref<200x128xf32, #tpu.memory_space<vmem>>, vector<1x16xf32>,
        %swap3A_363 = vector.shape_cast %swap3A_362 : vector<1x16xf32> to vector<16xf32>
        %swap3A_364 = vector.shape_cast %get3A_359 : vector<16xf32> to vector<1x16xf32>
        tpu.vector_store %arg14[%swap3A_360, %swap3A_361], %swap3A_364 {add = true, strides = array<i32>} : memref<200x128xf32, #tpu.memory_space<vmem>>, vector<1x16xf32>,
        %mul3A_365 = arith.constant 64 : i32
        %mul3A_366 = arith.muli %add3A_328, %mul3A_365 : i32
        %add3A_367 = arith.constant 48 : i32
        %add3A_368 = arith.addi %mul3A_366, %add3A_367 : i32
        %get3A_369 = arith.index_cast %add3A_368 : i32 to index
        %get3A_370 = tpu.vector_load %arg6[%get3A_369] {strides = array<i32>} : memref<12800xf32, #tpu.memory_space<vmem>>, vector<16xf32>,
        %get3A_371 = vector.shape_cast %get3A_370 : vector<16xf32> to vector<16xf32>
        %swap3A_372 = arith.index_cast %add3A_328 : i32 to index
        %swap3A_373 = arith.constant 48 : index
        %swap3A_374 = tpu.vector_load %arg14[%swap3A_372, %swap3A_373] {strides = array<i32>} : memref<200x128xf32, #tpu.memory_space<vmem>>, vector<1x16xf32>,
        %swap3A_375 = vector.shape_cast %swap3A_374 : vector<1x16xf32> to vector<16xf32>
        %swap3A_376 = vector.shape_cast %get3A_371 : vector<16xf32> to vector<1x16xf32>
        tpu.vector_store %arg14[%swap3A_372, %swap3A_373], %swap3A_376 {add = true, strides = array<i32>} : memref<200x128xf32, #tpu.memory_space<vmem>>, vector<1x16xf32>,
        %scan3A_377 = arith.constant 3 : i32
        %scan3A_378 = arith.addi %scan3A_218, %scan3A_377 : i32
        %mul3A_379 = arith.constant 1 : i32
        %mul3A_380 = arith.muli %scan3A_378, %mul3A_379 : i32
        %add3A_381 = arith.constant 0 : i32
        %add3A_382 = arith.addi %add3A_381, %mul3A_380 : i32
        %mul3A_383 = arith.constant 64 : i32
        %mul3A_384 = arith.muli %add3A_382, %mul3A_383 : i32
        %add3A_385 = arith.constant 0 : i32
        %add3A_386 = arith.addi %mul3A_384, %add3A_385 : i32
        %get3A_387 = arith.index_cast %add3A_386 : i32 to index
        %get3A_388 = tpu.vector_load %arg6[%get3A_387] {strides = array<i32>} : memref<12800xf32, #tpu.memory_space<vmem>>, vector<16xf32>,
        %get3A_389 = vector.shape_cast %get3A_388 : vector<16xf32> to vector<16xf32>
        %swap3A_390 = arith.index_cast %add3A_382 : i32 to index
        %swap3A_391 = arith.constant 0 : index
        %swap3A_392 = tpu.vector_load %arg14[%swap3A_390, %swap3A_391] {strides = array<i32>} : memref<200x128xf32, #tpu.memory_space<vmem>>, vector<1x16xf32>,
        %swap3A_393 = vector.shape_cast %swap3A_392 : vector<1x16xf32> to vector<16xf32>
        %swap3A_394 = vector.shape_cast %get3A_389 : vector<16xf32> to vector<1x16xf32>
        tpu.vector_store %arg14[%swap3A_390, %swap3A_391], %swap3A_394 {add = true, strides = array<i32>} : memref<200x128xf32, #tpu.memory_space<vmem>>, vector<1x16xf32>,
        %mul3A_395 = arith.constant 64 : i32
        %mul3A_396 = arith.muli %add3A_382, %mul3A_395 : i32
        %add3A_397 = arith.constant 16 : i32
        %add3A_398 = arith.addi %mul3A_396, %add3A_397 : i32
        %get3A_399 = arith.index_cast %add3A_398 : i32 to index
        %get3A_400 = tpu.vector_load %arg6[%get3A_399] {strides = array<i32>} : memref<12800xf32, #tpu.memory_space<vmem>>, vector<16xf32>,
        %get3A_401 = vector.shape_cast %get3A_400 : vector<16xf32> to vector<16xf32>
        %swap3A_402 = arith.index_cast %add3A_382 : i32 to index
        %swap3A_403 = arith.constant 16 : index
        %swap3A_404 = tpu.vector_load %arg14[%swap3A_402, %swap3A_403] {strides = array<i32>} : memref<200x128xf32, #tpu.memory_space<vmem>>, vector<1x16xf32>,
        %swap3A_405 = vector.shape_cast %swap3A_404 : vector<1x16xf32> to vector<16xf32>
        %swap3A_406 = vector.shape_cast %get3A_401 : vector<16xf32> to vector<1x16xf32>
        tpu.vector_store %arg14[%swap3A_402, %swap3A_403], %swap3A_406 {add = true, strides = array<i32>} : memref<200x128xf32, #tpu.memory_space<vmem>>, vector<1x16xf32>,
        %mul3A_407 = arith.constant 64 : i32
        %mul3A_408 = arith.muli %add3A_382, %mul3A_407 : i32
        %add3A_409 = arith.constant 32 : i32
        %add3A_410 = arith.addi %mul3A_408, %add3A_409 : i32
        %get3A_411 = arith.index_cast %add3A_410 : i32 to index
        %get3A_412 = tpu.vector_load %arg6[%get3A_411] {strides = array<i32>} : memref<12800xf32, #tpu.memory_space<vmem>>, vector<16xf32>,
        %get3A_413 = vector.shape_cast %get3A_412 : vector<16xf32> to vector<16xf32>
        %swap3A_414 = arith.index_cast %add3A_382 : i32 to index
        %swap3A_415 = arith.constant 32 : index
        %swap3A_416 = tpu.vector_load %arg14[%swap3A_414, %swap3A_415] {strides = array<i32>} : memref<200x128xf32, #tpu.memory_space<vmem>>, vector<1x16xf32>,
        %swap3A_417 = vector.shape_cast %swap3A_416 : vector<1x16xf32> to vector<16xf32>
        %swap3A_418 = vector.shape_cast %get3A_413 : vector<16xf32> to vector<1x16xf32>
        tpu.vector_store %arg14[%swap3A_414, %swap3A_415], %swap3A_418 {add = true, strides = array<i32>} : memref<200x128xf32, #tpu.memory_space<vmem>>, vector<1x16xf32>,
        %mul3A_419 = arith.constant 64 : i32
        %mul3A_420 = arith.muli %add3A_382, %mul3A_419 : i32
        %add3A_421 = arith.constant 48 : i32
        %add3A_422 = arith.addi %mul3A_420, %add3A_421 : i32
        %get3A_423 = arith.index_cast %add3A_422 : i32 to index
        %get3A_424 = tpu.vector_load %arg6[%get3A_423] {strides = array<i32>} : memref<12800xf32, #tpu.memory_space<vmem>>, vector<16xf32>,
        %get3A_425 = vector.shape_cast %get3A_424 : vector<16xf32> to vector<16xf32>
        %swap3A_426 = arith.index_cast %add3A_382 : i32 to index
        %swap3A_427 = arith.constant 48 : index
        %swap3A_428 = tpu.vector_load %arg14[%swap3A_426, %swap3A_427] {strides = array<i32>} : memref<200x128xf32, #tpu.memory_space<vmem>>, vector<1x16xf32>,
        %swap3A_429 = vector.shape_cast %swap3A_428 : vector<1x16xf32> to vector<16xf32>
        %swap3A_430 = vector.shape_cast %get3A_425 : vector<16xf32> to vector<1x16xf32>
        tpu.vector_store %arg14[%swap3A_426, %swap3A_427], %swap3A_430 {add = true, strides = array<i32>} : memref<200x128xf32, #tpu.memory_space<vmem>>, vector<1x16xf32>,
        %scan3A_431 = arith.constant 4 : i32
        %scan3A_432 = arith.addi %scan3A_218, %scan3A_431 : i32
        %mul3A_433 = arith.constant 1 : i32
        %mul3A_434 = arith.muli %scan3A_432, %mul3A_433 : i32
        %add3A_435 = arith.constant 0 : i32
        %add3A_436 = arith.addi %add3A_435, %mul3A_434 : i32
        %mul3A_437 = arith.constant 64 : i32
        %mul3A_438 = arith.muli %add3A_436, %mul3A_437 : i32
        %add3A_439 = arith.constant 0 : i32
        %add3A_440 = arith.addi %mul3A_438, %add3A_439 : i32
        %get3A_441 = arith.index_cast %add3A_440 : i32 to index
        %get3A_442 = tpu.vector_load %arg6[%get3A_441] {strides = array<i32>} : memref<12800xf32, #tpu.memory_space<vmem>>, vector<16xf32>,
        %get3A_443 = vector.shape_cast %get3A_442 : vector<16xf32> to vector<16xf32>
        %swap3A_444 = arith.index_cast %add3A_436 : i32 to index
        %swap3A_445 = arith.constant 0 : index
        %swap3A_446 = tpu.vector_load %arg14[%swap3A_444, %swap3A_445] {strides = array<i32>} : memref<200x128xf32, #tpu.memory_space<vmem>>, vector<1x16xf32>,
        %swap3A_447 = vector.shape_cast %swap3A_446 : vector<1x16xf32> to vector<16xf32>
        %swap3A_448 = vector.shape_cast %get3A_443 : vector<16xf32> to vector<1x16xf32>
        tpu.vector_store %arg14[%swap3A_444, %swap3A_445], %swap3A_448 {add = true, strides = array<i32>} : memref<200x128xf32, #tpu.memory_space<vmem>>, vector<1x16xf32>,
        %mul3A_449 = arith.constant 64 : i32
        %mul3A_450 = arith.muli %add3A_436, %mul3A_449 : i32
        %add3A_451 = arith.constant 16 : i32
        %add3A_452 = arith.addi %mul3A_450, %add3A_451 : i32
        %get3A_453 = arith.index_cast %add3A_452 : i32 to index
        %get3A_454 = tpu.vector_load %arg6[%get3A_453] {strides = array<i32>} : memref<12800xf32, #tpu.memory_space<vmem>>, vector<16xf32>,
        %get3A_455 = vector.shape_cast %get3A_454 : vector<16xf32> to vector<16xf32>
        %swap3A_456 = arith.index_cast %add3A_436 : i32 to index
        %swap3A_457 = arith.constant 16 : index
        %swap3A_458 = tpu.vector_load %arg14[%swap3A_456, %swap3A_457] {strides = array<i32>} : memref<200x128xf32, #tpu.memory_space<vmem>>, vector<1x16xf32>,
        %swap3A_459 = vector.shape_cast %swap3A_458 : vector<1x16xf32> to vector<16xf32>
        %swap3A_460 = vector.shape_cast %get3A_455 : vector<16xf32> to vector<1x16xf32>
        tpu.vector_store %arg14[%swap3A_456, %swap3A_457], %swap3A_460 {add = true, strides = array<i32>} : memref<200x128xf32, #tpu.memory_space<vmem>>, vector<1x16xf32>,
        %mul3A_461 = arith.constant 64 : i32
        %mul3A_462 = arith.muli %add3A_436, %mul3A_461 : i32
        %add3A_463 = arith.constant 32 : i32
        %add3A_464 = arith.addi %mul3A_462, %add3A_463 : i32
        %get3A_465 = arith.index_cast %add3A_464 : i32 to index
        %get3A_466 = tpu.vector_load %arg6[%get3A_465] {strides = array<i32>} : memref<12800xf32, #tpu.memory_space<vmem>>, vector<16xf32>,
        %get3A_467 = vector.shape_cast %get3A_466 : vector<16xf32> to vector<16xf32>
        %swap3A_468 = arith.index_cast %add3A_436 : i32 to index
        %swap3A_469 = arith.constant 32 : index
        %swap3A_470 = tpu.vector_load %arg14[%swap3A_468, %swap3A_469] {strides = array<i32>} : memref<200x128xf32, #tpu.memory_space<vmem>>, vector<1x16xf32>,
        %swap3A_471 = vector.shape_cast %swap3A_470 : vector<1x16xf32> to vector<16xf32>
        %swap3A_472 = vector.shape_cast %get3A_467 : vector<16xf32> to vector<1x16xf32>
        tpu.vector_store %arg14[%swap3A_468, %swap3A_469], %swap3A_472 {add = true, strides = array<i32>} : memref<200x128xf32, #tpu.memory_space<vmem>>, vector<1x16xf32>,
        %mul3A_473 = arith.constant 64 : i32
        %mul3A_474 = arith.muli %add3A_436, %mul3A_473 : i32
        %add3A_475 = arith.constant 48 : i32
        %add3A_476 = arith.addi %mul3A_474, %add3A_475 : i32
        %get3A_477 = arith.index_cast %add3A_476 : i32 to index
        %get3A_478 = tpu.vector_load %arg6[%get3A_477] {strides = array<i32>} : memref<12800xf32, #tpu.memory_space<vmem>>, vector<16xf32>,
        %get3A_479 = vector.shape_cast %get3A_478 : vector<16xf32> to vector<16xf32>
        %swap3A_480 = arith.index_cast %add3A_436 : i32 to index
        %swap3A_481 = arith.constant 48 : index
        %swap3A_482 = tpu.vector_load %arg14[%swap3A_480, %swap3A_481] {strides = array<i32>} : memref<200x128xf32, #tpu.memory_space<vmem>>, vector<1x16xf32>,
        %swap3A_483 = vector.shape_cast %swap3A_482 : vector<1x16xf32> to vector<16xf32>
        %swap3A_484 = vector.shape_cast %get3A_479 : vector<16xf32> to vector<1x16xf32>
        tpu.vector_store %arg14[%swap3A_480, %swap3A_481], %swap3A_484 {add = true, strides = array<i32>} : memref<200x128xf32, #tpu.memory_space<vmem>>, vector<1x16xf32>,
        %scan3A_485 = arith.constant 5 : i32
        %scan3A_486 = arith.addi %scan3A_218, %scan3A_485 : i32
        %mul3A_487 = arith.constant 1 : i32
        %mul3A_488 = arith.muli %scan3A_486, %mul3A_487 : i32
        %add3A_489 = arith.constant 0 : i32
        %add3A_490 = arith.addi %add3A_489, %mul3A_488 : i32
        %mul3A_491 = arith.constant 64 : i32
        %mul3A_492 = arith.muli %add3A_490, %mul3A_491 : i32
        %add3A_493 = arith.constant 0 : i32
        %add3A_494 = arith.addi %mul3A_492, %add3A_493 : i32
        %get3A_495 = arith.index_cast %add3A_494 : i32 to index
        %get3A_496 = tpu.vector_load %arg6[%get3A_495] {strides = array<i32>} : memref<12800xf32, #tpu.memory_space<vmem>>, vector<16xf32>,
        %get3A_497 = vector.shape_cast %get3A_496 : vector<16xf32> to vector<16xf32>
        %swap3A_498 = arith.index_cast %add3A_490 : i32 to index
        %swap3A_499 = arith.constant 0 : index
        %swap3A_500 = tpu.vector_load %arg14[%swap3A_498, %swap3A_499] {strides = array<i32>} : memref<200x128xf32, #tpu.memory_space<vmem>>, vector<1x16xf32>,
        %swap3A_501 = vector.shape_cast %swap3A_500 : vector<1x16xf32> to vector<16xf32>
        %swap3A_502 = vector.shape_cast %get3A_497 : vector<16xf32> to vector<1x16xf32>
        tpu.vector_store %arg14[%swap3A_498, %swap3A_499], %swap3A_502 {add = true, strides = array<i32>} : memref<200x128xf32, #tpu.memory_space<vmem>>, vector<1x16xf32>,
        %mul3A_503 = arith.constant 64 : i32
        %mul3A_504 = arith.muli %add3A_490, %mul3A_503 : i32
        %add3A_505 = arith.constant 16 : i32
        %add3A_506 = arith.addi %mul3A_504, %add3A_505 : i32
        %get3A_507 = arith.index_cast %add3A_506 : i32 to index
        %get3A_508 = tpu.vector_load %arg6[%get3A_507] {strides = array<i32>} : memref<12800xf32, #tpu.memory_space<vmem>>, vector<16xf32>,
        %get3A_509 = vector.shape_cast %get3A_508 : vector<16xf32> to vector<16xf32>
        %swap3A_510 = arith.index_cast %add3A_490 : i32 to index
        %swap3A_511 = arith.constant 16 : index
        %swap3A_512 = tpu.vector_load %arg14[%swap3A_510, %swap3A_511] {strides = array<i32>} : memref<200x128xf32, #tpu.memory_space<vmem>>, vector<1x16xf32>,
        %swap3A_513 = vector.shape_cast %swap3A_512 : vector<1x16xf32> to vector<16xf32>
        %swap3A_514 = vector.shape_cast %get3A_509 : vector<16xf32> to vector<1x16xf32>
        tpu.vector_store %arg14[%swap3A_510, %swap3A_511], %swap3A_514 {add = true, strides = array<i32>} : memref<200x128xf32, #tpu.memory_space<vmem>>, vector<1x16xf32>,
        %mul3A_515 = arith.constant 64 : i32
        %mul3A_516 = arith.muli %add3A_490, %mul3A_515 : i32
        %add3A_517 = arith.constant 32 : i32
        %add3A_518 = arith.addi %mul3A_516, %add3A_517 : i32
        %get3A_519 = arith.index_cast %add3A_518 : i32 to index
        %get3A_520 = tpu.vector_load %arg6[%get3A_519] {strides = array<i32>} : memref<12800xf32, #tpu.memory_space<vmem>>, vector<16xf32>,
        %get3A_521 = vector.shape_cast %get3A_520 : vector<16xf32> to vector<16xf32>
        %swap3A_522 = arith.index_cast %add3A_490 : i32 to index
        %swap3A_523 = arith.constant 32 : index
        %swap3A_524 = tpu.vector_load %arg14[%swap3A_522, %swap3A_523] {strides = array<i32>} : memref<200x128xf32, #tpu.memory_space<vmem>>, vector<1x16xf32>,
        %swap3A_525 = vector.shape_cast %swap3A_524 : vector<1x16xf32> to vector<16xf32>
        %swap3A_526 = vector.shape_cast %get3A_521 : vector<16xf32> to vector<1x16xf32>
        tpu.vector_store %arg14[%swap3A_522, %swap3A_523], %swap3A_526 {add = true, strides = array<i32>} : memref<200x128xf32, #tpu.memory_space<vmem>>, vector<1x16xf32>,
        %mul3A_527 = arith.constant 64 : i32
        %mul3A_528 = arith.muli %add3A_490, %mul3A_527 : i32
        %add3A_529 = arith.constant 48 : i32
        %add3A_530 = arith.addi %mul3A_528, %add3A_529 : i32
        %get3A_531 = arith.index_cast %add3A_530 : i32 to index
        %get3A_532 = tpu.vector_load %arg6[%get3A_531] {strides = array<i32>} : memref<12800xf32, #tpu.memory_space<vmem>>, vector<16xf32>,
        %get3A_533 = vector.shape_cast %get3A_532 : vector<16xf32> to vector<16xf32>
        %swap3A_534 = arith.index_cast %add3A_490 : i32 to index
        %swap3A_535 = arith.constant 48 : index
        %swap3A_536 = tpu.vector_load %arg14[%swap3A_534, %swap3A_535] {strides = array<i32>} : memref<200x128xf32, #tpu.memory_space<vmem>>, vector<1x16xf32>,
        %swap3A_537 = vector.shape_cast %swap3A_536 : vector<1x16xf32> to vector<16xf32>
        %swap3A_538 = vector.shape_cast %get3A_533 : vector<16xf32> to vector<1x16xf32>
        tpu.vector_store %arg14[%swap3A_534, %swap3A_535], %swap3A_538 {add = true, strides = array<i32>} : memref<200x128xf32, #tpu.memory_space<vmem>>, vector<1x16xf32>,
        %scan3A_539 = arith.constant 6 : i32
        %scan3A_540 = arith.addi %scan3A_218, %scan3A_539 : i32
        %mul3A_541 = arith.constant 1 : i32
        %mul3A_542 = arith.muli %scan3A_540, %mul3A_541 : i32
        %add3A_543 = arith.constant 0 : i32
        %add3A_544 = arith.addi %add3A_543, %mul3A_542 : i32
        %mul3A_545 = arith.constant 64 : i32
        %mul3A_546 = arith.muli %add3A_544, %mul3A_545 : i32
        %add3A_547 = arith.constant 0 : i32
        %add3A_548 = arith.addi %mul3A_546, %add3A_547 : i32
        %get3A_549 = arith.index_cast %add3A_548 : i32 to index
        %get3A_550 = tpu.vector_load %arg6[%get3A_549] {strides = array<i32>} : memref<12800xf32, #tpu.memory_space<vmem>>, vector<16xf32>,
        %get3A_551 = vector.shape_cast %get3A_550 : vector<16xf32> to vector<16xf32>
        %swap3A_552 = arith.index_cast %add3A_544 : i32 to index
        %swap3A_553 = arith.constant 0 : index
        %swap3A_554 = tpu.vector_load %arg14[%swap3A_552, %swap3A_553] {strides = array<i32>} : memref<200x128xf32, #tpu.memory_space<vmem>>, vector<1x16xf32>,
        %swap3A_555 = vector.shape_cast %swap3A_554 : vector<1x16xf32> to vector<16xf32>
        %swap3A_556 = vector.shape_cast %get3A_551 : vector<16xf32> to vector<1x16xf32>
        tpu.vector_store %arg14[%swap3A_552, %swap3A_553], %swap3A_556 {add = true, strides = array<i32>} : memref<200x128xf32, #tpu.memory_space<vmem>>, vector<1x16xf32>,
        %mul3A_557 = arith.constant 64 : i32
        %mul3A_558 = arith.muli %add3A_544, %mul3A_557 : i32
        %add3A_559 = arith.constant 16 : i32
        %add3A_560 = arith.addi %mul3A_558, %add3A_559 : i32
        %get3A_561 = arith.index_cast %add3A_560 : i32 to index
        %get3A_562 = tpu.vector_load %arg6[%get3A_561] {strides = array<i32>} : memref<12800xf32, #tpu.memory_space<vmem>>, vector<16xf32>,
        %get3A_563 = vector.shape_cast %get3A_562 : vector<16xf32> to vector<16xf32>
        %swap3A_564 = arith.index_cast %add3A_544 : i32 to index
        %swap3A_565 = arith.constant 16 : index
        %swap3A_566 = tpu.vector_load %arg14[%swap3A_564, %swap3A_565] {strides = array<i32>} : memref<200x128xf32, #tpu.memory_space<vmem>>, vector<1x16xf32>,
        %swap3A_567 = vector.shape_cast %swap3A_566 : vector<1x16xf32> to vector<16xf32>
        %swap3A_568 = vector.shape_cast %get3A_563 : vector<16xf32> to vector<1x16xf32>
        tpu.vector_store %arg14[%swap3A_564, %swap3A_565], %swap3A_568 {add = true, strides = array<i32>} : memref<200x128xf32, #tpu.memory_space<vmem>>, vector<1x16xf32>,
        %mul3A_569 = arith.constant 64 : i32
        %mul3A_570 = arith.muli %add3A_544, %mul3A_569 : i32
        %add3A_571 = arith.constant 32 : i32
        %add3A_572 = arith.addi %mul3A_570, %add3A_571 : i32
        %get3A_573 = arith.index_cast %add3A_572 : i32 to index
        %get3A_574 = tpu.vector_load %arg6[%get3A_573] {strides = array<i32>} : memref<12800xf32, #tpu.memory_space<vmem>>, vector<16xf32>,
        %get3A_575 = vector.shape_cast %get3A_574 : vector<16xf32> to vector<16xf32>
        %swap3A_576 = arith.index_cast %add3A_544 : i32 to index
        %swap3A_577 = arith.constant 32 : index
        %swap3A_578 = tpu.vector_load %arg14[%swap3A_576, %swap3A_577] {strides = array<i32>} : memref<200x128xf32, #tpu.memory_space<vmem>>, vector<1x16xf32>,
        %swap3A_579 = vector.shape_cast %swap3A_578 : vector<1x16xf32> to vector<16xf32>
        %swap3A_580 = vector.shape_cast %get3A_575 : vector<16xf32> to vector<1x16xf32>
        tpu.vector_store %arg14[%swap3A_576, %swap3A_577], %swap3A_580 {add = true, strides = array<i32>} : memref<200x128xf32, #tpu.memory_space<vmem>>, vector<1x16xf32>,
        %mul3A_581 = arith.constant 64 : i32
        %mul3A_582 = arith.muli %add3A_544, %mul3A_581 : i32
        %add3A_583 = arith.constant 48 : i32
        %add3A_584 = arith.addi %mul3A_582, %add3A_583 : i32
        %get3A_585 = arith.index_cast %add3A_584 : i32 to index
        %get3A_586 = tpu.vector_load %arg6[%get3A_585] {strides = array<i32>} : memref<12800xf32, #tpu.memory_space<vmem>>, vector<16xf32>,
        %get3A_587 = vector.shape_cast %get3A_586 : vector<16xf32> to vector<16xf32>
        %swap3A_588 = arith.index_cast %add3A_544 : i32 to index
        %swap3A_589 = arith.constant 48 : index
        %swap3A_590 = tpu.vector_load %arg14[%swap3A_588, %swap3A_589] {strides = array<i32>} : memref<200x128xf32, #tpu.memory_space<vmem>>, vector<1x16xf32>,
        %swap3A_591 = vector.shape_cast %swap3A_590 : vector<1x16xf32> to vector<16xf32>
        %swap3A_592 = vector.shape_cast %get3A_587 : vector<16xf32> to vector<1x16xf32>
        tpu.vector_store %arg14[%swap3A_588, %swap3A_589], %swap3A_592 {add = true, strides = array<i32>} : memref<200x128xf32, #tpu.memory_space<vmem>>, vector<1x16xf32>,
        %scan3A_593 = arith.constant 7 : i32
        %scan3A_594 = arith.addi %scan3A_218, %scan3A_593 : i32
        %mul3A_595 = arith.constant 1 : i32
        %mul3A_596 = arith.muli %scan3A_594, %mul3A_595 : i32
        %add3A_597 = arith.constant 0 : i32
        %add3A_598 = arith.addi %add3A_597, %mul3A_596 : i32
        %mul3A_599 = arith.constant 64 : i32
        %mul3A_600 = arith.muli %add3A_598, %mul3A_599 : i32
        %add3A_601 = arith.constant 0 : i32
        %add3A_602 = arith.addi %mul3A_600, %add3A_601 : i32
        %get3A_603 = arith.index_cast %add3A_602 : i32 to index
        %get3A_604 = tpu.vector_load %arg6[%get3A_603] {strides = array<i32>} : memref<12800xf32, #tpu.memory_space<vmem>>, vector<16xf32>,
        %get3A_605 = vector.shape_cast %get3A_604 : vector<16xf32> to vector<16xf32>
        %swap3A_606 = arith.index_cast %add3A_598 : i32 to index
        %swap3A_607 = arith.constant 0 : index
        %swap3A_608 = tpu.vector_load %arg14[%swap3A_606, %swap3A_607] {strides = array<i32>} : memref<200x128xf32, #tpu.memory_space<vmem>>, vector<1x16xf32>,
        %swap3A_609 = vector.shape_cast %swap3A_608 : vector<1x16xf32> to vector<16xf32>
        %swap3A_610 = vector.shape_cast %get3A_605 : vector<16xf32> to vector<1x16xf32>
        tpu.vector_store %arg14[%swap3A_606, %swap3A_607], %swap3A_610 {add = true, strides = array<i32>} : memref<200x128xf32, #tpu.memory_space<vmem>>, vector<1x16xf32>,
        %mul3A_611 = arith.constant 64 : i32
        %mul3A_612 = arith.muli %add3A_598, %mul3A_611 : i32
        %add3A_613 = arith.constant 16 : i32
        %add3A_614 = arith.addi %mul3A_612, %add3A_613 : i32
        %get3A_615 = arith.index_cast %add3A_614 : i32 to index
        %get3A_616 = tpu.vector_load %arg6[%get3A_615] {strides = array<i32>} : memref<12800xf32, #tpu.memory_space<vmem>>, vector<16xf32>,
        %get3A_617 = vector.shape_cast %get3A_616 : vector<16xf32> to vector<16xf32>
        %swap3A_618 = arith.index_cast %add3A_598 : i32 to index
        %swap3A_619 = arith.constant 16 : index
        %swap3A_620 = tpu.vector_load %arg14[%swap3A_618, %swap3A_619] {strides = array<i32>} : memref<200x128xf32, #tpu.memory_space<vmem>>, vector<1x16xf32>,
        %swap3A_621 = vector.shape_cast %swap3A_620 : vector<1x16xf32> to vector<16xf32>
        %swap3A_622 = vector.shape_cast %get3A_617 : vector<16xf32> to vector<1x16xf32>
        tpu.vector_store %arg14[%swap3A_618, %swap3A_619], %swap3A_622 {add = true, strides = array<i32>} : memref<200x128xf32, #tpu.memory_space<vmem>>, vector<1x16xf32>,
        %mul3A_623 = arith.constant 64 : i32
        %mul3A_624 = arith.muli %add3A_598, %mul3A_623 : i32
        %add3A_625 = arith.constant 32 : i32
        %add3A_626 = arith.addi %mul3A_624, %add3A_625 : i32
        %get3A_627 = arith.index_cast %add3A_626 : i32 to index
        %get3A_628 = tpu.vector_load %arg6[%get3A_627] {strides = array<i32>} : memref<12800xf32, #tpu.memory_space<vmem>>, vector<16xf32>,
        %get3A_629 = vector.shape_cast %get3A_628 : vector<16xf32> to vector<16xf32>
        %swap3A_630 = arith.index_cast %add3A_598 : i32 to index
        %swap3A_631 = arith.constant 32 : index
        %swap3A_632 = tpu.vector_load %arg14[%swap3A_630, %swap3A_631] {strides = array<i32>} : memref<200x128xf32, #tpu.memory_space<vmem>>, vector<1x16xf32>,
        %swap3A_633 = vector.shape_cast %swap3A_632 : vector<1x16xf32> to vector<16xf32>
        %swap3A_634 = vector.shape_cast %get3A_629 : vector<16xf32> to vector<1x16xf32>
        tpu.vector_store %arg14[%swap3A_630, %swap3A_631], %swap3A_634 {add = true, strides = array<i32>} : memref<200x128xf32, #tpu.memory_space<vmem>>, vector<1x16xf32>,
        %mul3A_635 = arith.constant 64 : i32
        %mul3A_636 = arith.muli %add3A_598, %mul3A_635 : i32
        %add3A_637 = arith.constant 48 : i32
        %add3A_638 = arith.addi %mul3A_636, %add3A_637 : i32
        %get3A_639 = arith.index_cast %add3A_638 : i32 to index
        %get3A_640 = tpu.vector_load %arg6[%get3A_639] {strides = array<i32>} : memref<12800xf32, #tpu.memory_space<vmem>>, vector<16xf32>,
        %get3A_641 = vector.shape_cast %get3A_640 : vector<16xf32> to vector<16xf32>
        %swap3A_642 = arith.index_cast %add3A_598 : i32 to index
        %swap3A_643 = arith.constant 48 : index
        %swap3A_644 = tpu.vector_load %arg14[%swap3A_642, %swap3A_643] {strides = array<i32>} : memref<200x128xf32, #tpu.memory_space<vmem>>, vector<1x16xf32>,
        %swap3A_645 = vector.shape_cast %swap3A_644 : vector<1x16xf32> to vector<16xf32>
        %swap3A_646 = vector.shape_cast %get3A_641 : vector<16xf32> to vector<1x16xf32>
        tpu.vector_store %arg14[%swap3A_642, %swap3A_643], %swap3A_646 {add = true, strides = array<i32>} : memref<200x128xf32, #tpu.memory_space<vmem>>, vector<1x16xf32>,
      }
      %scan3A_210 = arith.constant 200 : i32
      %mul3A_211 = arith.constant 200 : i32
      %mul3A_212 = arith.muli %add3A_183, %mul3A_211 : i32
      %add3A_213 = arith.addi %mul3A_2, %mul3A_212 : i32
      %dma_start3A_214 = arith.constant 0 : i32
      %dma_start3A_215 = tpu.memref_slice %arg5[%add3A_213, %dma_start3A_214] : memref<819200x128xf32, #tpu.memory_space<hbm>> -> memref<200x128xf32, #tpu.memory_space<hbm>>
      %dma_start3A_216 = arith.constant 0 : i32
      %dma_start3A_217 = tpu.memref_slice %arg5[%add3A_213, %dma_start3A_216] : memref<819200x128xf32, #tpu.memory_space<hbm>> -> memref<200x128xf32, #tpu.memory_space<hbm>>
      tpu.enqueue_dma source(%arg14 : memref<200x128xf32, #tpu.memory_space<vmem>>) target(%dma_start3A_217 : memref<200x128xf32, #tpu.memory_space<hbm>>) target_semaphore(%arg26 : memref<!tpu.dma_semaphore, #tpu.memory_space<semaphore_mem>>)
    }
    %scan3A_60 = arith.constant 32 : i32
    %add3A_61 = arith.constant 25200 : i32
    %add3A_62 = arith.addi %mul3A_2, %add3A_61 : i32
    %dma_wait3A_63 = arith.constant 0 : i32
    %dma_wait3A_64 = tpu.memref_slice %arg5[%add3A_62, %dma_wait3A_63] : memref<819200x128xf32, #tpu.memory_space<hbm>> -> memref<200x128xf32, #tpu.memory_space<hbm>>
    %dma_wait3A_65 = arith.constant 0 : i32
    %dma_wait3A_66 = tpu.memref_slice %arg5[%add3A_62, %dma_wait3A_65] : memref<819200x128xf32, #tpu.memory_space<hbm>> -> memref<200x128xf32, #tpu.memory_space<hbm>>
    tpu.wait_dma2 semaphore(%arg25 : memref<!tpu.dma_semaphore, #tpu.memory_space<semaphore_mem>>) src(%arg13 : memref<200x128xf32, #tpu.memory_space<vmem>>) dst(%dma_wait3A_66 : memref<200x128xf32, #tpu.memory_space<hbm>>)
    %add3A_67 = arith.constant 25400 : i32
    %add3A_68 = arith.addi %mul3A_2, %add3A_67 : i32
    %dma_wait3A_69 = arith.constant 0 : i32
    %dma_wait3A_70 = tpu.memref_slice %arg5[%add3A_68, %dma_wait3A_69] : memref<819200x128xf32, #tpu.memory_space<hbm>> -> memref<200x128xf32, #tpu.memory_space<hbm>>
    %dma_wait3A_71 = arith.constant 0 : i32
    %dma_wait3A_72 = tpu.memref_slice %arg5[%add3A_68, %dma_wait3A_71] : memref<819200x128xf32, #tpu.memory_space<hbm>> -> memref<200x128xf32, #tpu.memory_space<hbm>>
    tpu.wait_dma2 semaphore(%arg26 : memref<!tpu.dma_semaphore, #tpu.memory_space<semaphore_mem>>) src(%arg14 : memref<200x128xf32, #tpu.memory_space<vmem>>) dst(%dma_wait3A_72 : memref<200x128xf32, #tpu.memory_space<hbm>>)
    return
  }
}

</mosaic_0001>

<sc_bundles>
// kernel: _run.3.cloned.1.call-start
scs
__scs_entry_jumppad:
0x0: {  	(pc) =	sbr.rel $0x88, $3  }
0x1: {  	(tag) =	ssettag $0x0;
	lr =	simm.s32 $0x1  }
0x2: {  	[smem:$0x3F9E] =	sst lr;
	_ =	strace $0xD0000000  }
0x3: {  	_ = 	snop  }
0x4: {  	_ = 	snop  }
0x5: {  	_ = 	snop  }
0x6: {  	_ = 	snop  }
0x7: {  	_ = 	snop  }
__scs_overlays_trampoline_lowered:
0x8: {  	[smem:$0x3FAD] =	sst s0  }
0x9: {  	[smem:$0x3FAE] =	sst s1  }
0xa: {  	[smem:$0x3FAF] =	sst s2  }
0xb: {  	[smem:$0x3FB0] =	sst s3  }
0xc: {  	[smem:$0x3FB1] =	sst s4  }
0xd: {  	[smem:$0x3FB2] =	sst s5  }
0xe: {  	[smem:$0x3FB3] =	sst s6  }
0xf: {  	[smem:$0x3FB4] =	sst s7  }
0x10: {  	[smem:$0x3FB5] =	sst s8  }
0x11: {  	[smem:$0x3FB6] =	sst s9;
	s0 =	simm.s32 @!p0 $0x0  }
0x12: {  	s1 =	sld [smem:$0x3F9C];
	s0 =	simm.s32 @p0 $0x1  }
0x13: {  	[smem:$0x3FB7] =	sst s0;
	s0 =	simm.s32 @!p1 $0x0  }
0x14: {  	s2 =	sld [smem:$0x3F9B];
	s0 =	simm.s32 @p1 $0x1  }
0x15: {  	[smem:$0x3FB8] =	sst s0;
	s0 =	simm.s32 @!p2 $0x0  }
0x16: {  	s3 =	sld [smem:$0x3FDB];
	s0 =	simm.s32 @p2 $0x1  }
0x17: {  	s4 =	simm.s32 $0x1BF5;
	[smem:$0x3FBA] =	sst s0  }
0x18: {  	s0 =	sld [smem:$0x3F9D];
	_ =	swait.ge [sflag:s4], $0x0  }
0x19: {  	s7 =	sld [smem:$0x3F9E]  }
0x1a: {  	s8 =	sadd.s32 $0xFFFFE003, lr  }
0x1b: {  	s9 =	sadd.s32 $0xFFFFFEF7, lr;
	s5 =	simm.s32 $0xFFFFFFFF;
	p2 =	slt.u32 s8, $0xFFFFF086  }
0x1c: {  	p1 =	slt.u32 s9, $0xF7A;
	s5 =	simm.s32 @!p2 $0x0  }
0x1d: {  	s5 =	simm.s32 @p1 $0x1;
	p0 =	seq.s32 s7, s2  }
0x1e: {  	s7 =	smul.u32 @!p0 $0xF7A, s2;
	p2 =	seq.s32 @!p0 s5, $0x0  }
0x1f: {  	s9 =	smul.u32 $0xF7A, s1;
	s8 =	simm.s32 @!p0 $0x1BF5;
	p2 =	por !p2, p0  }
0x20: {  	[sflag:s8] =	ssyncset.s32 @!p0 $0xFFFFF086;
	s6 =	sadd.s32 @!p0 s3, s7;
	s7 =	simm.s32 @!p0 $0x108  }
0x21: {  	s3 =	sadd.s32 s3, s9;
	s6 =	sadd.s32 @!p0 $0x88, s6;
	s7 =	simm.s32 @p2 $0x1082  }
0x22: {  	[simem:s7], [sflag:s8] =	dma.local @!p0 [hbm:s6], $0xF7A  }
0x23: {  	s9 =	sor.u32 $0xD0000000, s2;
	s6 =	simm.s32 $0x108;
	_ =	swait.ge @!p0 [sflag:s8], $0x0  }
0x24: {  	s3 =	sadd.s32 $0x88, s3;
	s6 =	simm.s32 @!p1 $0x1082;
	[sflag:s4] =	ssyncset.s32 $0xFFFFF086  }
0x25: {  	[simem:s6], [sflag:s4] =	dma.local [hbm:s3], $0xF7A  }
0x26: {  	[smem:$0x3F9E] =	sst s1;
	(tag) =	ssettag s2;
	_ =	strace s9  }
0x27: {  	s1 =	sld [smem:$0x3FAE]  }
0x28: {  	s2 =	sld [smem:$0x3FAF]  }
0x29: {  	s4 =	sld [smem:$0x3FB1]  }
0x2a: {  	p0 =	seq.s32 s5, $0x0;
	s5 =	sld [smem:$0x3FB2]  }
0x2b: {  	s6 =	sld [smem:$0x3FB3]  }
0x2c: {  	s7 =	sld [smem:$0x3FB4]  }
0x2d: {  	s3 =	simm.s32 $0x108;
	s8 =	sld [smem:$0x3FB5]  }
0x2e: {  	s3 =	simm.s32 @!p0 $0x1082;
	s9 =	sld [smem:$0x3FB6]  }
0x2f: {  	lr =	sadd.s32 s0, s3;
	s0 =	sld [smem:$0x3FAD]  }
0x30: {  	s3 =	sld [smem:$0x3FB0]  }
0x31: {  	[smem:$0x3FB9] =	sst s10  }
0x32: {  	s10 =	sld [smem:$0x3FB7];
	_ =	sdelay $0x3  }
0x33: {  	p0 =	seq.s32 s10, $0x1;
	s10 =	sld [smem:$0x3FB9];
	_ =	sdelay $0x3  }
0x34: {  	[smem:$0x3FB9] =	sst s10  }
0x35: {  	s10 =	sld [smem:$0x3FB8];
	_ =	sdelay $0x3  }
0x36: {  	p1 =	seq.s32 s10, $0x1;
	s10 =	sld [smem:$0x3FB9];
	_ =	sdelay $0x3  }
0x37: {  	[smem:$0x3FB9] =	sst s10  }
0x38: {  	s10 =	sld [smem:$0x3FBA]  }
0x39: {  	_ = 	snop;
	(pc) =	sbr.ind lr, $3  }
0x3a: {  	_ = 	snop  }
0x3b: {  	_ = 	snop  }
0x3c: {  	p2 =	seq.s32 s10, $0x1;
	s10 =	sld [smem:$0x3FB9]  }
0x3d: {  	_ =	shalt  }
0x3e: {  	_ =	shalt  }
0x3f: {  	_ =	shalt  }
0x40: {  	_ =	shalt  }
0x41: {  	_ =	shalt  }
0x42: {  	_ =	shalt  }
0x43: {  	_ =	shalt  }
0x44: {  	_ =	shalt  }
0x45: {  	_ =	shalt  }
0x46: {  	_ =	shalt  }
0x47: {  	_ =	shalt  }
0x48: {  	_ =	shalt  }
0x49: {  	_ =	shalt  }
0x4a: {  	_ =	shalt  }
0x4b: {  	_ =	shalt  }
0x4c: {  	_ =	shalt  }
0x4d: {  	_ =	shalt  }
0x4e: {  	_ =	shalt  }
0x4f: {  	_ =	shalt  }
0x50: {  	_ =	shalt  }
0x51: {  	_ =	shalt  }
0x52: {  	_ =	shalt  }
0x53: {  	_ =	shalt  }
0x54: {  	_ =	shalt  }
0x55: {  	_ =	shalt  }
0x56: {  	_ =	shalt  }
0x57: {  	_ =	shalt  }
0x58: {  	_ =	shalt  }
0x59: {  	_ =	shalt  }
0x5a: {  	_ =	shalt  }
0x5b: {  	_ =	shalt  }
0x5c: {  	_ =	shalt  }
0x5d: {  	_ =	shalt  }
0x5e: {  	_ =	shalt  }
0x5f: {  	_ =	shalt  }
0x60: {  	_ =	shalt  }
0x61: {  	_ =	shalt  }
0x62: {  	_ =	shalt  }
0x63: {  	_ =	shalt  }
0x64: {  	_ =	shalt  }
0x65: {  	_ =	shalt  }
0x66: {  	_ =	shalt  }
0x67: {  	_ =	shalt  }
0x68: {  	_ =	shalt  }
0x69: {  	_ =	shalt  }
0x6a: {  	_ =	shalt  }
0x6b: {  	_ =	shalt  }
0x6c: {  	_ =	shalt  }
0x6d: {  	_ =	shalt  }
0x6e: {  	_ =	shalt  }
0x6f: {  	_ =	shalt  }
0x70: {  	_ =	shalt  }
0x71: {  	_ =	shalt  }
0x72: {  	_ =	shalt  }
0x73: {  	_ =	shalt  }
0x74: {  	_ =	shalt  }
0x75: {  	_ =	shalt  }
0x76: {  	_ =	shalt  }
0x77: {  	_ =	shalt  }
0x78: {  	_ =	shalt  }
0x79: {  	_ =	shalt  }
0x7a: {  	_ =	shalt  }
0x7b: {  	_ =	shalt  }
0x7c: {  	_ =	shalt  }
0x7d: {  	_ =	shalt  }
0x7e: {  	_ =	shalt  }
0x7f: {  	_ =	shalt  }
0x80: {  	_ =	shalt  }
0x81: {  	_ =	shalt  }
0x82: {  	_ =	shalt  }
0x83: {  	_ =	shalt  }
0x84: {  	_ =	shalt  }
0x85: {  	_ =	shalt  }
0x86: {  	_ =	shalt  }
0x87: {  	_ =	shalt  }
.Lfunc_end0:
.L_simem_size_0:
called_computation_lowered:
.L_overlay_start_0:
0x88: {  	s2 =	sld [smem:$0x3FD9]  }
0x89: {  	s3 =	sld [smem:$0x3FFE];
	_ =	sdelay $0x1  }
0x8a: {  	s1 =	srdreg.scid  }
0x8b: {  	s0 =	sand.u32 $0x1, s1  }
0x8c: {  	s17 =	sshll.u32 s0, $0xA;
	s2 =	sadd.s32 s3, s2  }
0x8d: {  	s2 =	sadd.s32 s2, s17  }
0x8e: {  	[smem:$0x3FC5] =	sst s2  }
0x8f: {  	_ = 	snop  }
0x90: {  	s2 =	sld [smem:$0x3FC8]  }
0x91: {  	s18 =	sld [smem:$0x3FC7]  }
0x92: {  	s4 =	sld [smem:$0x3FD0];
	(tm) =	ssettm $0x1  }
0x93: {  	s5 =	sld [smem:$0x3FFB];
	_ =	sdelay $0x3  }
0x94: {  	_ =	strace s5  }
0x95: {  	s5 =	sld [smem:$0x3FFC];
	_ =	sdelay $0x3  }
0x96: {  	_ =	strace s5  }
0x97: {  	s5 =	sld [smem:$0x3FFD];
	_ =	sdelay $0x3  }
0x98: {  	_ =	strace s5  }
0x99: {  	_ =	strace $0x8FFFFFFF  }
0x9a: {  	s19 =	sld [smem:$0x3FDB];
	_ =	sdelay $0x1  }
0x9b: {  	s6 =	simm.s32 $_scs_section_size  }
0x9c: {  	s7 =	simm.s32 $_size__tile_overlayer_lowered;
	s8 =	simm.s32 $_tile_overlayer_lowered  }
0x9d: {  	s22 =	simm.s32 $0x1BFF;
	s21 =	sshll.u32 s8, $0x1;
	s5 =	sadd.s32 s6, s19  }
0x9e: {  	s9 =	simm.s32 $0x0;
	s20 =	sshll.u32 s7, $0x1;
	s7 =	sadd.s32 s21, s5  }
0x9f: {  	[timem:s9], [sflag:s22] =	dma.local [hbm:s7], s20  }
0xa0: {  	_ =	swait.ge [sflag:s22], s20  }
0xa1: {  	s6 =	ssub.s32 $0x0, s20;
	[sflag:s22] =	ssyncset.done $0x0  }
0xa2: {  	[sflag:s22] =	ssyncadd.s32 s6;
	_ =	sdelay $0x1  }
0xa3: {  	s23 =	simm.s32 $0x1B8B  }
0xa4: {  	_ =	swait.ge [sflag:s23], $0x1  }
0xa5: {  	[sflag:s23] =	ssyncset.done $0x0  }
0xa6: {  	s25 =	simm.s32 $0x1B8E;
	s24 =	sld [smem:$0x3FFE];
	[sflag:s23] =	ssyncadd.s32 $0xFFFFFFFF  }
0xa7: {  	s26 =	simm.s32 $execute0_lowered;
	[smem:$0x3FD2] =	sst s25  }
0xa8: {  	s7 =	sshll.u32 s26, $0x1;
	_ =	strace $0x80000046;
	[dreg:$0x1] =	wrdreg $0xFFFFFFFF  }
0xa9: {  	s28 =	simm.s32 $_size_execute0_lowered;
	s5 =	sadd.s32 s5, s7;
	[dreg:$0x0] =	wrdreg $0x0  }
0xaa: {  	s7 =	sshll.u32 s28, $0x1;
	[dreg:$0x2] =	wrdreg s5  }
0xab: {  	[dreg:$0x3] =	wrdreg s7  }
0xac: {  	[dreg:$0x4] =	wrdreg $0xC0  }
0xad: {  	_ =	task [dreg:s9], $0x5FFFF  }
0xae: {  	[dreg:$0x1] =	wrdreg $0xFFFFFFFF  }
0xaf: {  	[dreg:$0x0] =	wrdreg $0x60  }
0xb0: {  	[dreg:$0x2] =	wrdreg s24  }
0xb1: {  	[dreg:$0x3] =	wrdreg s2  }
0xb2: {  	[dreg:$0x4] =	wrdreg s18  }
0xb3: {  	[dreg:$0x5] =	wrdreg s4  }
0xb4: {  	[dreg:$0x6] =	wrdreg $0x9  }
0xb5: {  	_ =	task.clear_ibuf [dreg:s9], $0x7FFFF;
	_ =	strace $0x90000046  }
0xb6: {  	s29 =	simm.s32 $0x9;
	_ =	strace $0x80000048  }
0xb7: {  	_ =	swait.ge [sflag:s29], $0x1  }
0xb8: {  	[sflag:s29] =	ssyncadd.s32 $0xFFFFFFFF  }
0xb9: {  	_ =	strace $0x90000048  }
0xba: {  	_ =	sfence  }
0xbb: {  	s30 =	sld [smem:$0x0];
	_ =	sdelay $0x2  }
0xbc: {  	s31 =	sshll.u32 s1, $0xD;
	s1 =	sshrl.u32 s1, $0x2  }
0xbd: {  	s3 =	sand.u32 $0x4000, s31;
	s1 =	sadd.s32 s1, s30  }
0xbe: {  	s0 =	sor.u32 s3, s0;
	s1 =	sshll.u32 s1, $0x11  }
0xbf: {  	s0 =	sor.u32 s1, s0  }
0xc0: {  	s0 =	sadd.s32 $0x8F2B, s0  }
0xc1: {  	[sflag:s0] =	ssyncadd.remote.s32 $0x1  }
0xc2: {  	_ =	sfence.sel $0xFFFF  }
0xc3: {  	[dreg:$0x0] =	wrdreg $0xFFFFFFFF;
	(pc) =	sbr.abs _section_cstart, $3  }
0xc4: {  	[dreg:$0x1] =	wrdreg $0xFFFFFFFF  }
0xc5: {  	_ =	task.clear_ibuf [dreg:s9], $0x2FFFF;
	_ =	strace $0x9FFFFFFF  }
0xc6: {  	(tm) =	ssettm $0x7FFFFFFF  }
0xc7: {  	_ =	shalt  }
tec
execute0_lowered:
.L_overlay_start_1:
0x0: {  	(tag) =	ssettag $0x1  }
0x1: {  	s0 =	rddreg [dreg:$0x0]  }
0x2: {  	s1 =	rddreg [dreg:$0x1]  }
0x3: {  	s4 =	rddreg [dreg:$0x3]  }
0x4: {  	s2 =	srdreg.scid;
	s5 =	simm.s32 $0x0;
	s6 =	stileid.u32  }
0x5: {  	s23 =	simm.s32 $0x3500;
	s29 =	simm.s32 $0x9A00;
	s30 =	simm.s32 $0x5  }
0x6: {  	s31 =	simm.s32 $0x3;
	s20 =	simm.s32 $0x16200;
	s21 =	simm.s32 $0x7  }
0x7: {  	s10 =	simm.s32 $0x8;
	s11 =	simm.s32 $0xB;
	s16 =	simm.s32 $0x0  }
0x8: {  	s2 =	sand.u32 $0x1, s2;
	[smem:$0x7FF] =	sst s5;
	s6 =	sshll.u32 s6, $0x1  }
0x9: {  	s3 =	ssub.s32 $0x2, s2;
	_ =	strace $0x80000047;
	s2 =	sor.u32 s2, s6  }
0xa: {  	s6 =	sadd.s32 $0x400, s0;
	s7 =	sshrl.u32 s3, $0x1;
	s25 =	sshll.u32 s2, $0xC  }
0xb: {  	s8 =	sshll.u32 s2, $0x7;
	s24 =	ssub.s32 s3, s7;
	s26 =	sadd.s32 s6, s25  }
0xc: {  	s7 =	smul.u32 $0x6400, s2;
	s3 =	sadd.s32 $0x10, s26;
	[dreg:$0x5] =	wrdreg s26  }
0xd: {  	s25 =	simm.s32 $0xC8;
	s28 =	sadd.s32 $0x20, s26;
	[dreg:$0x6] =	wrdreg s3  }
0xe: {  	s2 =	sadd.s32 $0x30, s26;
	s0 =	smax.u32 s24, $0x1;
	[dreg:$0x7] =	wrdreg s28  }
0xf: {  	s26 =	simm.s32 $0x3600;
	[dreg:$0x8] =	wrdreg s2;
	s13 =	sor.u32 $0xC8, s7  }
0x10: {  	s14 =	sor.u32 $0x190, s7;
	s15 =	sor.u32 $0x258, s7;
	[dreg:$0x9] =	wrdreg s0  }
0x11: {  	s0 =	simm.s32 $0xFE00;
	s3 =	simm.s32 $0x6;
	s2 =	simm.s32 $0x4  }
.LBB2_1:
0x12: {  	[dreg:$0xa] =	wrdreg s16  }
0x13: {  	s9 =	rddreg [dreg:$0x2];
	s19 =	simm.s32 $0xD  }
0x14: {  	[tilespmem:s5], [sflag:$0xD] =	stream.linear.gather [hbm4b:s9+s5], $0x3200, $0x38;
	[tilespmem:$0x1C600] =	vst v63  }
0x15: {  	_ =	swait.ge [sflag:s19], $0x3200  }
0x16: {  	s12 =	simm.s32 $0x80;
	s16 =	simm.s32 $0x400;
	[sflag:s19] =	ssyncset.done $0x0  }
0x17: {  	s17 =	simm.s32 $0x3200;
	s22 =	rddreg [dreg:$0x5];
	[sflag:s19] =	ssyncadd.s32 $0xFFFFCE00  }
0x18: {  	[tilespmem:s17], [sflag:$0x1] =	stream.strided.gather [hbm4b:s22+s12], $0x100, s16, s12, $0x38;
	[tilespmem:$0x1C600] =	vst v63  }
0x19: {  	s18 =	simm.s32 $0x3300;
	s24 =	rddreg [dreg:$0x6]  }
0x1a: {  	[tilespmem:s18], [sflag:$0x2] =	stream.strided.gather [hbm4b:s24+s12], $0x100, s16, s12, $0x38;
	[tilespmem:$0x1C600] =	vst v63  }
0x1b: {  	s28 =	rddreg [dreg:$0x7];
	s19 =	simm.s32 $0x3400  }
0x1c: {  	[tilespmem:s19], [sflag:$0x3] =	stream.strided.gather [hbm4b:s28+s12], $0x100, s16, s12, $0x38;
	[tilespmem:$0x1C600] =	vst v63  }
0x1d: {  	s22 =	rddreg [dreg:$0x8];
	s24 =	simm.s32 $0x1  }
0x1e: {  	[tilespmem:s23], [sflag:$0x4] =	stream.strided.gather [hbm4b:s22+s12], $0x100, s16, s12, $0x38;
	[tilespmem:$0x1C600] =	vst v63  }
0x1f: {  	_ =	swait.ge [sflag:s24], $0x100  }
0x20: {  	[sflag:s24] =	ssyncset.done $0x0  }
0x21: {  	s28 =	simm.s32 $0x2;
	[sflag:s24] =	ssyncadd.s32 $0xFFFFFF00  }
0x22: {  	[tilespmem:s26], [sflag:$0x5] =	stream.indirect.gather [hbm4b:s1+s25], $0x80, s17, s25, $0xb8;
	[tilespmem:$0x1C600] =	vst v63  }
0x23: {  	_ =	swait.ge [sflag:s28], $0x100  }
0x24: {  	[sflag:s28] =	ssyncset.done $0x0  }
0x25: {  	s9 =	simm.s32 $0x0;
	[sflag:s28] =	ssyncadd.s32 $0xFFFFFF00  }
0x26: {  	[tilespmem:s29], [sflag:$0x6] =	stream.indirect.gather [hbm4b:s1+s25], $0x80, s18, s25, $0xb8;
	[tilespmem:$0x1C600] =	vst v63  }
.LBB2_2:
0x27: {  	p0 =	seq.s32 s9, $0x1F  }
0x28: {  	s17 =	sshll.u32 s9, $0x2;
	_ =	swait.ge [sflag:s30], $0x6400;
	p1 =	seq.s32 @!p0 s9, $0x0  }
0x29: {  	s12 =	sadd.s32 @!p0 $0x4, s17;
	[sflag:s30] =	ssyncset.done $0x0;
	p1 =	por p0, !p1  }
.Ltmp0:
0x2a: {  	s18 =	sadd.s32 @!p0 s8, s12;
	s12 =	sshll.u32 @!p0 s12, $0x4;
	(pc) =	sbr.rel @!p1 .LBB2_3-.Ltmp0, $4  }
0x2b: {  	s19 =	simm.s32 @!p0 $0x400;
	s18 =	sshll.u32 @!p0 s18, $0x5;
	s12 =	sand.u32 @!p0 $0x40, s12  }
0x2c: {  	s24 =	simm.s32 @!p0 $0x3200;
	s18 =	sand.u32 @!p0 $0xFFFFF00, s18;
	s12 =	sadd.s32 @!p0 s6, s12  }
0x2d: {  	[sflag:s30] =	ssyncadd.s32 $0xFFFF9C00;
	s12 =	sadd.s32 @!p0 s18, s12;
	s18 =	simm.s32 @!p0 $0x80  }
0x2e: {  	[tilespmem:s24], [sflag:$0x1] =	stream.strided.gather @!p0 [hbm4b:s12+s18], $0x100, s19, s18, $0x38;
	[tilespmem:$0x1C600] =	vst v63  }
.Ltmp1:
0x2f: {  	(pc) =	sbr.rel .LBB2_5-.Ltmp1, $4  }
0x30: {  	_ = 	snop  }
0x31: {  	_ =	swait.ge [sflag:s11], $0x6400  }
0x32: {  	[sflag:s11] =	ssyncset.done $0x0  }
0x33: {  	p1 =	por $0x0, $0x0;
	[sflag:s11] =	ssyncadd.s32 $0xFFFF9C00  }
.LBB2_3:
0x34: {  	p1 =	por @!p0 $0x1, $0x1  }
.LBB2_5:
0x35: {  	_ =	swait.ge [sflag:s31], $0x100  }
0x36: {  	[sflag:s31] =	ssyncset.done $0x0  }
0x37: {  	s12 =	simm.s32 $0x3400;
	[sflag:s31] =	ssyncadd.s32 $0xFFFFFF00  }
0x38: {  	[tilespmem:s0], [sflag:$0x7] =	stream.indirect.gather [hbm4b:s1+s25], $0x80, s12, s25, $0xb8;
	[tilespmem:$0x1C600] =	vst v63  }
0x39: {  	s12 =	simm.s32 $0x100  }
0x3a: {  	v0 =	vld [tilespmem:s12+$0xFFFFFF00];
	_ =	sdelay $0x3  }
0x3b: {  	s24 =	simm.s32 $0x39B0  }
0x3c: {  	[tilespmem:s24+$0xFFFFFC50] =	vst.add.f32.msk $0xffff, v0  }
0x3d: {  	v0 =	vld [tilespmem:s12+$0xFFFFFF10];
	_ =	sdelay $0x4  }
0x3e: {  	[tilespmem:s24+$0xFFFFFC60] =	vst.add.f32.msk $0xffff, v0  }
0x3f: {  	v0 =	vld [tilespmem:s12+$0xFFFFFF20];
	_ =	sdelay $0x4  }
0x40: {  	[tilespmem:s24+$0xFFFFFC70] =	vst.add.f32.msk $0xffff, v0  }
0x41: {  	v0 =	vld [tilespmem:s12+$0xFFFFFF30];
	_ =	sdelay $0x4  }
0x42: {  	[tilespmem:s24+$0xFFFFFC80] =	vst.add.f32.msk $0xffff, v0  }
0x43: {  	v0 =	vld [tilespmem:s12+$0xFFFFFF40];
	_ =	sdelay $0x3  }
0x44: {  	s18 =	simm.s32 $0x40  }
0x45: {  	s19 =	sor.u32 $0x50, s18;
	[tilespmem:s24+$0xFFFFFCD0] =	vst.add.f32.msk $0xffff, v0  }
0x46: {  	v0 =	vld [tilespmem:s19+$0x0];
	_ =	sdelay $0x4  }
0x47: {  	s16 =	sor.u32 $0x60, s18;
	[tilespmem:s24+$0xFFFFFCE0] =	vst.add.f32.msk $0xffff, v0  }
0x48: {  	v0 =	vld [tilespmem:s16+$0x0];
	_ =	sdelay $0x4  }
0x49: {  	s18 =	sor.u32 $0x70, s18;
	[tilespmem:s24+$0xFFFFFCF0] =	vst.add.f32.msk $0xffff, v0  }
0x4a: {  	v0 =	vld [tilespmem:s18+$0x0];
	_ =	sdelay $0x4  }
0x4b: {  	[tilespmem:s24+$0xFFFFFD00] =	vst.add.f32.msk $0xffff, v0  }
0x4c: {  	v0 =	vld [tilespmem:s12+$0xFFFFFF80];
	_ =	sdelay $0x4  }
0x4d: {  	[tilespmem:s24+$0xFFFFFD50] =	vst.add.f32.msk $0xffff, v0  }
0x4e: {  	v0 =	vld [tilespmem:s12+$0xFFFFFF90];
	_ =	sdelay $0x4  }
0x4f: {  	[tilespmem:s24+$0xFFFFFD60] =	vst.add.f32.msk $0xffff, v0  }
0x50: {  	v0 =	vld [tilespmem:s12+$0xFFFFFFA0];
	_ =	sdelay $0x4  }
0x51: {  	[tilespmem:s24+$0xFFFFFD70] =	vst.add.f32.msk $0xffff, v0  }
0x52: {  	v0 =	vld [tilespmem:s12+$0xFFFFFFB0];
	_ =	sdelay $0x4  }
0x53: {  	[tilespmem:s24+$0xFFFFFD80] =	vst.add.f32.msk $0xffff, v0  }
0x54: {  	v0 =	vld [tilespmem:s12+$0xFFFFFFC0];
	_ =	sdelay $0x3  }
0x55: {  	s18 =	simm.s32 $0xC0  }
0x56: {  	s22 =	sor.u32 $0x50, s18;
	[tilespmem:s24+$0xFFFFFDD0] =	vst.add.f32.msk $0xffff, v0  }
0x57: {  	v0 =	vld [tilespmem:s22+$0x0];
	_ =	sdelay $0x4  }
0x58: {  	s16 =	sor.u32 $0x60, s18;
	[tilespmem:s24+$0xFFFFFDE0] =	vst.add.f32.msk $0xffff, v0  }
0x59: {  	v0 =	vld [tilespmem:s16+$0x0];
	_ =	sdelay $0x4  }
0x5a: {  	s18 =	sor.u32 $0x70, s18;
	[tilespmem:s24+$0xFFFFFDF0] =	vst.add.f32.msk $0xffff, v0  }
0x5b: {  	v0 =	vld [tilespmem:s18+$0x0];
	_ =	sdelay $0x4  }
0x5c: {  	[tilespmem:s24+$0xFFFFFE00] =	vst.add.f32.msk $0xffff, v0  }
0x5d: {  	v0 =	vld [tilespmem:s12+$0x0];
	_ =	sdelay $0x4  }
0x5e: {  	[tilespmem:s24+$0xFFFFFE50] =	vst.add.f32.msk $0xffff, v0  }
0x5f: {  	v0 =	vld [tilespmem:s12+$0x10];
	_ =	sdelay $0x4  }
0x60: {  	[tilespmem:s24+$0xFFFFFE60] =	vst.add.f32.msk $0xffff, v0  }
0x61: {  	v0 =	vld [tilespmem:s12+$0x20];
	_ =	sdelay $0x4  }
0x62: {  	[tilespmem:s24+$0xFFFFFE70] =	vst.add.f32.msk $0xffff, v0  }
0x63: {  	v0 =	vld [tilespmem:s12+$0x30];
	_ =	sdelay $0x4  }
0x64: {  	[tilespmem:s24+$0xFFFFFE80] =	vst.add.f32.msk $0xffff, v0  }
0x65: {  	v0 =	vld [tilespmem:s12+$0x40];
	_ =	sdelay $0x3  }
0x66: {  	s18 =	simm.s32 $0x140  }
0x67: {  	s22 =	sor.u32 $0x50, s18;
	[tilespmem:s24+$0xFFFFFED0] =	vst.add.f32.msk $0xffff, v0  }
0x68: {  	v0 =	vld [tilespmem:s22+$0x0];
	_ =	sdelay $0x4  }
0x69: {  	s16 =	sor.u32 $0x60, s18;
	[tilespmem:s24+$0xFFFFFEE0] =	vst.add.f32.msk $0xffff, v0  }
0x6a: {  	v0 =	vld [tilespmem:s16+$0x0];
	_ =	sdelay $0x4  }
0x6b: {  	s18 =	sor.u32 $0x70, s18;
	[tilespmem:s24+$0xFFFFFEF0] =	vst.add.f32.msk $0xffff, v0  }
0x6c: {  	v0 =	vld [tilespmem:s18+$0x0];
	_ =	sdelay $0x4  }
0x6d: {  	[tilespmem:s24+$0xFFFFFF00] =	vst.add.f32.msk $0xffff, v0  }
0x6e: {  	v0 =	vld [tilespmem:s12+$0x80];
	_ =	sdelay $0x4  }
0x6f: {  	[tilespmem:s24+$0xFFFFFF50] =	vst.add.f32.msk $0xffff, v0  }
0x70: {  	v0 =	vld [tilespmem:s12+$0x90];
	_ =	sdelay $0x4  }
0x71: {  	[tilespmem:s24+$0xFFFFFF60] =	vst.add.f32.msk $0xffff, v0  }
0x72: {  	v0 =	vld [tilespmem:s12+$0xA0];
	_ =	sdelay $0x4  }
0x73: {  	[tilespmem:s24+$0xFFFFFF70] =	vst.add.f32.msk $0xffff, v0  }
0x74: {  	v0 =	vld [tilespmem:s12+$0xB0];
	_ =	sdelay $0x4  }
0x75: {  	[tilespmem:s24+$0xFFFFFF80] =	vst.add.f32.msk $0xffff, v0  }
0x76: {  	v0 =	vld [tilespmem:s12+$0xC0];
	_ =	sdelay $0x3  }
0x77: {  	s28 =	simm.s32 $0x1C0  }
0x78: {  	s18 =	sor.u32 $0x50, s28;
	[tilespmem:s24+$0xFFFFFFD0] =	vst.add.f32.msk $0xffff, v0  }
0x79: {  	v0 =	vld [tilespmem:s18+$0x0];
	_ =	sdelay $0x4  }
0x7a: {  	s19 =	sor.u32 $0x60, s28;
	[tilespmem:s24+$0xFFFFFFE0] =	vst.add.f32.msk $0xffff, v0  }
0x7b: {  	v0 =	vld [tilespmem:s19+$0x0];
	_ =	sdelay $0x4  }
0x7c: {  	s22 =	sor.u32 $0x70, s28;
	[tilespmem:s24+$0xFFFFFFF0] =	vst.add.f32.msk $0xffff, v0  }
0x7d: {  	v0 =	vld [tilespmem:s22+$0x0];
	_ =	sdelay $0x4  }
0x7e: {  	s12 =	simm.s32 $0x0;
	s18 =	simm.s32 $0x300;
	[tilespmem:s24+$0x0] =	vst.add.f32.msk $0xffff, v0  }
.LBB2_6:
0x7f: {  	v0 =	vld [tilespmem:s18+$0xFFFFFF00];
	s12 =	sadd.s32 $0x8, s12  }
0x80: {  	p2 =	slt.u32 s12, $0xC0;
	_ =	sdelay $0x2  }
0x81: {  	s24 =	sadd.s32 $0x400, s24  }
0x82: {  	[tilespmem:s24+$0xFFFFFC50] =	vst.add.f32.msk $0xffff, v0  }
0x83: {  	v0 =	vld [tilespmem:s18+$0xFFFFFF10];
	_ =	sdelay $0x4  }
0x84: {  	[tilespmem:s24+$0xFFFFFC60] =	vst.add.f32.msk $0xffff, v0  }
0x85: {  	v0 =	vld [tilespmem:s18+$0xFFFFFF20];
	_ =	sdelay $0x4  }
0x86: {  	[tilespmem:s24+$0xFFFFFC70] =	vst.add.f32.msk $0xffff, v0  }
0x87: {  	v0 =	vld [tilespmem:s18+$0xFFFFFF30];
	_ =	sdelay $0x4  }
0x88: {  	[tilespmem:s24+$0xFFFFFC80] =	vst.add.f32.msk $0xffff, v0  }
0x89: {  	v0 =	vld [tilespmem:s18+$0xFFFFFF40];
	_ =	sdelay $0x2  }
0x8a: {  	s28 =	sadd.s32 $0x200, s28  }
0x8b: {  	s19 =	sadd.s32 $0xFFFFFE80, s28  }
0x8c: {  	s16 =	sor.u32 $0x50, s19;
	[tilespmem:s24+$0xFFFFFCD0] =	vst.add.f32.msk $0xffff, v0  }
0x8d: {  	v0 =	vld [tilespmem:s16+$0x0];
	_ =	sdelay $0x4  }
0x8e: {  	s16 =	sor.u32 $0x60, s19;
	[tilespmem:s24+$0xFFFFFCE0] =	vst.add.f32.msk $0xffff, v0  }
0x8f: {  	v0 =	vld [tilespmem:s16+$0x0];
	_ =	sdelay $0x4  }
0x90: {  	s16 =	sor.u32 $0x70, s19;
	[tilespmem:s24+$0xFFFFFCF0] =	vst.add.f32.msk $0xffff, v0  }
0x91: {  	v0 =	vld [tilespmem:s16+$0x0];
	_ =	sdelay $0x4  }
0x92: {  	[tilespmem:s24+$0xFFFFFD00] =	vst.add.f32.msk $0xffff, v0  }
0x93: {  	v0 =	vld [tilespmem:s18+$0xFFFFFF80];
	_ =	sdelay $0x4  }
0x94: {  	[tilespmem:s24+$0xFFFFFD50] =	vst.add.f32.msk $0xffff, v0  }
0x95: {  	v0 =	vld [tilespmem:s18+$0xFFFFFF90];
	_ =	sdelay $0x4  }
0x96: {  	[tilespmem:s24+$0xFFFFFD60] =	vst.add.f32.msk $0xffff, v0  }
0x97: {  	v0 =	vld [tilespmem:s18+$0xFFFFFFA0];
	_ =	sdelay $0x4  }
0x98: {  	[tilespmem:s24+$0xFFFFFD70] =	vst.add.f32.msk $0xffff, v0  }
0x99: {  	v0 =	vld [tilespmem:s18+$0xFFFFFFB0];
	_ =	sdelay $0x4  }
0x9a: {  	[tilespmem:s24+$0xFFFFFD80] =	vst.add.f32.msk $0xffff, v0  }
0x9b: {  	v0 =	vld [tilespmem:s18+$0xFFFFFFC0];
	_ =	sdelay $0x3  }
0x9c: {  	s16 =	sadd.s32 $0xFFFFFF00, s28  }
0x9d: {  	s19 =	sor.u32 $0x50, s16;
	[tilespmem:s24+$0xFFFFFDD0] =	vst.add.f32.msk $0xffff, v0  }
0x9e: {  	v0 =	vld [tilespmem:s19+$0x0];
	_ =	sdelay $0x4  }
0x9f: {  	s19 =	sor.u32 $0x60, s16;
	[tilespmem:s24+$0xFFFFFDE0] =	vst.add.f32.msk $0xffff, v0  }
0xa0: {  	v0 =	vld [tilespmem:s19+$0x0];
	_ =	sdelay $0x4  }
0xa1: {  	s16 =	sor.u32 $0x70, s16;
	[tilespmem:s24+$0xFFFFFDF0] =	vst.add.f32.msk $0xffff, v0  }
0xa2: {  	v0 =	vld [tilespmem:s16+$0x0];
	_ =	sdelay $0x4  }
0xa3: {  	[tilespmem:s24+$0xFFFFFE00] =	vst.add.f32.msk $0xffff, v0  }
0xa4: {  	v0 =	vld [tilespmem:s18+$0x0];
	_ =	sdelay $0x4  }
0xa5: {  	[tilespmem:s24+$0xFFFFFE50] =	vst.add.f32.msk $0xffff, v0  }
0xa6: {  	v0 =	vld [tilespmem:s18+$0x10];
	_ =	sdelay $0x4  }
0xa7: {  	[tilespmem:s24+$0xFFFFFE60] =	vst.add.f32.msk $0xffff, v0  }
0xa8: {  	v0 =	vld [tilespmem:s18+$0x20];
	_ =	sdelay $0x4  }
0xa9: {  	[tilespmem:s24+$0xFFFFFE70] =	vst.add.f32.msk $0xffff, v0  }
0xaa: {  	v0 =	vld [tilespmem:s18+$0x30];
	_ =	sdelay $0x4  }
0xab: {  	[tilespmem:s24+$0xFFFFFE80] =	vst.add.f32.msk $0xffff, v0  }
0xac: {  	v0 =	vld [tilespmem:s18+$0x40];
	_ =	sdelay $0x3  }
0xad: {  	s16 =	sadd.s32 $0xFFFFFF80, s28  }
0xae: {  	s19 =	sor.u32 $0x50, s16;
	[tilespmem:s24+$0xFFFFFED0] =	vst.add.f32.msk $0xffff, v0  }
0xaf: {  	v0 =	vld [tilespmem:s19+$0x0];
	_ =	sdelay $0x4  }
0xb0: {  	s19 =	sor.u32 $0x60, s16;
	[tilespmem:s24+$0xFFFFFEE0] =	vst.add.f32.msk $0xffff, v0  }
0xb1: {  	v0 =	vld [tilespmem:s19+$0x0];
	_ =	sdelay $0x4  }
0xb2: {  	s16 =	sor.u32 $0x70, s16;
	[tilespmem:s24+$0xFFFFFEF0] =	vst.add.f32.msk $0xffff, v0  }
0xb3: {  	v0 =	vld [tilespmem:s16+$0x0];
	_ =	sdelay $0x4  }
0xb4: {  	[tilespmem:s24+$0xFFFFFF00] =	vst.add.f32.msk $0xffff, v0  }
0xb5: {  	v0 =	vld [tilespmem:s18+$0x80];
	_ =	sdelay $0x4  }
0xb6: {  	[tilespmem:s24+$0xFFFFFF50] =	vst.add.f32.msk $0xffff, v0  }
0xb7: {  	v0 =	vld [tilespmem:s18+$0x90];
	_ =	sdelay $0x4  }
0xb8: {  	[tilespmem:s24+$0xFFFFFF60] =	vst.add.f32.msk $0xffff, v0  }
0xb9: {  	v0 =	vld [tilespmem:s18+$0xA0];
	_ =	sdelay $0x4  }
0xba: {  	[tilespmem:s24+$0xFFFFFF70] =	vst.add.f32.msk $0xffff, v0  }
0xbb: {  	v0 =	vld [tilespmem:s18+$0xB0];
	_ =	sdelay $0x4  }
0xbc: {  	[tilespmem:s24+$0xFFFFFF80] =	vst.add.f32.msk $0xffff, v0  }
0xbd: {  	v0 =	vld [tilespmem:s18+$0xC0];
	_ =	sdelay $0x4  }
0xbe: {  	s16 =	sor.u32 $0x50, s28;
	[tilespmem:s24+$0xFFFFFFD0] =	vst.add.f32.msk $0xffff, v0  }
0xbf: {  	v0 =	vld [tilespmem:s16+$0x0];
	_ =	sdelay $0x4  }
0xc0: {  	s16 =	sor.u32 $0x60, s28;
	[tilespmem:s24+$0xFFFFFFE0] =	vst.add.f32.msk $0xffff, v0  }
0xc1: {  	v0 =	vld [tilespmem:s16+$0x0];
	_ =	sdelay $0x4  }
0xc2: {  	s16 =	sor.u32 $0x70, s28;
	[tilespmem:s24+$0xFFFFFFF0] =	vst.add.f32.msk $0xffff, v0  }
0xc3: {  	v0 =	vld [tilespmem:s16+$0x0]  }
.Ltmp2:
0xc4: {  	(pc) =	sbr.rel @p2 .LBB2_6-.Ltmp2, $2  }
0xc5: {  	_ =	sdelay $0x2  }
0xc6: {  	s18 =	sadd.s32 $0x200, s18;
	[tilespmem:s24+$0x0] =	vst.add.f32.msk $0xffff, v0  }
0xc7: {  	s24 =	smul.u32 $0x320, s9;
	_ =	sdelay $0x1  }
0xc8: {  	s12 =	sadd.s32 s7, s24  }
0xc9: {  	s12 =	sshll.u32 s12, $0x4  }
0xca: {  	s12 =	sadd.s32 s4, s12  }
0xcb: {  	[hbm4b:s12+s5] =	stream.linear.scatter [tilespmem:s26], [sflag:$0x9], $0x6400, $0x38;
	[tilespmem:$0x1C600] =	vst v63  }
0xcc: {  	s18 =	simm.s32 @!p0 $0x400;
	s12 =	sadd.s32 @!p0 $0x5, s17  }
0xcd: {  	s19 =	simm.s32 @!p0 $0x3300;
	s16 =	sadd.s32 @!p0 s8, s12;
	s12 =	sshll.u32 @!p0 s12, $0x4  }
0xce: {  	_ =	swait.ge [sflag:s3], $0x6400;
	s16 =	sshll.u32 @!p0 s16, $0x5;
	s12 =	sand.u32 @!p0 $0x50, s12  }
0xcf: {  	[sflag:s3] =	ssyncset.done $0x0;
	s16 =	sand.u32 @!p0 $0xFFFFF00, s16;
	s12 =	sadd.s32 @!p0 s6, s12  }
0xd0: {  	[sflag:s3] =	ssyncadd.s32 $0xFFFF9C00;
	s12 =	sadd.s32 @!p0 s16, s12;
	s16 =	simm.s32 @!p0 $0x80  }
0xd1: {  	[tilespmem:s19], [sflag:$0x2] =	stream.strided.gather @!p0 [hbm4b:s12+s16], $0x100, s18, s16, $0x38;
	[tilespmem:$0x1C600] =	vst v63  }
0xd2: {  	s12 =	simm.s32 @!p1 $0xC  }
0xd3: {  	_ =	swait.ge @!p1 [sflag:s12], $0x6400  }
0xd4: {  	[sflag:s12] =	ssyncset.done @!p1 $0x0  }
0xd5: {  	[sflag:s12] =	ssyncadd.s32 @!p1 $0xFFFF9C00  }
0xd6: {  	_ =	swait.ge [sflag:s2], $0x100  }
0xd7: {  	[sflag:s2] =	ssyncset.done $0x0  }
0xd8: {  	s12 =	simm.s32 $0x100;
	[sflag:s2] =	ssyncadd.s32 $0xFFFFFF00  }
0xd9: {  	[tilespmem:s20], [sflag:$0x8] =	stream.indirect.gather [hbm4b:s1+s25], $0x80, s23, s25, $0xb8;
	[tilespmem:$0x1C600] =	vst v63  }
0xda: {  	v0 =	vld [tilespmem:s12+$0xFFFFFF00];
	_ =	sdelay $0x3  }
0xdb: {  	s28 =	simm.s32 $0x9DB0  }
0xdc: {  	[tilespmem:s28+$0xFFFFFC50] =	vst.add.f32.msk $0xffff, v0  }
0xdd: {  	v0 =	vld [tilespmem:s12+$0xFFFFFF10];
	_ =	sdelay $0x4  }
0xde: {  	[tilespmem:s28+$0xFFFFFC60] =	vst.add.f32.msk $0xffff, v0  }
0xdf: {  	v0 =	vld [tilespmem:s12+$0xFFFFFF20];
	_ =	sdelay $0x4  }
0xe0: {  	[tilespmem:s28+$0xFFFFFC70] =	vst.add.f32.msk $0xffff, v0  }
0xe1: {  	v0 =	vld [tilespmem:s12+$0xFFFFFF30];
	_ =	sdelay $0x4  }
0xe2: {  	[tilespmem:s28+$0xFFFFFC80] =	vst.add.f32.msk $0xffff, v0  }
0xe3: {  	v0 =	vld [tilespmem:s12+$0xFFFFFF40];
	_ =	sdelay $0x3  }
0xe4: {  	s16 =	simm.s32 $0x40  }
0xe5: {  	s19 =	sor.u32 $0x50, s16;
	[tilespmem:s28+$0xFFFFFCD0] =	vst.add.f32.msk $0xffff, v0  }
0xe6: {  	v0 =	vld [tilespmem:s19+$0x0];
	_ =	sdelay $0x4  }
0xe7: {  	s22 =	sor.u32 $0x60, s16;
	[tilespmem:s28+$0xFFFFFCE0] =	vst.add.f32.msk $0xffff, v0  }
0xe8: {  	v0 =	vld [tilespmem:s22+$0x0];
	_ =	sdelay $0x4  }
0xe9: {  	s16 =	sor.u32 $0x70, s16;
	[tilespmem:s28+$0xFFFFFCF0] =	vst.add.f32.msk $0xffff, v0  }
0xea: {  	v0 =	vld [tilespmem:s16+$0x0];
	_ =	sdelay $0x4  }
0xeb: {  	[tilespmem:s28+$0xFFFFFD00] =	vst.add.f32.msk $0xffff, v0  }
0xec: {  	v0 =	vld [tilespmem:s12+$0xFFFFFF80];
	_ =	sdelay $0x4  }
0xed: {  	[tilespmem:s28+$0xFFFFFD50] =	vst.add.f32.msk $0xffff, v0  }
0xee: {  	v0 =	vld [tilespmem:s12+$0xFFFFFF90];
	_ =	sdelay $0x4  }
0xef: {  	[tilespmem:s28+$0xFFFFFD60] =	vst.add.f32.msk $0xffff, v0  }
0xf0: {  	v0 =	vld [tilespmem:s12+$0xFFFFFFA0];
	_ =	sdelay $0x4  }
0xf1: {  	[tilespmem:s28+$0xFFFFFD70] =	vst.add.f32.msk $0xffff, v0  }
0xf2: {  	v0 =	vld [tilespmem:s12+$0xFFFFFFB0];
	_ =	sdelay $0x4  }
0xf3: {  	[tilespmem:s28+$0xFFFFFD80] =	vst.add.f32.msk $0xffff, v0  }
0xf4: {  	v0 =	vld [tilespmem:s12+$0xFFFFFFC0];
	_ =	sdelay $0x3  }
0xf5: {  	s16 =	simm.s32 $0xC0  }
0xf6: {  	s19 =	sor.u32 $0x50, s16;
	[tilespmem:s28+$0xFFFFFDD0] =	vst.add.f32.msk $0xffff, v0  }
0xf7: {  	v0 =	vld [tilespmem:s19+$0x0];
	_ =	sdelay $0x4  }
0xf8: {  	s22 =	sor.u32 $0x60, s16;
	[tilespmem:s28+$0xFFFFFDE0] =	vst.add.f32.msk $0xffff, v0  }
0xf9: {  	v0 =	vld [tilespmem:s22+$0x0];
	_ =	sdelay $0x4  }
0xfa: {  	s16 =	sor.u32 $0x70, s16;
	[tilespmem:s28+$0xFFFFFDF0] =	vst.add.f32.msk $0xffff, v0  }
0xfb: {  	v0 =	vld [tilespmem:s16+$0x0];
	_ =	sdelay $0x4  }
0xfc: {  	[tilespmem:s28+$0xFFFFFE00] =	vst.add.f32.msk $0xffff, v0  }
0xfd: {  	v0 =	vld [tilespmem:s12+$0x0];
	_ =	sdelay $0x4  }
0xfe: {  	[tilespmem:s28+$0xFFFFFE50] =	vst.add.f32.msk $0xffff, v0  }
0xff: {  	v0 =	vld [tilespmem:s12+$0x10];
	_ =	sdelay $0x4  }
0x100: {  	[tilespmem:s28+$0xFFFFFE60] =	vst.add.f32.msk $0xffff, v0  }
0x101: {  	v0 =	vld [tilespmem:s12+$0x20];
	_ =	sdelay $0x4  }
0x102: {  	[tilespmem:s28+$0xFFFFFE70] =	vst.add.f32.msk $0xffff, v0  }
0x103: {  	v0 =	vld [tilespmem:s12+$0x30];
	_ =	sdelay $0x4  }
0x104: {  	[tilespmem:s28+$0xFFFFFE80] =	vst.add.f32.msk $0xffff, v0  }
0x105: {  	v0 =	vld [tilespmem:s12+$0x40];
	_ =	sdelay $0x3  }
0x106: {  	s16 =	simm.s32 $0x140  }
0x107: {  	s19 =	sor.u32 $0x50, s16;
	[tilespmem:s28+$0xFFFFFED0] =	vst.add.f32.msk $0xffff, v0  }
0x108: {  	v0 =	vld [tilespmem:s19+$0x0];
	_ =	sdelay $0x4  }
0x109: {  	s22 =	sor.u32 $0x60, s16;
	[tilespmem:s28+$0xFFFFFEE0] =	vst.add.f32.msk $0xffff, v0  }
0x10a: {  	v0 =	vld [tilespmem:s22+$0x0];
	_ =	sdelay $0x4  }
0x10b: {  	s16 =	sor.u32 $0x70, s16;
	[tilespmem:s28+$0xFFFFFEF0] =	vst.add.f32.msk $0xffff, v0  }
0x10c: {  	v0 =	vld [tilespmem:s16+$0x0];
	_ =	sdelay $0x4  }
0x10d: {  	[tilespmem:s28+$0xFFFFFF00] =	vst.add.f32.msk $0xffff, v0  }
0x10e: {  	v0 =	vld [tilespmem:s12+$0x80];
	_ =	sdelay $0x4  }
0x10f: {  	[tilespmem:s28+$0xFFFFFF50] =	vst.add.f32.msk $0xffff, v0  }
0x110: {  	v0 =	vld [tilespmem:s12+$0x90];
	_ =	sdelay $0x4  }
0x111: {  	[tilespmem:s28+$0xFFFFFF60] =	vst.add.f32.msk $0xffff, v0  }
0x112: {  	v0 =	vld [tilespmem:s12+$0xA0];
	_ =	sdelay $0x4  }
0x113: {  	[tilespmem:s28+$0xFFFFFF70] =	vst.add.f32.msk $0xffff, v0  }
0x114: {  	v0 =	vld [tilespmem:s12+$0xB0];
	_ =	sdelay $0x4  }
0x115: {  	[tilespmem:s28+$0xFFFFFF80] =	vst.add.f32.msk $0xffff, v0  }
0x116: {  	v0 =	vld [tilespmem:s12+$0xC0];
	_ =	sdelay $0x3  }
0x117: {  	s12 =	simm.s32 $0x1C0  }
0x118: {  	s18 =	sor.u32 $0x50, s12;
	[tilespmem:s28+$0xFFFFFFD0] =	vst.add.f32.msk $0xffff, v0  }
0x119: {  	v0 =	vld [tilespmem:s18+$0x0];
	_ =	sdelay $0x4  }
0x11a: {  	s19 =	sor.u32 $0x60, s12;
	[tilespmem:s28+$0xFFFFFFE0] =	vst.add.f32.msk $0xffff, v0  }
0x11b: {  	v0 =	vld [tilespmem:s19+$0x0];
	_ =	sdelay $0x4  }
0x11c: {  	s22 =	sor.u32 $0x70, s12;
	[tilespmem:s28+$0xFFFFFFF0] =	vst.add.f32.msk $0xffff, v0  }
0x11d: {  	v0 =	vld [tilespmem:s22+$0x0];
	_ =	sdelay $0x4  }
0x11e: {  	s18 =	simm.s32 $0x0;
	s19 =	simm.s32 $0x300;
	[tilespmem:s28+$0x0] =	vst.add.f32.msk $0xffff, v0  }
.LBB2_8:
0x11f: {  	v0 =	vld [tilespmem:s19+$0xFFFFFF00];
	s18 =	sadd.s32 $0x8, s18  }
0x120: {  	p0 =	slt.u32 s18, $0xC0;
	_ =	sdelay $0x2  }
0x121: {  	s28 =	sadd.s32 $0x400, s28  }
0x122: {  	[tilespmem:s28+$0xFFFFFC50] =	vst.add.f32.msk $0xffff, v0  }
0x123: {  	v0 =	vld [tilespmem:s19+$0xFFFFFF10];
	_ =	sdelay $0x4  }
0x124: {  	[tilespmem:s28+$0xFFFFFC60] =	vst.add.f32.msk $0xffff, v0  }
0x125: {  	v0 =	vld [tilespmem:s19+$0xFFFFFF20];
	_ =	sdelay $0x4  }
0x126: {  	[tilespmem:s28+$0xFFFFFC70] =	vst.add.f32.msk $0xffff, v0  }
0x127: {  	v0 =	vld [tilespmem:s19+$0xFFFFFF30];
	_ =	sdelay $0x4  }
0x128: {  	[tilespmem:s28+$0xFFFFFC80] =	vst.add.f32.msk $0xffff, v0  }
0x129: {  	v0 =	vld [tilespmem:s19+$0xFFFFFF40];
	_ =	sdelay $0x2  }
0x12a: {  	s12 =	sadd.s32 $0x200, s12  }
0x12b: {  	s16 =	sadd.s32 $0xFFFFFE80, s12  }
0x12c: {  	s22 =	sor.u32 $0x50, s16;
	[tilespmem:s28+$0xFFFFFCD0] =	vst.add.f32.msk $0xffff, v0  }
0x12d: {  	v0 =	vld [tilespmem:s22+$0x0];
	_ =	sdelay $0x4  }
0x12e: {  	s22 =	sor.u32 $0x60, s16;
	[tilespmem:s28+$0xFFFFFCE0] =	vst.add.f32.msk $0xffff, v0  }
0x12f: {  	v0 =	vld [tilespmem:s22+$0x0];
	_ =	sdelay $0x4  }
0x130: {  	s16 =	sor.u32 $0x70, s16;
	[tilespmem:s28+$0xFFFFFCF0] =	vst.add.f32.msk $0xffff, v0  }
0x131: {  	v0 =	vld [tilespmem:s16+$0x0];
	_ =	sdelay $0x4  }
0x132: {  	[tilespmem:s28+$0xFFFFFD00] =	vst.add.f32.msk $0xffff, v0  }
0x133: {  	v0 =	vld [tilespmem:s19+$0xFFFFFF80];
	_ =	sdelay $0x4  }
0x134: {  	[tilespmem:s28+$0xFFFFFD50] =	vst.add.f32.msk $0xffff, v0  }
0x135: {  	v0 =	vld [tilespmem:s19+$0xFFFFFF90];
	_ =	sdelay $0x4  }
0x136: {  	[tilespmem:s28+$0xFFFFFD60] =	vst.add.f32.msk $0xffff, v0  }
0x137: {  	v0 =	vld [tilespmem:s19+$0xFFFFFFA0];
	_ =	sdelay $0x4  }
0x138: {  	[tilespmem:s28+$0xFFFFFD70] =	vst.add.f32.msk $0xffff, v0  }
0x139: {  	v0 =	vld [tilespmem:s19+$0xFFFFFFB0];
	_ =	sdelay $0x4  }
0x13a: {  	[tilespmem:s28+$0xFFFFFD80] =	vst.add.f32.msk $0xffff, v0  }
0x13b: {  	v0 =	vld [tilespmem:s19+$0xFFFFFFC0];
	_ =	sdelay $0x3  }
0x13c: {  	s16 =	sadd.s32 $0xFFFFFF00, s12  }
0x13d: {  	s22 =	sor.u32 $0x50, s16;
	[tilespmem:s28+$0xFFFFFDD0] =	vst.add.f32.msk $0xffff, v0  }
0x13e: {  	v0 =	vld [tilespmem:s22+$0x0];
	_ =	sdelay $0x4  }
0x13f: {  	s22 =	sor.u32 $0x60, s16;
	[tilespmem:s28+$0xFFFFFDE0] =	vst.add.f32.msk $0xffff, v0  }
0x140: {  	v0 =	vld [tilespmem:s22+$0x0];
	_ =	sdelay $0x4  }
0x141: {  	s16 =	sor.u32 $0x70, s16;
	[tilespmem:s28+$0xFFFFFDF0] =	vst.add.f32.msk $0xffff, v0  }
0x142: {  	v0 =	vld [tilespmem:s16+$0x0];
	_ =	sdelay $0x4  }
0x143: {  	[tilespmem:s28+$0xFFFFFE00] =	vst.add.f32.msk $0xffff, v0  }
0x144: {  	v0 =	vld [tilespmem:s19+$0x0];
	_ =	sdelay $0x4  }
0x145: {  	[tilespmem:s28+$0xFFFFFE50] =	vst.add.f32.msk $0xffff, v0  }
0x146: {  	v0 =	vld [tilespmem:s19+$0x10];
	_ =	sdelay $0x4  }
0x147: {  	[tilespmem:s28+$0xFFFFFE60] =	vst.add.f32.msk $0xffff, v0  }
0x148: {  	v0 =	vld [tilespmem:s19+$0x20];
	_ =	sdelay $0x4  }
0x149: {  	[tilespmem:s28+$0xFFFFFE70] =	vst.add.f32.msk $0xffff, v0  }
0x14a: {  	v0 =	vld [tilespmem:s19+$0x30];
	_ =	sdelay $0x4  }
0x14b: {  	[tilespmem:s28+$0xFFFFFE80] =	vst.add.f32.msk $0xffff, v0  }
0x14c: {  	v0 =	vld [tilespmem:s19+$0x40];
	_ =	sdelay $0x3  }
0x14d: {  	s16 =	sadd.s32 $0xFFFFFF80, s12  }
0x14e: {  	s22 =	sor.u32 $0x50, s16;
	[tilespmem:s28+$0xFFFFFED0] =	vst.add.f32.msk $0xffff, v0  }
0x14f: {  	v0 =	vld [tilespmem:s22+$0x0];
	_ =	sdelay $0x4  }
0x150: {  	s22 =	sor.u32 $0x60, s16;
	[tilespmem:s28+$0xFFFFFEE0] =	vst.add.f32.msk $0xffff, v0  }
0x151: {  	v0 =	vld [tilespmem:s22+$0x0];
	_ =	sdelay $0x4  }
0x152: {  	s16 =	sor.u32 $0x70, s16;
	[tilespmem:s28+$0xFFFFFEF0] =	vst.add.f32.msk $0xffff, v0  }
0x153: {  	v0 =	vld [tilespmem:s16+$0x0];
	_ =	sdelay $0x4  }
0x154: {  	[tilespmem:s28+$0xFFFFFF00] =	vst.add.f32.msk $0xffff, v0  }
0x155: {  	v0 =	vld [tilespmem:s19+$0x80];
	_ =	sdelay $0x4  }
0x156: {  	[tilespmem:s28+$0xFFFFFF50] =	vst.add.f32.msk $0xffff, v0  }
0x157: {  	v0 =	vld [tilespmem:s19+$0x90];
	_ =	sdelay $0x4  }
0x158: {  	[tilespmem:s28+$0xFFFFFF60] =	vst.add.f32.msk $0xffff, v0  }
0x159: {  	v0 =	vld [tilespmem:s19+$0xA0];
	_ =	sdelay $0x4  }
0x15a: {  	[tilespmem:s28+$0xFFFFFF70] =	vst.add.f32.msk $0xffff, v0  }
0x15b: {  	v0 =	vld [tilespmem:s19+$0xB0];
	_ =	sdelay $0x4  }
0x15c: {  	[tilespmem:s28+$0xFFFFFF80] =	vst.add.f32.msk $0xffff, v0  }
0x15d: {  	v0 =	vld [tilespmem:s19+$0xC0];
	_ =	sdelay $0x4  }
0x15e: {  	s16 =	sor.u32 $0x50, s12;
	[tilespmem:s28+$0xFFFFFFD0] =	vst.add.f32.msk $0xffff, v0  }
0x15f: {  	v0 =	vld [tilespmem:s16+$0x0];
	_ =	sdelay $0x4  }
0x160: {  	s16 =	sor.u32 $0x60, s12;
	[tilespmem:s28+$0xFFFFFFE0] =	vst.add.f32.msk $0xffff, v0  }
0x161: {  	v0 =	vld [tilespmem:s16+$0x0];
	_ =	sdelay $0x4  }
0x162: {  	s16 =	sor.u32 $0x70, s12;
	[tilespmem:s28+$0xFFFFFFF0] =	vst.add.f32.msk $0xffff, v0  }
0x163: {  	v0 =	vld [tilespmem:s16+$0x0]  }
.Ltmp3:
0x164: {  	(pc) =	sbr.rel @p0 .LBB2_8-.Ltmp3, $2  }
0x165: {  	_ =	sdelay $0x2  }
0x166: {  	s19 =	sadd.s32 $0x200, s19;
	[tilespmem:s28+$0x0] =	vst.add.f32.msk $0xffff, v0  }
0x167: {  	s12 =	sadd.s32 s24, s13  }
0x168: {  	s12 =	sshll.u32 s12, $0x4  }
0x169: {  	p0 =	sne.s32 s9, $0x1F;
	s12 =	sadd.s32 s4, s12  }
0x16a: {  	[hbm4b:s12+s5] =	stream.linear.scatter [tilespmem:s29], [sflag:$0xA], $0x6400, $0x38;
	[tilespmem:$0x1C600] =	vst v63  }
0x16b: {  	s18 =	simm.s32 @p0 $0x400;
	s12 =	sadd.s32 @p0 $0x6, s17  }
0x16c: {  	s19 =	simm.s32 @p0 $0x3400;
	s16 =	sadd.s32 @p0 s8, s12;
	s12 =	sshll.u32 @p0 s12, $0x4  }
0x16d: {  	_ =	swait.ge [sflag:s21], $0x6400;
	s16 =	sshll.u32 @p0 s16, $0x5;
	s12 =	sand.u32 @p0 $0x60, s12  }
0x16e: {  	[sflag:s21] =	ssyncset.done $0x0;
	s16 =	sand.u32 @p0 $0xFFFFF00, s16;
	s12 =	sadd.s32 @p0 s6, s12  }
0x16f: {  	[sflag:s21] =	ssyncadd.s32 $0xFFFF9C00;
	s12 =	sadd.s32 @p0 s16, s12;
	s16 =	simm.s32 @p0 $0x80  }
0x170: {  	[tilespmem:s19], [sflag:$0x3] =	stream.strided.gather @p0 [hbm4b:s12+s16], $0x100, s18, s16, $0x38;
	[tilespmem:$0x1C600] =	vst v63  }
0x171: {  	s12 =	simm.s32 @p0 $0x9  }
0x172: {  	_ =	swait.ge @p0 [sflag:s12], $0x6400  }
0x173: {  	[sflag:s12] =	ssyncset.done @p0 $0x0  }
0x174: {  	[sflag:s12] =	ssyncadd.s32 @p0 $0xFFFF9C00;
	s12 =	simm.s32 @p0 $0x1  }
0x175: {  	_ =	swait.ge @p0 [sflag:s12], $0x100  }
0x176: {  	s16 =	simm.s32 @p0 $0x3200;
	[sflag:s12] =	ssyncset.done @p0 $0x0  }
0x177: {  	s18 =	simm.s32 @p0 $0x3600;
	[sflag:s12] =	ssyncadd.s32 @p0 $0xFFFFFF00;
	s12 =	simm.s32 @p0 $0xC8  }
0x178: {  	[tilespmem:s18], [sflag:$0x5] =	stream.indirect.gather @p0 [hbm4b:s1+s12], $0x80, s16, s12, $0xb8;
	[tilespmem:$0x1C600] =	vst v63  }
0x179: {  	s12 =	simm.s32 @!p0 $0x9  }
0x17a: {  	_ =	swait.ge @!p0 [sflag:s12], $0x6400  }
0x17b: {  	[sflag:s12] =	ssyncset.done @!p0 $0x0  }
0x17c: {  	[sflag:s12] =	ssyncadd.s32 @!p0 $0xFFFF9C00;
	s12 =	simm.s32 $0x100  }
0x17d: {  	v0 =	vld [tilespmem:s12+$0xFFFFFF00];
	_ =	sdelay $0x3  }
0x17e: {  	s28 =	simm.s32 $0x101B0  }
0x17f: {  	[tilespmem:s28+$0xFFFFFC50] =	vst.add.f32.msk $0xffff, v0  }
0x180: {  	v0 =	vld [tilespmem:s12+$0xFFFFFF10];
	_ =	sdelay $0x4  }
0x181: {  	[tilespmem:s28+$0xFFFFFC60] =	vst.add.f32.msk $0xffff, v0  }
0x182: {  	v0 =	vld [tilespmem:s12+$0xFFFFFF20];
	_ =	sdelay $0x4  }
0x183: {  	[tilespmem:s28+$0xFFFFFC70] =	vst.add.f32.msk $0xffff, v0  }
0x184: {  	v0 =	vld [tilespmem:s12+$0xFFFFFF30];
	_ =	sdelay $0x4  }
0x185: {  	[tilespmem:s28+$0xFFFFFC80] =	vst.add.f32.msk $0xffff, v0  }
0x186: {  	v0 =	vld [tilespmem:s12+$0xFFFFFF40];
	_ =	sdelay $0x3  }
0x187: {  	s16 =	simm.s32 $0x40  }
0x188: {  	s19 =	sor.u32 $0x50, s16;
	[tilespmem:s28+$0xFFFFFCD0] =	vst.add.f32.msk $0xffff, v0  }
0x189: {  	v0 =	vld [tilespmem:s19+$0x0];
	_ =	sdelay $0x4  }
0x18a: {  	s22 =	sor.u32 $0x60, s16;
	[tilespmem:s28+$0xFFFFFCE0] =	vst.add.f32.msk $0xffff, v0  }
0x18b: {  	v0 =	vld [tilespmem:s22+$0x0];
	_ =	sdelay $0x4  }
0x18c: {  	s16 =	sor.u32 $0x70, s16;
	[tilespmem:s28+$0xFFFFFCF0] =	vst.add.f32.msk $0xffff, v0  }
0x18d: {  	v0 =	vld [tilespmem:s16+$0x0];
	_ =	sdelay $0x4  }
0x18e: {  	[tilespmem:s28+$0xFFFFFD00] =	vst.add.f32.msk $0xffff, v0  }
0x18f: {  	v0 =	vld [tilespmem:s12+$0xFFFFFF80];
	_ =	sdelay $0x4  }
0x190: {  	[tilespmem:s28+$0xFFFFFD50] =	vst.add.f32.msk $0xffff, v0  }
0x191: {  	v0 =	vld [tilespmem:s12+$0xFFFFFF90];
	_ =	sdelay $0x4  }
0x192: {  	[tilespmem:s28+$0xFFFFFD60] =	vst.add.f32.msk $0xffff, v0  }
0x193: {  	v0 =	vld [tilespmem:s12+$0xFFFFFFA0];
	_ =	sdelay $0x4  }
0x194: {  	[tilespmem:s28+$0xFFFFFD70] =	vst.add.f32.msk $0xffff, v0  }
0x195: {  	v0 =	vld [tilespmem:s12+$0xFFFFFFB0];
	_ =	sdelay $0x4  }
0x196: {  	[tilespmem:s28+$0xFFFFFD80] =	vst.add.f32.msk $0xffff, v0  }
0x197: {  	v0 =	vld [tilespmem:s12+$0xFFFFFFC0];
	_ =	sdelay $0x3  }
0x198: {  	s16 =	simm.s32 $0xC0  }
0x199: {  	s19 =	sor.u32 $0x50, s16;
	[tilespmem:s28+$0xFFFFFDD0] =	vst.add.f32.msk $0xffff, v0  }
0x19a: {  	v0 =	vld [tilespmem:s19+$0x0];
	_ =	sdelay $0x4  }
0x19b: {  	s22 =	sor.u32 $0x60, s16;
	[tilespmem:s28+$0xFFFFFDE0] =	vst.add.f32.msk $0xffff, v0  }
0x19c: {  	v0 =	vld [tilespmem:s22+$0x0];
	_ =	sdelay $0x4  }
0x19d: {  	s16 =	sor.u32 $0x70, s16;
	[tilespmem:s28+$0xFFFFFDF0] =	vst.add.f32.msk $0xffff, v0  }
0x19e: {  	v0 =	vld [tilespmem:s16+$0x0];
	_ =	sdelay $0x4  }
0x19f: {  	[tilespmem:s28+$0xFFFFFE00] =	vst.add.f32.msk $0xffff, v0  }
0x1a0: {  	v0 =	vld [tilespmem:s12+$0x0];
	_ =	sdelay $0x4  }
0x1a1: {  	[tilespmem:s28+$0xFFFFFE50] =	vst.add.f32.msk $0xffff, v0  }
0x1a2: {  	v0 =	vld [tilespmem:s12+$0x10];
	_ =	sdelay $0x4  }
0x1a3: {  	[tilespmem:s28+$0xFFFFFE60] =	vst.add.f32.msk $0xffff, v0  }
0x1a4: {  	v0 =	vld [tilespmem:s12+$0x20];
	_ =	sdelay $0x4  }
0x1a5: {  	[tilespmem:s28+$0xFFFFFE70] =	vst.add.f32.msk $0xffff, v0  }
0x1a6: {  	v0 =	vld [tilespmem:s12+$0x30];
	_ =	sdelay $0x4  }
0x1a7: {  	[tilespmem:s28+$0xFFFFFE80] =	vst.add.f32.msk $0xffff, v0  }
0x1a8: {  	v0 =	vld [tilespmem:s12+$0x40];
	_ =	sdelay $0x3  }
0x1a9: {  	s16 =	simm.s32 $0x140  }
0x1aa: {  	s19 =	sor.u32 $0x50, s16;
	[tilespmem:s28+$0xFFFFFED0] =	vst.add.f32.msk $0xffff, v0  }
0x1ab: {  	v0 =	vld [tilespmem:s19+$0x0];
	_ =	sdelay $0x4  }
0x1ac: {  	s22 =	sor.u32 $0x60, s16;
	[tilespmem:s28+$0xFFFFFEE0] =	vst.add.f32.msk $0xffff, v0  }
0x1ad: {  	v0 =	vld [tilespmem:s22+$0x0];
	_ =	sdelay $0x4  }
0x1ae: {  	s16 =	sor.u32 $0x70, s16;
	[tilespmem:s28+$0xFFFFFEF0] =	vst.add.f32.msk $0xffff, v0  }
0x1af: {  	v0 =	vld [tilespmem:s16+$0x0];
	_ =	sdelay $0x4  }
0x1b0: {  	[tilespmem:s28+$0xFFFFFF00] =	vst.add.f32.msk $0xffff, v0  }
0x1b1: {  	v0 =	vld [tilespmem:s12+$0x80];
	_ =	sdelay $0x4  }
0x1b2: {  	[tilespmem:s28+$0xFFFFFF50] =	vst.add.f32.msk $0xffff, v0  }
0x1b3: {  	v0 =	vld [tilespmem:s12+$0x90];
	_ =	sdelay $0x4  }
0x1b4: {  	[tilespmem:s28+$0xFFFFFF60] =	vst.add.f32.msk $0xffff, v0  }
0x1b5: {  	v0 =	vld [tilespmem:s12+$0xA0];
	_ =	sdelay $0x4  }
0x1b6: {  	[tilespmem:s28+$0xFFFFFF70] =	vst.add.f32.msk $0xffff, v0  }
0x1b7: {  	v0 =	vld [tilespmem:s12+$0xB0];
	_ =	sdelay $0x4  }
0x1b8: {  	[tilespmem:s28+$0xFFFFFF80] =	vst.add.f32.msk $0xffff, v0  }
0x1b9: {  	v0 =	vld [tilespmem:s12+$0xC0];
	_ =	sdelay $0x3  }
0x1ba: {  	s12 =	simm.s32 $0x1C0  }
0x1bb: {  	s18 =	sor.u32 $0x50, s12;
	[tilespmem:s28+$0xFFFFFFD0] =	vst.add.f32.msk $0xffff, v0  }
0x1bc: {  	v0 =	vld [tilespmem:s18+$0x0];
	_ =	sdelay $0x4  }
0x1bd: {  	s19 =	sor.u32 $0x60, s12;
	[tilespmem:s28+$0xFFFFFFE0] =	vst.add.f32.msk $0xffff, v0  }
0x1be: {  	v0 =	vld [tilespmem:s19+$0x0];
	_ =	sdelay $0x4  }
0x1bf: {  	s22 =	sor.u32 $0x70, s12;
	[tilespmem:s28+$0xFFFFFFF0] =	vst.add.f32.msk $0xffff, v0  }
0x1c0: {  	v0 =	vld [tilespmem:s22+$0x0];
	_ =	sdelay $0x4  }
0x1c1: {  	s18 =	simm.s32 $0x0;
	s19 =	simm.s32 $0x300;
	[tilespmem:s28+$0x0] =	vst.add.f32.msk $0xffff, v0  }
.LBB2_10:
0x1c2: {  	v0 =	vld [tilespmem:s19+$0xFFFFFF00];
	s18 =	sadd.s32 $0x8, s18  }
0x1c3: {  	p1 =	slt.u32 s18, $0xC0;
	_ =	sdelay $0x2  }
0x1c4: {  	s28 =	sadd.s32 $0x400, s28  }
0x1c5: {  	[tilespmem:s28+$0xFFFFFC50] =	vst.add.f32.msk $0xffff, v0  }
0x1c6: {  	v0 =	vld [tilespmem:s19+$0xFFFFFF10];
	_ =	sdelay $0x4  }
0x1c7: {  	[tilespmem:s28+$0xFFFFFC60] =	vst.add.f32.msk $0xffff, v0  }
0x1c8: {  	v0 =	vld [tilespmem:s19+$0xFFFFFF20];
	_ =	sdelay $0x4  }
0x1c9: {  	[tilespmem:s28+$0xFFFFFC70] =	vst.add.f32.msk $0xffff, v0  }
0x1ca: {  	v0 =	vld [tilespmem:s19+$0xFFFFFF30];
	_ =	sdelay $0x4  }
0x1cb: {  	[tilespmem:s28+$0xFFFFFC80] =	vst.add.f32.msk $0xffff, v0  }
0x1cc: {  	v0 =	vld [tilespmem:s19+$0xFFFFFF40];
	_ =	sdelay $0x2  }
0x1cd: {  	s12 =	sadd.s32 $0x200, s12  }
0x1ce: {  	s16 =	sadd.s32 $0xFFFFFE80, s12  }
0x1cf: {  	s22 =	sor.u32 $0x50, s16;
	[tilespmem:s28+$0xFFFFFCD0] =	vst.add.f32.msk $0xffff, v0  }
0x1d0: {  	v0 =	vld [tilespmem:s22+$0x0];
	_ =	sdelay $0x4  }
0x1d1: {  	s22 =	sor.u32 $0x60, s16;
	[tilespmem:s28+$0xFFFFFCE0] =	vst.add.f32.msk $0xffff, v0  }
0x1d2: {  	v0 =	vld [tilespmem:s22+$0x0];
	_ =	sdelay $0x4  }
0x1d3: {  	s16 =	sor.u32 $0x70, s16;
	[tilespmem:s28+$0xFFFFFCF0] =	vst.add.f32.msk $0xffff, v0  }
0x1d4: {  	v0 =	vld [tilespmem:s16+$0x0];
	_ =	sdelay $0x4  }
0x1d5: {  	[tilespmem:s28+$0xFFFFFD00] =	vst.add.f32.msk $0xffff, v0  }
0x1d6: {  	v0 =	vld [tilespmem:s19+$0xFFFFFF80];
	_ =	sdelay $0x4  }
0x1d7: {  	[tilespmem:s28+$0xFFFFFD50] =	vst.add.f32.msk $0xffff, v0  }
0x1d8: {  	v0 =	vld [tilespmem:s19+$0xFFFFFF90];
	_ =	sdelay $0x4  }
0x1d9: {  	[tilespmem:s28+$0xFFFFFD60] =	vst.add.f32.msk $0xffff, v0  }
0x1da: {  	v0 =	vld [tilespmem:s19+$0xFFFFFFA0];
	_ =	sdelay $0x4  }
0x1db: {  	[tilespmem:s28+$0xFFFFFD70] =	vst.add.f32.msk $0xffff, v0  }
0x1dc: {  	v0 =	vld [tilespmem:s19+$0xFFFFFFB0];
	_ =	sdelay $0x4  }
0x1dd: {  	[tilespmem:s28+$0xFFFFFD80] =	vst.add.f32.msk $0xffff, v0  }
0x1de: {  	v0 =	vld [tilespmem:s19+$0xFFFFFFC0];
	_ =	sdelay $0x3  }
0x1df: {  	s16 =	sadd.s32 $0xFFFFFF00, s12  }
0x1e0: {  	s22 =	sor.u32 $0x50, s16;
	[tilespmem:s28+$0xFFFFFDD0] =	vst.add.f32.msk $0xffff, v0  }
0x1e1: {  	v0 =	vld [tilespmem:s22+$0x0];
	_ =	sdelay $0x4  }
0x1e2: {  	s22 =	sor.u32 $0x60, s16;
	[tilespmem:s28+$0xFFFFFDE0] =	vst.add.f32.msk $0xffff, v0  }
0x1e3: {  	v0 =	vld [tilespmem:s22+$0x0];
	_ =	sdelay $0x4  }
0x1e4: {  	s16 =	sor.u32 $0x70, s16;
	[tilespmem:s28+$0xFFFFFDF0] =	vst.add.f32.msk $0xffff, v0  }
0x1e5: {  	v0 =	vld [tilespmem:s16+$0x0];
	_ =	sdelay $0x4  }
0x1e6: {  	[tilespmem:s28+$0xFFFFFE00] =	vst.add.f32.msk $0xffff, v0  }
0x1e7: {  	v0 =	vld [tilespmem:s19+$0x0];
	_ =	sdelay $0x4  }
0x1e8: {  	[tilespmem:s28+$0xFFFFFE50] =	vst.add.f32.msk $0xffff, v0  }
0x1e9: {  	v0 =	vld [tilespmem:s19+$0x10];
	_ =	sdelay $0x4  }
0x1ea: {  	[tilespmem:s28+$0xFFFFFE60] =	vst.add.f32.msk $0xffff, v0  }
0x1eb: {  	v0 =	vld [tilespmem:s19+$0x20];
	_ =	sdelay $0x4  }
0x1ec: {  	[tilespmem:s28+$0xFFFFFE70] =	vst.add.f32.msk $0xffff, v0  }
0x1ed: {  	v0 =	vld [tilespmem:s19+$0x30];
	_ =	sdelay $0x4  }
0x1ee: {  	[tilespmem:s28+$0xFFFFFE80] =	vst.add.f32.msk $0xffff, v0  }
0x1ef: {  	v0 =	vld [tilespmem:s19+$0x40];
	_ =	sdelay $0x3  }
0x1f0: {  	s16 =	sadd.s32 $0xFFFFFF80, s12  }
0x1f1: {  	s22 =	sor.u32 $0x50, s16;
	[tilespmem:s28+$0xFFFFFED0] =	vst.add.f32.msk $0xffff, v0  }
0x1f2: {  	v0 =	vld [tilespmem:s22+$0x0];
	_ =	sdelay $0x4  }
0x1f3: {  	s22 =	sor.u32 $0x60, s16;
	[tilespmem:s28+$0xFFFFFEE0] =	vst.add.f32.msk $0xffff, v0  }
0x1f4: {  	v0 =	vld [tilespmem:s22+$0x0];
	_ =	sdelay $0x4  }
0x1f5: {  	s16 =	sor.u32 $0x70, s16;
	[tilespmem:s28+$0xFFFFFEF0] =	vst.add.f32.msk $0xffff, v0  }
0x1f6: {  	v0 =	vld [tilespmem:s16+$0x0];
	_ =	sdelay $0x4  }
0x1f7: {  	[tilespmem:s28+$0xFFFFFF00] =	vst.add.f32.msk $0xffff, v0  }
0x1f8: {  	v0 =	vld [tilespmem:s19+$0x80];
	_ =	sdelay $0x4  }
0x1f9: {  	[tilespmem:s28+$0xFFFFFF50] =	vst.add.f32.msk $0xffff, v0  }
0x1fa: {  	v0 =	vld [tilespmem:s19+$0x90];
	_ =	sdelay $0x4  }
0x1fb: {  	[tilespmem:s28+$0xFFFFFF60] =	vst.add.f32.msk $0xffff, v0  }
0x1fc: {  	v0 =	vld [tilespmem:s19+$0xA0];
	_ =	sdelay $0x4  }
0x1fd: {  	[tilespmem:s28+$0xFFFFFF70] =	vst.add.f32.msk $0xffff, v0  }
0x1fe: {  	v0 =	vld [tilespmem:s19+$0xB0];
	_ =	sdelay $0x4  }
0x1ff: {  	[tilespmem:s28+$0xFFFFFF80] =	vst.add.f32.msk $0xffff, v0  }
0x200: {  	v0 =	vld [tilespmem:s19+$0xC0];
	_ =	sdelay $0x4  }
0x201: {  	s16 =	sor.u32 $0x50, s12;
	[tilespmem:s28+$0xFFFFFFD0] =	vst.add.f32.msk $0xffff, v0  }
0x202: {  	v0 =	vld [tilespmem:s16+$0x0];
	_ =	sdelay $0x4  }
0x203: {  	s16 =	sor.u32 $0x60, s12;
	[tilespmem:s28+$0xFFFFFFE0] =	vst.add.f32.msk $0xffff, v0  }
0x204: {  	v0 =	vld [tilespmem:s16+$0x0];
	_ =	sdelay $0x4  }
0x205: {  	s16 =	sor.u32 $0x70, s12;
	[tilespmem:s28+$0xFFFFFFF0] =	vst.add.f32.msk $0xffff, v0  }
0x206: {  	v0 =	vld [tilespmem:s16+$0x0]  }
.Ltmp4:
0x207: {  	(pc) =	sbr.rel @p1 .LBB2_10-.Ltmp4, $2  }
0x208: {  	_ =	sdelay $0x2  }
0x209: {  	s19 =	sadd.s32 $0x200, s19;
	[tilespmem:s28+$0x0] =	vst.add.f32.msk $0xffff, v0  }
0x20a: {  	s12 =	sadd.s32 s24, s14  }
0x20b: {  	s12 =	sshll.u32 s12, $0x4  }
0x20c: {  	s12 =	sadd.s32 s4, s12  }
0x20d: {  	[hbm4b:s12+s5] =	stream.linear.scatter [tilespmem:s0], [sflag:$0xB], $0x6400, $0x38;
	[tilespmem:$0x1C600] =	vst v63  }
0x20e: {  	s18 =	simm.s32 @p0 $0x3500;
	s12 =	sadd.s32 @p0 $0x7, s17  }
0x20f: {  	s17 =	simm.s32 @p0 $0x400;
	s16 =	sadd.s32 @p0 s8, s12;
	s12 =	sshll.u32 @p0 s12, $0x4  }
0x210: {  	_ =	swait.ge [sflag:s10], $0x6400;
	s16 =	sshll.u32 @p0 s16, $0x5;
	s12 =	sand.u32 @p0 $0x70, s12  }
0x211: {  	[sflag:s10] =	ssyncset.done $0x0;
	s16 =	sand.u32 @p0 $0xFFFFF00, s16;
	s12 =	sadd.s32 @p0 s6, s12  }
0x212: {  	[sflag:s10] =	ssyncadd.s32 $0xFFFF9C00;
	s12 =	sadd.s32 @p0 s16, s12;
	s16 =	simm.s32 @p0 $0x80  }
0x213: {  	[tilespmem:s18], [sflag:$0x4] =	stream.strided.gather @p0 [hbm4b:s12+s16], $0x100, s17, s16, $0x38;
	[tilespmem:$0x1C600] =	vst v63  }
0x214: {  	s12 =	simm.s32 @p0 $0xA  }
0x215: {  	_ =	swait.ge @p0 [sflag:s12], $0x6400  }
0x216: {  	[sflag:s12] =	ssyncset.done @p0 $0x0  }
0x217: {  	[sflag:s12] =	ssyncadd.s32 @p0 $0xFFFF9C00;
	s12 =	simm.s32 @p0 $0x2  }
0x218: {  	_ =	swait.ge @p0 [sflag:s12], $0x100  }
0x219: {  	s16 =	simm.s32 @p0 $0x3300;
	[sflag:s12] =	ssyncset.done @p0 $0x0  }
0x21a: {  	s17 =	simm.s32 @p0 $0x9A00;
	[sflag:s12] =	ssyncadd.s32 @p0 $0xFFFFFF00;
	s12 =	simm.s32 @p0 $0xC8  }
0x21b: {  	[tilespmem:s17], [sflag:$0x6] =	stream.indirect.gather @p0 [hbm4b:s1+s12], $0x80, s16, s12, $0xb8;
	[tilespmem:$0x1C600] =	vst v63  }
0x21c: {  	s12 =	simm.s32 @!p0 $0xA  }
0x21d: {  	_ =	swait.ge @!p0 [sflag:s12], $0x6400  }
0x21e: {  	[sflag:s12] =	ssyncset.done @!p0 $0x0  }
0x21f: {  	[sflag:s12] =	ssyncadd.s32 @!p0 $0xFFFF9C00;
	s12 =	simm.s32 $0x100  }
0x220: {  	v0 =	vld [tilespmem:s12+$0xFFFFFF00];
	_ =	sdelay $0x3  }
0x221: {  	s17 =	simm.s32 $0x165B0  }
0x222: {  	[tilespmem:s17+$0xFFFFFC50] =	vst.add.f32.msk $0xffff, v0  }
0x223: {  	v0 =	vld [tilespmem:s12+$0xFFFFFF10];
	_ =	sdelay $0x4  }
0x224: {  	[tilespmem:s17+$0xFFFFFC60] =	vst.add.f32.msk $0xffff, v0  }
0x225: {  	v0 =	vld [tilespmem:s12+$0xFFFFFF20];
	_ =	sdelay $0x4  }
0x226: {  	[tilespmem:s17+$0xFFFFFC70] =	vst.add.f32.msk $0xffff, v0  }
0x227: {  	v0 =	vld [tilespmem:s12+$0xFFFFFF30];
	_ =	sdelay $0x4  }
0x228: {  	[tilespmem:s17+$0xFFFFFC80] =	vst.add.f32.msk $0xffff, v0  }
0x229: {  	v0 =	vld [tilespmem:s12+$0xFFFFFF40];
	_ =	sdelay $0x3  }
0x22a: {  	s19 =	simm.s32 $0x40  }
0x22b: {  	s22 =	sor.u32 $0x50, s19;
	[tilespmem:s17+$0xFFFFFCD0] =	vst.add.f32.msk $0xffff, v0  }
0x22c: {  	v0 =	vld [tilespmem:s22+$0x0];
	_ =	sdelay $0x4  }
0x22d: {  	s28 =	sor.u32 $0x60, s19;
	[tilespmem:s17+$0xFFFFFCE0] =	vst.add.f32.msk $0xffff, v0  }
0x22e: {  	v0 =	vld [tilespmem:s28+$0x0];
	_ =	sdelay $0x4  }
0x22f: {  	s16 =	sor.u32 $0x70, s19;
	[tilespmem:s17+$0xFFFFFCF0] =	vst.add.f32.msk $0xffff, v0  }
0x230: {  	v0 =	vld [tilespmem:s16+$0x0];
	_ =	sdelay $0x4  }
0x231: {  	[tilespmem:s17+$0xFFFFFD00] =	vst.add.f32.msk $0xffff, v0  }
0x232: {  	v0 =	vld [tilespmem:s12+$0xFFFFFF80];
	_ =	sdelay $0x4  }
0x233: {  	[tilespmem:s17+$0xFFFFFD50] =	vst.add.f32.msk $0xffff, v0  }
0x234: {  	v0 =	vld [tilespmem:s12+$0xFFFFFF90];
	_ =	sdelay $0x4  }
0x235: {  	[tilespmem:s17+$0xFFFFFD60] =	vst.add.f32.msk $0xffff, v0  }
0x236: {  	v0 =	vld [tilespmem:s12+$0xFFFFFFA0];
	_ =	sdelay $0x4  }
0x237: {  	[tilespmem:s17+$0xFFFFFD70] =	vst.add.f32.msk $0xffff, v0  }
0x238: {  	v0 =	vld [tilespmem:s12+$0xFFFFFFB0];
	_ =	sdelay $0x4  }
0x239: {  	[tilespmem:s17+$0xFFFFFD80] =	vst.add.f32.msk $0xffff, v0  }
0x23a: {  	v0 =	vld [tilespmem:s12+$0xFFFFFFC0];
	_ =	sdelay $0x3  }
0x23b: {  	s19 =	simm.s32 $0xC0  }
0x23c: {  	s22 =	sor.u32 $0x50, s19;
	[tilespmem:s17+$0xFFFFFDD0] =	vst.add.f32.msk $0xffff, v0  }
0x23d: {  	v0 =	vld [tilespmem:s22+$0x0];
	_ =	sdelay $0x4  }
0x23e: {  	s28 =	sor.u32 $0x60, s19;
	[tilespmem:s17+$0xFFFFFDE0] =	vst.add.f32.msk $0xffff, v0  }
0x23f: {  	v0 =	vld [tilespmem:s28+$0x0];
	_ =	sdelay $0x4  }
0x240: {  	s16 =	sor.u32 $0x70, s19;
	[tilespmem:s17+$0xFFFFFDF0] =	vst.add.f32.msk $0xffff, v0  }
0x241: {  	v0 =	vld [tilespmem:s16+$0x0];
	_ =	sdelay $0x4  }
0x242: {  	[tilespmem:s17+$0xFFFFFE00] =	vst.add.f32.msk $0xffff, v0  }
0x243: {  	v0 =	vld [tilespmem:s12+$0x0];
	_ =	sdelay $0x4  }
0x244: {  	[tilespmem:s17+$0xFFFFFE50] =	vst.add.f32.msk $0xffff, v0  }
0x245: {  	v0 =	vld [tilespmem:s12+$0x10];
	_ =	sdelay $0x4  }
0x246: {  	[tilespmem:s17+$0xFFFFFE60] =	vst.add.f32.msk $0xffff, v0  }
0x247: {  	v0 =	vld [tilespmem:s12+$0x20];
	_ =	sdelay $0x4  }
0x248: {  	[tilespmem:s17+$0xFFFFFE70] =	vst.add.f32.msk $0xffff, v0  }
0x249: {  	v0 =	vld [tilespmem:s12+$0x30];
	_ =	sdelay $0x4  }
0x24a: {  	[tilespmem:s17+$0xFFFFFE80] =	vst.add.f32.msk $0xffff, v0  }
0x24b: {  	v0 =	vld [tilespmem:s12+$0x40];
	_ =	sdelay $0x3  }
0x24c: {  	s19 =	simm.s32 $0x140  }
0x24d: {  	s22 =	sor.u32 $0x50, s19;
	[tilespmem:s17+$0xFFFFFED0] =	vst.add.f32.msk $0xffff, v0  }
0x24e: {  	v0 =	vld [tilespmem:s22+$0x0];
	_ =	sdelay $0x4  }
0x24f: {  	s28 =	sor.u32 $0x60, s19;
	[tilespmem:s17+$0xFFFFFEE0] =	vst.add.f32.msk $0xffff, v0  }
0x250: {  	v0 =	vld [tilespmem:s28+$0x0];
	_ =	sdelay $0x4  }
0x251: {  	s16 =	sor.u32 $0x70, s19;
	[tilespmem:s17+$0xFFFFFEF0] =	vst.add.f32.msk $0xffff, v0  }
0x252: {  	v0 =	vld [tilespmem:s16+$0x0];
	_ =	sdelay $0x4  }
0x253: {  	[tilespmem:s17+$0xFFFFFF00] =	vst.add.f32.msk $0xffff, v0  }
0x254: {  	v0 =	vld [tilespmem:s12+$0x80];
	_ =	sdelay $0x4  }
0x255: {  	[tilespmem:s17+$0xFFFFFF50] =	vst.add.f32.msk $0xffff, v0  }
0x256: {  	v0 =	vld [tilespmem:s12+$0x90];
	_ =	sdelay $0x4  }
0x257: {  	[tilespmem:s17+$0xFFFFFF60] =	vst.add.f32.msk $0xffff, v0  }
0x258: {  	v0 =	vld [tilespmem:s12+$0xA0];
	_ =	sdelay $0x4  }
0x259: {  	[tilespmem:s17+$0xFFFFFF70] =	vst.add.f32.msk $0xffff, v0  }
0x25a: {  	v0 =	vld [tilespmem:s12+$0xB0];
	_ =	sdelay $0x4  }
0x25b: {  	[tilespmem:s17+$0xFFFFFF80] =	vst.add.f32.msk $0xffff, v0  }
0x25c: {  	v0 =	vld [tilespmem:s12+$0xC0];
	_ =	sdelay $0x3  }
0x25d: {  	s12 =	simm.s32 $0x1C0  }
0x25e: {  	s19 =	sor.u32 $0x50, s12;
	[tilespmem:s17+$0xFFFFFFD0] =	vst.add.f32.msk $0xffff, v0  }
0x25f: {  	v0 =	vld [tilespmem:s19+$0x0];
	_ =	sdelay $0x4  }
0x260: {  	s22 =	sor.u32 $0x60, s12;
	[tilespmem:s17+$0xFFFFFFE0] =	vst.add.f32.msk $0xffff, v0  }
0x261: {  	v0 =	vld [tilespmem:s22+$0x0];
	_ =	sdelay $0x4  }
0x262: {  	s28 =	sor.u32 $0x70, s12;
	[tilespmem:s17+$0xFFFFFFF0] =	vst.add.f32.msk $0xffff, v0  }
0x263: {  	v0 =	vld [tilespmem:s28+$0x0];
	_ =	sdelay $0x4  }
0x264: {  	s18 =	simm.s32 $0x0;
	s19 =	simm.s32 $0x300;
	[tilespmem:s17+$0x0] =	vst.add.f32.msk $0xffff, v0  }
.LBB2_12:
0x265: {  	v0 =	vld [tilespmem:s19+$0xFFFFFF00];
	s18 =	sadd.s32 $0x8, s18  }
0x266: {  	p0 =	slt.u32 s18, $0xC0;
	_ =	sdelay $0x2  }
0x267: {  	s17 =	sadd.s32 $0x400, s17  }
0x268: {  	[tilespmem:s17+$0xFFFFFC50] =	vst.add.f32.msk $0xffff, v0  }
0x269: {  	v0 =	vld [tilespmem:s19+$0xFFFFFF10];
	_ =	sdelay $0x4  }
0x26a: {  	[tilespmem:s17+$0xFFFFFC60] =	vst.add.f32.msk $0xffff, v0  }
0x26b: {  	v0 =	vld [tilespmem:s19+$0xFFFFFF20];
	_ =	sdelay $0x4  }
0x26c: {  	[tilespmem:s17+$0xFFFFFC70] =	vst.add.f32.msk $0xffff, v0  }
0x26d: {  	v0 =	vld [tilespmem:s19+$0xFFFFFF30];
	_ =	sdelay $0x4  }
0x26e: {  	[tilespmem:s17+$0xFFFFFC80] =	vst.add.f32.msk $0xffff, v0  }
0x26f: {  	v0 =	vld [tilespmem:s19+$0xFFFFFF40];
	_ =	sdelay $0x2  }
0x270: {  	s12 =	sadd.s32 $0x200, s12  }
0x271: {  	s16 =	sadd.s32 $0xFFFFFE80, s12  }
0x272: {  	s22 =	sor.u32 $0x50, s16;
	[tilespmem:s17+$0xFFFFFCD0] =	vst.add.f32.msk $0xffff, v0  }
0x273: {  	v0 =	vld [tilespmem:s22+$0x0];
	_ =	sdelay $0x4  }
0x274: {  	s22 =	sor.u32 $0x60, s16;
	[tilespmem:s17+$0xFFFFFCE0] =	vst.add.f32.msk $0xffff, v0  }
0x275: {  	v0 =	vld [tilespmem:s22+$0x0];
	_ =	sdelay $0x4  }
0x276: {  	s16 =	sor.u32 $0x70, s16;
	[tilespmem:s17+$0xFFFFFCF0] =	vst.add.f32.msk $0xffff, v0  }
0x277: {  	v0 =	vld [tilespmem:s16+$0x0];
	_ =	sdelay $0x4  }
0x278: {  	[tilespmem:s17+$0xFFFFFD00] =	vst.add.f32.msk $0xffff, v0  }
0x279: {  	v0 =	vld [tilespmem:s19+$0xFFFFFF80];
	_ =	sdelay $0x4  }
0x27a: {  	[tilespmem:s17+$0xFFFFFD50] =	vst.add.f32.msk $0xffff, v0  }
0x27b: {  	v0 =	vld [tilespmem:s19+$0xFFFFFF90];
	_ =	sdelay $0x4  }
0x27c: {  	[tilespmem:s17+$0xFFFFFD60] =	vst.add.f32.msk $0xffff, v0  }
0x27d: {  	v0 =	vld [tilespmem:s19+$0xFFFFFFA0];
	_ =	sdelay $0x4  }
0x27e: {  	[tilespmem:s17+$0xFFFFFD70] =	vst.add.f32.msk $0xffff, v0  }
0x27f: {  	v0 =	vld [tilespmem:s19+$0xFFFFFFB0];
	_ =	sdelay $0x4  }
0x280: {  	[tilespmem:s17+$0xFFFFFD80] =	vst.add.f32.msk $0xffff, v0  }
0x281: {  	v0 =	vld [tilespmem:s19+$0xFFFFFFC0];
	_ =	sdelay $0x3  }
0x282: {  	s16 =	sadd.s32 $0xFFFFFF00, s12  }
0x283: {  	s22 =	sor.u32 $0x50, s16;
	[tilespmem:s17+$0xFFFFFDD0] =	vst.add.f32.msk $0xffff, v0  }
0x284: {  	v0 =	vld [tilespmem:s22+$0x0];
	_ =	sdelay $0x4  }
0x285: {  	s22 =	sor.u32 $0x60, s16;
	[tilespmem:s17+$0xFFFFFDE0] =	vst.add.f32.msk $0xffff, v0  }
0x286: {  	v0 =	vld [tilespmem:s22+$0x0];
	_ =	sdelay $0x4  }
0x287: {  	s16 =	sor.u32 $0x70, s16;
	[tilespmem:s17+$0xFFFFFDF0] =	vst.add.f32.msk $0xffff, v0  }
0x288: {  	v0 =	vld [tilespmem:s16+$0x0];
	_ =	sdelay $0x4  }
0x289: {  	[tilespmem:s17+$0xFFFFFE00] =	vst.add.f32.msk $0xffff, v0  }
0x28a: {  	v0 =	vld [tilespmem:s19+$0x0];
	_ =	sdelay $0x4  }
0x28b: {  	[tilespmem:s17+$0xFFFFFE50] =	vst.add.f32.msk $0xffff, v0  }
0x28c: {  	v0 =	vld [tilespmem:s19+$0x10];
	_ =	sdelay $0x4  }
0x28d: {  	[tilespmem:s17+$0xFFFFFE60] =	vst.add.f32.msk $0xffff, v0  }
0x28e: {  	v0 =	vld [tilespmem:s19+$0x20];
	_ =	sdelay $0x4  }
0x28f: {  	[tilespmem:s17+$0xFFFFFE70] =	vst.add.f32.msk $0xffff, v0  }
0x290: {  	v0 =	vld [tilespmem:s19+$0x30];
	_ =	sdelay $0x4  }
0x291: {  	[tilespmem:s17+$0xFFFFFE80] =	vst.add.f32.msk $0xffff, v0  }
0x292: {  	v0 =	vld [tilespmem:s19+$0x40];
	_ =	sdelay $0x3  }
0x293: {  	s16 =	sadd.s32 $0xFFFFFF80, s12  }
0x294: {  	s22 =	sor.u32 $0x50, s16;
	[tilespmem:s17+$0xFFFFFED0] =	vst.add.f32.msk $0xffff, v0  }
0x295: {  	v0 =	vld [tilespmem:s22+$0x0];
	_ =	sdelay $0x4  }
0x296: {  	s22 =	sor.u32 $0x60, s16;
	[tilespmem:s17+$0xFFFFFEE0] =	vst.add.f32.msk $0xffff, v0  }
0x297: {  	v0 =	vld [tilespmem:s22+$0x0];
	_ =	sdelay $0x4  }
0x298: {  	s16 =	sor.u32 $0x70, s16;
	[tilespmem:s17+$0xFFFFFEF0] =	vst.add.f32.msk $0xffff, v0  }
0x299: {  	v0 =	vld [tilespmem:s16+$0x0];
	_ =	sdelay $0x4  }
0x29a: {  	[tilespmem:s17+$0xFFFFFF00] =	vst.add.f32.msk $0xffff, v0  }
0x29b: {  	v0 =	vld [tilespmem:s19+$0x80];
	_ =	sdelay $0x4  }
0x29c: {  	[tilespmem:s17+$0xFFFFFF50] =	vst.add.f32.msk $0xffff, v0  }
0x29d: {  	v0 =	vld [tilespmem:s19+$0x90];
	_ =	sdelay $0x4  }
0x29e: {  	[tilespmem:s17+$0xFFFFFF60] =	vst.add.f32.msk $0xffff, v0  }
0x29f: {  	v0 =	vld [tilespmem:s19+$0xA0];
	_ =	sdelay $0x4  }
0x2a0: {  	[tilespmem:s17+$0xFFFFFF70] =	vst.add.f32.msk $0xffff, v0  }
0x2a1: {  	v0 =	vld [tilespmem:s19+$0xB0];
	_ =	sdelay $0x4  }
0x2a2: {  	[tilespmem:s17+$0xFFFFFF80] =	vst.add.f32.msk $0xffff, v0  }
0x2a3: {  	v0 =	vld [tilespmem:s19+$0xC0];
	_ =	sdelay $0x4  }
0x2a4: {  	s16 =	sor.u32 $0x50, s12;
	[tilespmem:s17+$0xFFFFFFD0] =	vst.add.f32.msk $0xffff, v0  }
0x2a5: {  	v0 =	vld [tilespmem:s16+$0x0];
	_ =	sdelay $0x4  }
0x2a6: {  	s16 =	sor.u32 $0x60, s12;
	[tilespmem:s17+$0xFFFFFFE0] =	vst.add.f32.msk $0xffff, v0  }
0x2a7: {  	v0 =	vld [tilespmem:s16+$0x0];
	_ =	sdelay $0x4  }
0x2a8: {  	s16 =	sor.u32 $0x70, s12;
	[tilespmem:s17+$0xFFFFFFF0] =	vst.add.f32.msk $0xffff, v0  }
0x2a9: {  	v0 =	vld [tilespmem:s16+$0x0]  }
.Ltmp5:
0x2aa: {  	(pc) =	sbr.rel @p0 .LBB2_12-.Ltmp5, $2  }
0x2ab: {  	_ =	sdelay $0x2  }
0x2ac: {  	s19 =	sadd.s32 $0x200, s19;
	[tilespmem:s17+$0x0] =	vst.add.f32.msk $0xffff, v0  }
0x2ad: {  	s9 =	sadd.s32 $0x1, s9  }
0x2ae: {  	p0 =	sne.s32 s9, $0x20  }
.Ltmp6:
0x2af: {  	_ = 	snop;
	(pc) =	sbr.rel @p0 .LBB2_2-.Ltmp6, $4  }
0x2b0: {  	s12 =	sadd.s32 s24, s15  }
0x2b1: {  	s12 =	sshll.u32 s12, $0x4  }
0x2b2: {  	s12 =	sadd.s32 s4, s12  }
0x2b3: {  	[hbm4b:s12+s5] =	stream.linear.scatter [tilespmem:s20], [sflag:$0xC], $0x6400, $0x38;
	[tilespmem:$0x1C600] =	vst v63  }
0x2b4: {  	_ =	swait.ge [sflag:s11], $0x6400  }
0x2b5: {  	[sflag:s11] =	ssyncset.done $0x0  }
0x2b6: {  	s12 =	simm.s32 $0xC;
	[sflag:s11] =	ssyncadd.s32 $0xFFFF9C00  }
0x2b7: {  	_ =	swait.ge [sflag:s12], $0x6400  }
0x2b8: {  	s16 =	rddreg [dreg:$0xa]  }
0x2b9: {  	s9 =	rddreg [dreg:$0x9];
	s16 =	sadd.s32 $0x1, s16  }
0x2ba: {  	p0 =	sne.s32 s16, s9  }
.Ltmp7:
0x2bb: {  	_ = 	snop;
	(pc) =	sbr.rel @p0 .LBB2_1-.Ltmp7, $3  }
0x2bc: {  	_ =	sdelay $0x1  }
0x2bd: {  	[sflag:s12] =	ssyncset.done $0x0  }
0x2be: {  	[sflag:s12] =	ssyncadd.s32 $0xFFFF9C00  }
0x2bf: {  	_ =	sfence.sel $0x180000  }
0x2c0: {  	[bflag:$0x0] =	sbarrier.arrive $0xFFFF  }
0x2c1: {  	_ =	strace $0x90000047  }
0x2c2: {  	s0 =	stileid.u32;
	[bflag:$0x2] =	sbarrier.arrive $0xFFFF  }
0x2c3: {  	p0 =	sne.s32 s0, $0x0;
	s0 =	rddreg [dreg:$0x4]  }
0x2c4: {  	s0 =	sadd.s32 @!p0 $0x100000, s0  }
0x2c5: {  	[sflag:s0] =	ssyncadd.tile.s32 @!p0 $0x1;
	_ =	shalt  }
.Lfunc_end2:
_tile_overlayer_lowered:
.L_overlay_start_2:
0x2c6: {  	(tag) =	ssettag $0x2  }
0x2c7: {  	s0 =	rddreg [dreg:$0x0];
	s2 =	stileid.u32  }
0x2c8: {  	s1 =	rddreg [dreg:$0x1];
	p0 =	sne.s32 s2, $0x0  }
0x2c9: {  	s3 =	rddreg [dreg:$0x2];
	[bflag:$0x3] =	sbarrier.arrive $0xFFFF;
	s2 =	simm.s32 @!p0 $0x1C0D  }
0x2ca: {  	[timem:s3], [sflag:s2] =	dma.local @!p0 [hbm:s0], s1  }
0x2cb: {  	s0 =	simm.s32 @!p0 $0xD  }
0x2cc: {  	_ =	swait.ge @!p0 [sflag:s0], s1  }
0x2cd: {  	s1 =	ssub.s32 @!p0 $0x0, s1;
	[sflag:s0] =	ssyncset.done @!p0 $0x0  }
0x2ce: {  	[sflag:s0] =	ssyncadd.s32 @!p0 s1  }
0x2cf: {  	[bflag:$0x3] =	sbarrier.arrive $0xFFFF  }
0x2d0: {  	_ =	shalt  }

</sc_bundles>
